<compile_context>
chip_gen: v7x
topology: tpu7x:2x2x1
jax: 0.10.2.dev20260603
libtpu: 0.0.44.dev20260713+nightly
codegen_flags: <defaults>
</compile_context>

<pallas_src>
import jax
import jax.numpy as jnp
from jax import lax
from jax.experimental import pallas as pl
from jax.experimental.pallas import tpu as pltpu
from jax.experimental.pallas import tpu_sc as plsc

N_NODES = 10000
N_PAD = 10240
E_EDGES = 320000
E_PAD = 327680
D_FEAT = 128
HF = D_FEAT // 2
N_GRAPHS = 64
N_CLS = 10

NC = 2
NS = 16
NW = NC * NS
EPT = E_PAD // NW
EB = 128
NB = EPT // EB
NB2 = NB // 2
NPT = N_PAD // NS

_sc_mesh = lambda: plsc.VectorSubcoreMesh(
    core_axis_name="c", subcore_axis_name="s", num_cores=NC, num_subcores=NS)


def _deg_body(dst_hbm, out_hbm, dstv, onesv, zbuf, acc):
    c = lax.axis_index("c")
    s = lax.axis_index("s")
    w = c * NS + s
    for i in range(EB // 16):
        onesv[pl.ds(i * 16, 16)] = jnp.ones((16,), jnp.float32)
    for i in range(NPT // 16):
        zbuf[pl.ds(i * 16, 16)] = jnp.zeros((16,), jnp.float32)
    pltpu.sync_copy(zbuf, acc.at[pl.ds(s * NPT, NPT)])
    plsc.subcore_barrier()

    def body(j, carry):
        base = w * EPT + j * EB
        pltpu.sync_copy(dst_hbm.at[pl.ds(base, EB)], dstv)
        pltpu.sync_copy(onesv, acc.at[dstv], add=True)
        return carry

    lax.fori_loop(0, NB, body, 0)
    plsc.subcore_barrier()
    pltpu.sync_copy(acc.at[pl.ds(s * NPT, NPT)],
                    out_hbm.at[pl.ds(c * N_PAD + s * NPT, NPT)])


def _sc_degree(dst_flat):
    k = pl.kernel(
        _deg_body,
        out_type=jax.ShapeDtypeStruct((NC * N_PAD,), jnp.float32),
        mesh=_sc_mesh(),
        scratch_types=[
            pltpu.VMEM((EB,), jnp.int32),
            pltpu.VMEM((EB,), jnp.float32),
            pltpu.VMEM((NPT,), jnp.float32),
            pltpu.VMEM_SHARED((N_PAD,), jnp.float32),
        ],
    )
    return k(dst_flat)


def _conv_body(h_hbm, src_hbm, dst_hbm, out_hbm, srcv, dstv, rows0, rows1,
               acc, gs0, gs1, ss0, ss1):
    c = lax.axis_index("c")
    s = lax.axis_index("s")
    w = c * NS + s

    def zr(i, carry):
        for kk in range(D_FEAT // 16):
            rows0[i, pl.ds(kk * 16, 16)] = jnp.zeros((16,), jnp.float32)
        return carry

    lax.fori_loop(0, EB, zr, 0)

    def zb(i, carry):
        pltpu.sync_copy(rows0, acc.at[pl.ds(s * NPT + i * EB, EB)])
        return carry

    lax.fori_loop(0, NPT // EB, zb, 0)
    plsc.subcore_barrier()

    for phase in range(2):
        base = w * NB + phase * NB2
        pltpu.sync_copy(src_hbm.at[pl.ds(base, NB2)], srcv)
        pltpu.sync_copy(dst_hbm.at[pl.ds(base, NB2)], dstv)
        pltpu.async_copy(h_hbm.at[srcv.at[0]], rows0, gs0)

        def body(i, carry):
            j0 = 2 * i
            j1 = j0 + 1
            pltpu.make_async_copy(h_hbm.at[srcv.at[j0]], rows0, gs0).wait()
            pltpu.async_copy(rows0, acc.at[dstv.at[j0]], ss0, add=True)

            @pl.when(i > 0)
            def _():
                pltpu.make_async_copy(rows1, acc.at[dstv.at[0]], ss1).wait()

            pltpu.async_copy(h_hbm.at[srcv.at[j1]], rows1, gs1)
            pltpu.make_async_copy(h_hbm.at[srcv.at[j1]], rows1, gs1).wait()
            pltpu.async_copy(rows1, acc.at[dstv.at[j1]], ss1, add=True)
            pltpu.make_async_copy(rows0, acc.at[dstv.at[0]], ss0).wait()
            jn = jnp.minimum(j0 + 2, NB2 - 1)
            pltpu.async_copy(h_hbm.at[srcv.at[jn]], rows0, gs0)
            return carry

        lax.fori_loop(0, NB2 // 2, body, 0)
        pltpu.make_async_copy(rows1, acc.at[dstv.at[0]], ss1).wait()
        pltpu.make_async_copy(h_hbm.at[srcv.at[0]], rows0, gs0).wait()

    plsc.subcore_barrier()
    pltpu.sync_copy(acc.at[pl.ds(s * NPT, NPT)],
                    out_hbm.at[pl.ds(c * N_PAD + s * NPT, NPT)])


def _sc_conv(h, src2d, dst2d):
    k = pl.kernel(
        _conv_body,
        out_type=jax.ShapeDtypeStruct((NC * N_PAD, D_FEAT), jnp.float32),
        mesh=_sc_mesh(),
        scratch_types=[
            pltpu.VMEM((NB2, EB), jnp.int32),
            pltpu.VMEM((NB2, EB), jnp.int32),
            pltpu.VMEM((EB, D_FEAT), jnp.float32),
            pltpu.VMEM((EB, D_FEAT), jnp.float32),
            pltpu.VMEM_SHARED((N_PAD, D_FEAT), jnp.float32),
            pltpu.SemaphoreType.DMA,
            pltpu.SemaphoreType.DMA,
            pltpu.SemaphoreType.DMA,
            pltpu.SemaphoreType.DMA,
        ],
    )
    return k(h, src2d, dst2d)


def _row_mask(t):
    rows = lax.broadcasted_iota(jnp.int32, (N_PAD, 1), 0)
    return jnp.where(rows < N_NODES, t, 0.0)


def _bn(t, g, b, eps=1e-5):
    sm = jnp.sum(t, axis=0, keepdims=True)
    sq = jnp.sum(t * t, axis=0, keepdims=True)
    m = sm / N_NODES
    v = sq / N_NODES - m * m
    return (t - m) * lax.rsqrt(v + eps) * g + b


def _tc_pre_body(x_ref, w_ref, b_ref, g_ref, bb_ref, o_ref):
    h = jnp.dot(x_ref[...], w_ref[...], preferred_element_type=jnp.float32)
    h = h + b_ref[...]
    h = _row_mask(h)
    o_ref[...] = _bn(h, g_ref[...], bb_ref[...])


def _tc_pre(x_pad, pre_W, pre_b, g, b):
    return pl.pallas_call(
        _tc_pre_body,
        out_shape=jax.ShapeDtypeStruct((N_PAD, D_FEAT), jnp.float32),
    )(x_pad, pre_W, pre_b.reshape(1, -1), g.reshape(1, -1), b.reshape(1, -1))


def _tc_scale_body(deg_ref, h_ref, w_ref, dinv_ref, hp_ref):
    deg = deg_ref[0:N_PAD, :] + deg_ref[N_PAD:2 * N_PAD, :] + 1.0
    dinv = lax.rsqrt(deg)
    dinv_ref[...] = dinv
    hw = jnp.dot(h_ref[...], w_ref[...], preferred_element_type=jnp.float32)
    hp_ref[...] = dinv * hw


def _tc_scale(deg_parts, h, conv_W):
    return pl.pallas_call(
        _tc_scale_body,
        out_shape=(
            jax.ShapeDtypeStruct((N_PAD, 1), jnp.float32),
            jax.ShapeDtypeStruct((N_PAD, D_FEAT), jnp.float32),
        ),
    )(deg_parts.reshape(2 * N_PAD, 1), h, conv_W)


def _tc_mid_body(acc_ref, hp_ref, dinv_ref, cb_ref, g1_ref, b1_ref, g2_ref,
                 b2_ref, w_ref, hp2_ref):
    acc = acc_ref[0:N_PAD, :] + acc_ref[N_PAD:2 * N_PAD, :]
    t = dinv_ref[...] * (acc + hp_ref[...]) + cb_ref[...]
    t = jnp.maximum(t, 0.0)
    t = _row_mask(t)
    t = _bn(t, g1_ref[...], b1_ref[...])
    t = _row_mask(t)
    t = _bn(t, g2_ref[...], b2_ref[...])
    hw = jnp.dot(t, w_ref[...], preferred_element_type=jnp.float32)
    hp2_ref[...] = dinv_ref[...] * hw


def _tc_mid(acc, hp, dinv, conv_b, g1, b1, g2, b2, next_W):
    return pl.pallas_call(
        _tc_mid_body,
        out_shape=jax.ShapeDtypeStruct((N_PAD, D_FEAT), jnp.float32),
    )(acc, hp, dinv, conv_b.reshape(1, -1), g1.reshape(1, -1),
      b1.reshape(1, -1), g2.reshape(1, -1), b2.reshape(1, -1), next_W)


def _tc_final_body(acc_ref, hp_ref, dinv_ref, cb_ref, g1_ref, b1_ref, g2_ref,
                   b2_ref, batch_ref, pw_ref, pb_ref, y_ref):
    acc = acc_ref[0:N_PAD, :] + acc_ref[N_PAD:2 * N_PAD, :]
    t = dinv_ref[...] * (acc + hp_ref[...]) + cb_ref[...]
    t = jnp.maximum(t, 0.0)
    t = _row_mask(t)
    t = _bn(t, g1_ref[...], b1_ref[...])
    t = _row_mask(t)
    t = _bn(t, g2_ref[...], b2_ref[...])
    gids = lax.broadcasted_iota(jnp.int32, (N_GRAPHS, N_PAD), 0)
    onehot = jnp.where(gids == batch_ref[...], 1.0, 0.0)
    cnt = jnp.sum(onehot, axis=1, keepdims=True)
    pooled = jnp.dot(onehot, t, preferred_element_type=jnp.float32)
    pooled = pooled / jnp.maximum(cnt, 1.0)
    y = jnp.dot(pooled, pw_ref[...], preferred_element_type=jnp.float32)
    y = y + pb_ref[...]
    mx = jnp.max(y, axis=1, keepdims=True)
    e = jnp.exp(y - mx)
    lse = mx + jnp.log(jnp.sum(e, axis=1, keepdims=True))
    y_ref[...] = y - lse


def _tc_final(acc, hp, dinv, conv_b, g1, b1, g2, b2, batch_pad, post_W, post_b):
    return pl.pallas_call(
        _tc_final_body,
        out_shape=jax.ShapeDtypeStruct((N_GRAPHS, N_CLS), jnp.float32),
    )(acc, hp, dinv, conv_b.reshape(1, -1), g1.reshape(1, -1),
      b1.reshape(1, -1), g2.reshape(1, -1), b2.reshape(1, -1),
      batch_pad.reshape(1, N_PAD), post_W, post_b.reshape(1, -1))


@jax.jit
def kernel(x, edge_index, batch, pre_W, pre_b, bn_pre_g, bn_pre_b, conv1_W,
           conv1_b, bn1_g, bn1_b, bnp1_g, bnp1_b, conv2_W, conv2_b, bn2_g,
           bn2_b, bnp2_g, bnp2_b, post_W, post_b):
    x_pad = jnp.zeros((N_PAD, D_FEAT), jnp.float32).at[:N_NODES].set(x)
    pad_e = E_PAD - E_EDGES
    src_flat = jnp.concatenate([edge_index[0],
                                jnp.zeros((pad_e,), jnp.int32)])
    dst_flat = jnp.concatenate([edge_index[1],
                                jnp.full((pad_e,), N_NODES, jnp.int32)])
    src2d = src_flat.reshape(NW * NB, EB)
    dst2d = dst_flat.reshape(NW * NB, EB)
    batch_pad = jnp.concatenate(
        [batch, jnp.full((N_PAD - N_NODES,), N_GRAPHS, jnp.int32)])

    deg_parts = _sc_degree(dst_flat)
    h = _tc_pre(x_pad, pre_W, pre_b, bn_pre_g, bn_pre_b)
    dinv, hp1 = _tc_scale(deg_parts, h, conv1_W)
    acc1 = _sc_conv(hp1, src2d, dst2d)
    hp2 = _tc_mid(acc1, hp1, dinv, conv1_b, bn1_g, bn1_b,
                  bnp1_g, bnp1_b, conv2_W)
    acc2 = _sc_conv(hp2, src2d, dst2d)
    y = _tc_final(acc2, hp2, dinv, conv2_b, bn2_g, bn2_b,
                  bnp2_g, bnp2_b, batch_pad, post_W, post_b)
    return (y, 0.0)

# --- scband reference (transcript-rebuilt; emitter-appended) ---
"""Pipeline reference for scband-graph-classifier-plain-74105365725525 (READ-ONLY COPY).

The authoritative reference and input builder live on the scoring server;
editing this copy changes nothing except your own understanding.
"""

import jax, jax.numpy as jnp
import numpy as np

N = 10000
E = 320000
D = 128
H = 128
C = 10
G = 64

def setup_inputs(seed: int = 0):
    key = jax.random.key(seed)
    ks = jax.random.split(key, 8)
    x = jax.random.normal(ks[0], (N, D), dtype=jnp.float32)
    edge_index = jax.random.randint(ks[1], (2, E), 0, N, dtype=jnp.int32)
    batch = jnp.sort(jax.random.randint(ks[2], (N,), 0, G, dtype=jnp.int32))
    def lin(k, fan_in, fan_out):
        bound = 1.0 / np.sqrt(fan_in)
        k1, k2 = jax.random.split(k)
        W = jax.random.uniform(k1, (fan_in, fan_out), minval=-bound, maxval=bound, dtype=jnp.float32)
        b = jax.random.uniform(k2, (fan_out,), minval=-bound, maxval=bound, dtype=jnp.float32)
        return W, b
    pre_W, pre_b = lin(ks[3], D, H)
    conv1_W, conv1_b = lin(ks[4], H, H)
    conv2_W, conv2_b = lin(ks[5], H, H)
    post_W, post_b = lin(ks[6], H, C)
    ones = jnp.ones((H,), jnp.float32)
    zeros = jnp.zeros((H,), jnp.float32)
    return {"x": x, "edge_index": edge_index, "batch": batch,
            "pre_W": pre_W, "pre_b": pre_b,
            "bn_pre_g": ones, "bn_pre_b": zeros,
            "conv1_W": conv1_W, "conv1_b": conv1_b,
            "bn1_g": ones, "bn1_b": zeros,
            "bnp1_g": ones, "bnp1_b": zeros,
            "conv2_W": conv2_W, "conv2_b": conv2_b,
            "bn2_g": ones, "bn2_b": zeros,
            "bnp2_g": ones, "bnp2_b": zeros,
            "post_W": post_W, "post_b": post_b}

def _batch_norm(x, g, b, eps=1e-5):
    m = jnp.mean(x, axis=0)
    v = jnp.var(x, axis=0)
    return (x - m) / jnp.sqrt(v + eps) * g + b

def _gcn_conv(x, edge_index, W, b):
    n = x.shape[0]
    loop = jnp.arange(n, dtype=edge_index.dtype)
    src = jnp.concatenate([edge_index[0], loop])
    dst = jnp.concatenate([edge_index[1], loop])
    deg = jnp.zeros((n,), x.dtype).at[dst].add(1.0)
    dinv = jnp.where(deg > 0, jax.lax.rsqrt(jnp.maximum(deg, 1e-12)), 0.0)
    norm = dinv[src] * dinv[dst]
    h = x @ W
    msg = h[src] * norm[:, None]
    out = jnp.zeros((n, W.shape[1]), x.dtype).at[dst].add(msg)
    return out + b

def _global_mean_pool(x, batch, num_graphs):
    s = jax.ops.segment_sum(x, batch, num_segments=num_graphs)
    cnt = jax.ops.segment_sum(jnp.ones((x.shape[0],), x.dtype), batch, num_segments=num_graphs)
    return s / jnp.maximum(cnt, 1.0)[:, None]

def reference(x, edge_index, batch, pre_W, pre_b, bn_pre_g, bn_pre_b, conv1_W, conv1_b, bn1_g, bn1_b, bnp1_g, bnp1_b, conv2_W, conv2_b, bn2_g, bn2_b, bnp2_g, bnp2_b, post_W, post_b):
    # pre_gnn MLP: single plain-last Linear (dropout p=0.0, so identity)
    h = x @ pre_W + pre_b
    h = _batch_norm(h, bn_pre_g, bn_pre_b)
    h = jax.nn.relu(_gcn_conv(h, edge_index, conv1_W, conv1_b))
    h = _batch_norm(h, bn1_g, bn1_b)
    # pool_method=None -> pool is identity (aux_loss stays 0.0)
    h = _batch_norm(h, bnp1_g, bnp1_b)
    h = jax.nn.relu(_gcn_conv(h, edge_index, conv2_W, conv2_b))
    h = _batch_norm(h, bn2_g, bn2_b)
    h = _batch_norm(h, bnp2_g, bnp2_b)
    h = _global_mean_pool(h, batch, G)
    y = h @ post_W + post_b
    y = jax.nn.log_softmax(y, axis=1)
    return (y, 0.0)

if __name__ == "__main__":
    import jax
    _d = setup_inputs()
    print(jax.jit(kernel)(*tuple(_d.values())))

</pallas_src>

<mosaic_0001>
#map = affine_map<(d0, d1) -> (0)>
module attributes {stable_mosaic.version = 14 : i64} {
  func.func @_deg_body(%arg0: i32, %arg1: i32, %arg2: memref<327680xi32, #tpu.memory_space<hbm>>, %arg3: memref<20480xf32, #tpu.memory_space<hbm>>, %arg4: memref<128xi32, #tpu.memory_space<vmem>>, %arg5: memref<128xf32, #tpu.memory_space<vmem>>, %arg6: memref<640xf32, #tpu.memory_space<vmem>>, %arg7: memref<10240xf32, #tpu.memory_space<vmem_shared>>) attributes {dimension_semantics = [#tpu.dimension_semantics<core_parallel>, #tpu.dimension_semantics<subcore_parallel>], iteration_bounds = array<i64: 2, 16>, scalar_prefetch = 0 : i64, scratch_operands = 4 : i64, tpu.core_type = #tpu.core_type<sc_vector_subcore>, window_params = [{transform_indices = #map}, {transform_indices = #map}]} {
    %mul3A = arith.constant 16 : i32
    %mul3A_0 = arith.muli %arg0, %mul3A : i32
    %add3A = arith.addi %mul3A_0, %arg1 : i32
    %broadcast_in_dim3A = arith.constant 1.000000e+00 : f32
    %broadcast_in_dim3A_1 = vector.broadcast %broadcast_in_dim3A : f32 to vector<16xf32>
    %swap3A = arith.constant 0 : index
    %swap3A_2 = tpu.vector_load %arg5[%swap3A] {strides = array<i32>} : memref<128xf32, #tpu.memory_space<vmem>>, vector<16xf32>,
    %swap3A_3 = vector.shape_cast %swap3A_2 : vector<16xf32> to vector<16xf32>
    %swap3A_4 = vector.shape_cast %broadcast_in_dim3A_1 : vector<16xf32> to vector<16xf32>
    tpu.vector_store %arg5[%swap3A], %swap3A_4 {strides = array<i32>} : memref<128xf32, #tpu.memory_space<vmem>>, vector<16xf32>,
    %broadcast_in_dim3A_5 = arith.constant 1.000000e+00 : f32
    %broadcast_in_dim3A_6 = vector.broadcast %broadcast_in_dim3A_5 : f32 to vector<16xf32>
    %swap3A_7 = arith.constant 16 : index
    %swap3A_8 = tpu.vector_load %arg5[%swap3A_7] {strides = array<i32>} : memref<128xf32, #tpu.memory_space<vmem>>, vector<16xf32>,
    %swap3A_9 = vector.shape_cast %swap3A_8 : vector<16xf32> to vector<16xf32>
    %swap3A_10 = vector.shape_cast %broadcast_in_dim3A_6 : vector<16xf32> to vector<16xf32>
    tpu.vector_store %arg5[%swap3A_7], %swap3A_10 {strides = array<i32>} : memref<128xf32, #tpu.memory_space<vmem>>, vector<16xf32>,
    %broadcast_in_dim3A_11 = arith.constant 1.000000e+00 : f32
    %broadcast_in_dim3A_12 = vector.broadcast %broadcast_in_dim3A_11 : f32 to vector<16xf32>
    %swap3A_13 = arith.constant 32 : index
    %swap3A_14 = tpu.vector_load %arg5[%swap3A_13] {strides = array<i32>} : memref<128xf32, #tpu.memory_space<vmem>>, vector<16xf32>,
    %swap3A_15 = vector.shape_cast %swap3A_14 : vector<16xf32> to vector<16xf32>
    %swap3A_16 = vector.shape_cast %broadcast_in_dim3A_12 : vector<16xf32> to vector<16xf32>
    tpu.vector_store %arg5[%swap3A_13], %swap3A_16 {strides = array<i32>} : memref<128xf32, #tpu.memory_space<vmem>>, vector<16xf32>,
    %broadcast_in_dim3A_17 = arith.constant 1.000000e+00 : f32
    %broadcast_in_dim3A_18 = vector.broadcast %broadcast_in_dim3A_17 : f32 to vector<16xf32>
    %swap3A_19 = arith.constant 48 : index
    %swap3A_20 = tpu.vector_load %arg5[%swap3A_19] {strides = array<i32>} : memref<128xf32, #tpu.memory_space<vmem>>, vector<16xf32>,
    %swap3A_21 = vector.shape_cast %swap3A_20 : vector<16xf32> to vector<16xf32>
    %swap3A_22 = vector.shape_cast %broadcast_in_dim3A_18 : vector<16xf32> to vector<16xf32>
    tpu.vector_store %arg5[%swap3A_19], %swap3A_22 {strides = array<i32>} : memref<128xf32, #tpu.memory_space<vmem>>, vector<16xf32>,
    %broadcast_in_dim3A_23 = arith.constant 1.000000e+00 : f32
    %broadcast_in_dim3A_24 = vector.broadcast %broadcast_in_dim3A_23 : f32 to vector<16xf32>
    %swap3A_25 = arith.constant 64 : index
    %swap3A_26 = tpu.vector_load %arg5[%swap3A_25] {strides = array<i32>} : memref<128xf32, #tpu.memory_space<vmem>>, vector<16xf32>,
    %swap3A_27 = vector.shape_cast %swap3A_26 : vector<16xf32> to vector<16xf32>
    %swap3A_28 = vector.shape_cast %broadcast_in_dim3A_24 : vector<16xf32> to vector<16xf32>
    tpu.vector_store %arg5[%swap3A_25], %swap3A_28 {strides = array<i32>} : memref<128xf32, #tpu.memory_space<vmem>>, vector<16xf32>,
    %broadcast_in_dim3A_29 = arith.constant 1.000000e+00 : f32
    %broadcast_in_dim3A_30 = vector.broadcast %broadcast_in_dim3A_29 : f32 to vector<16xf32>
    %swap3A_31 = arith.constant 80 : index
    %swap3A_32 = tpu.vector_load %arg5[%swap3A_31] {strides = array<i32>} : memref<128xf32, #tpu.memory_space<vmem>>, vector<16xf32>,
    %swap3A_33 = vector.shape_cast %swap3A_32 : vector<16xf32> to vector<16xf32>
    %swap3A_34 = vector.shape_cast %broadcast_in_dim3A_30 : vector<16xf32> to vector<16xf32>
    tpu.vector_store %arg5[%swap3A_31], %swap3A_34 {strides = array<i32>} : memref<128xf32, #tpu.memory_space<vmem>>, vector<16xf32>,
    %broadcast_in_dim3A_35 = arith.constant 1.000000e+00 : f32
    %broadcast_in_dim3A_36 = vector.broadcast %broadcast_in_dim3A_35 : f32 to vector<16xf32>
    %swap3A_37 = arith.constant 96 : index
    %swap3A_38 = tpu.vector_load %arg5[%swap3A_37] {strides = array<i32>} : memref<128xf32, #tpu.memory_space<vmem>>, vector<16xf32>,
    %swap3A_39 = vector.shape_cast %swap3A_38 : vector<16xf32> to vector<16xf32>
    %swap3A_40 = vector.shape_cast %broadcast_in_dim3A_36 : vector<16xf32> to vector<16xf32>
    tpu.vector_store %arg5[%swap3A_37], %swap3A_40 {strides = array<i32>} : memref<128xf32, #tpu.memory_space<vmem>>, vector<16xf32>,
    %broadcast_in_dim3A_41 = arith.constant 1.000000e+00 : f32
    %broadcast_in_dim3A_42 = vector.broadcast %broadcast_in_dim3A_41 : f32 to vector<16xf32>
    %swap3A_43 = arith.constant 112 : index
    %swap3A_44 = tpu.vector_load %arg5[%swap3A_43] {strides = array<i32>} : memref<128xf32, #tpu.memory_space<vmem>>, vector<16xf32>,
    %swap3A_45 = vector.shape_cast %swap3A_44 : vector<16xf32> to vector<16xf32>
    %swap3A_46 = vector.shape_cast %broadcast_in_dim3A_42 : vector<16xf32> to vector<16xf32>
    tpu.vector_store %arg5[%swap3A_43], %swap3A_46 {strides = array<i32>} : memref<128xf32, #tpu.memory_space<vmem>>, vector<16xf32>,
    %broadcast_in_dim3A_47 = arith.constant 0.000000e+00 : f32
    %broadcast_in_dim3A_48 = vector.broadcast %broadcast_in_dim3A_47 : f32 to vector<16xf32>
    %swap3A_49 = arith.constant 0 : index
    %swap3A_50 = tpu.vector_load %arg6[%swap3A_49] {strides = array<i32>} : memref<640xf32, #tpu.memory_space<vmem>>, vector<16xf32>,
    %swap3A_51 = vector.shape_cast %swap3A_50 : vector<16xf32> to vector<16xf32>
    %swap3A_52 = vector.shape_cast %broadcast_in_dim3A_48 : vector<16xf32> to vector<16xf32>
    tpu.vector_store %arg6[%swap3A_49], %swap3A_52 {strides = array<i32>} : memref<640xf32, #tpu.memory_space<vmem>>, vector<16xf32>,
    %broadcast_in_dim3A_53 = arith.constant 0.000000e+00 : f32
    %broadcast_in_dim3A_54 = vector.broadcast %broadcast_in_dim3A_53 : f32 to vector<16xf32>
    %swap3A_55 = arith.constant 16 : index
    %swap3A_56 = tpu.vector_load %arg6[%swap3A_55] {strides = array<i32>} : memref<640xf32, #tpu.memory_space<vmem>>, vector<16xf32>,
    %swap3A_57 = vector.shape_cast %swap3A_56 : vector<16xf32> to vector<16xf32>
    %swap3A_58 = vector.shape_cast %broadcast_in_dim3A_54 : vector<16xf32> to vector<16xf32>
    tpu.vector_store %arg6[%swap3A_55], %swap3A_58 {strides = array<i32>} : memref<640xf32, #tpu.memory_space<vmem>>, vector<16xf32>,
    %broadcast_in_dim3A_59 = arith.constant 0.000000e+00 : f32
    %broadcast_in_dim3A_60 = vector.broadcast %broadcast_in_dim3A_59 : f32 to vector<16xf32>
    %swap3A_61 = arith.constant 32 : index
    %swap3A_62 = tpu.vector_load %arg6[%swap3A_61] {strides = array<i32>} : memref<640xf32, #tpu.memory_space<vmem>>, vector<16xf32>,
    %swap3A_63 = vector.shape_cast %swap3A_62 : vector<16xf32> to vector<16xf32>
    %swap3A_64 = vector.shape_cast %broadcast_in_dim3A_60 : vector<16xf32> to vector<16xf32>
    tpu.vector_store %arg6[%swap3A_61], %swap3A_64 {strides = array<i32>} : memref<640xf32, #tpu.memory_space<vmem>>, vector<16xf32>,
    %broadcast_in_dim3A_65 = arith.constant 0.000000e+00 : f32
    %broadcast_in_dim3A_66 = vector.broadcast %broadcast_in_dim3A_65 : f32 to vector<16xf32>
    %swap3A_67 = arith.constant 48 : index
    %swap3A_68 = tpu.vector_load %arg6[%swap3A_67] {strides = array<i32>} : memref<640xf32, #tpu.memory_space<vmem>>, vector<16xf32>,
    %swap3A_69 = vector.shape_cast %swap3A_68 : vector<16xf32> to vector<16xf32>
    %swap3A_70 = vector.shape_cast %broadcast_in_dim3A_66 : vector<16xf32> to vector<16xf32>
    tpu.vector_store %arg6[%swap3A_67], %swap3A_70 {strides = array<i32>} : memref<640xf32, #tpu.memory_space<vmem>>, vector<16xf32>,
    %broadcast_in_dim3A_71 = arith.constant 0.000000e+00 : f32
    %broadcast_in_dim3A_72 = vector.broadcast %broadcast_in_dim3A_71 : f32 to vector<16xf32>
    %swap3A_73 = arith.constant 64 : index
    %swap3A_74 = tpu.vector_load %arg6[%swap3A_73] {strides = array<i32>} : memref<640xf32, #tpu.memory_space<vmem>>, vector<16xf32>,
    %swap3A_75 = vector.shape_cast %swap3A_74 : vector<16xf32> to vector<16xf32>
    %swap3A_76 = vector.shape_cast %broadcast_in_dim3A_72 : vector<16xf32> to vector<16xf32>
    tpu.vector_store %arg6[%swap3A_73], %swap3A_76 {strides = array<i32>} : memref<640xf32, #tpu.memory_space<vmem>>, vector<16xf32>,
    %broadcast_in_dim3A_77 = arith.constant 0.000000e+00 : f32
    %broadcast_in_dim3A_78 = vector.broadcast %broadcast_in_dim3A_77 : f32 to vector<16xf32>
    %swap3A_79 = arith.constant 80 : index
    %swap3A_80 = tpu.vector_load %arg6[%swap3A_79] {strides = array<i32>} : memref<640xf32, #tpu.memory_space<vmem>>, vector<16xf32>,
    %swap3A_81 = vector.shape_cast %swap3A_80 : vector<16xf32> to vector<16xf32>
    %swap3A_82 = vector.shape_cast %broadcast_in_dim3A_78 : vector<16xf32> to vector<16xf32>
    tpu.vector_store %arg6[%swap3A_79], %swap3A_82 {strides = array<i32>} : memref<640xf32, #tpu.memory_space<vmem>>, vector<16xf32>,
    %broadcast_in_dim3A_83 = arith.constant 0.000000e+00 : f32
    %broadcast_in_dim3A_84 = vector.broadcast %broadcast_in_dim3A_83 : f32 to vector<16xf32>
    %swap3A_85 = arith.constant 96 : index
    %swap3A_86 = tpu.vector_load %arg6[%swap3A_85] {strides = array<i32>} : memref<640xf32, #tpu.memory_space<vmem>>, vector<16xf32>,
    %swap3A_87 = vector.shape_cast %swap3A_86 : vector<16xf32> to vector<16xf32>
    %swap3A_88 = vector.shape_cast %broadcast_in_dim3A_84 : vector<16xf32> to vector<16xf32>
    tpu.vector_store %arg6[%swap3A_85], %swap3A_88 {strides = array<i32>} : memref<640xf32, #tpu.memory_space<vmem>>, vector<16xf32>,
    %broadcast_in_dim3A_89 = arith.constant 0.000000e+00 : f32
    %broadcast_in_dim3A_90 = vector.broadcast %broadcast_in_dim3A_89 : f32 to vector<16xf32>
    %swap3A_91 = arith.constant 112 : index
    %swap3A_92 = tpu.vector_load %arg6[%swap3A_91] {strides = array<i32>} : memref<640xf32, #tpu.memory_space<vmem>>, vector<16xf32>,
    %swap3A_93 = vector.shape_cast %swap3A_92 : vector<16xf32> to vector<16xf32>
    %swap3A_94 = vector.shape_cast %broadcast_in_dim3A_90 : vector<16xf32> to vector<16xf32>
    tpu.vector_store %arg6[%swap3A_91], %swap3A_94 {strides = array<i32>} : memref<640xf32, #tpu.memory_space<vmem>>, vector<16xf32>,
    %broadcast_in_dim3A_95 = arith.constant 0.000000e+00 : f32
    %broadcast_in_dim3A_96 = vector.broadcast %broadcast_in_dim3A_95 : f32 to vector<16xf32>
    %swap3A_97 = arith.constant 128 : index
    %swap3A_98 = tpu.vector_load %arg6[%swap3A_97] {strides = array<i32>} : memref<640xf32, #tpu.memory_space<vmem>>, vector<16xf32>,
    %swap3A_99 = vector.shape_cast %swap3A_98 : vector<16xf32> to vector<16xf32>
    %swap3A_100 = vector.shape_cast %broadcast_in_dim3A_96 : vector<16xf32> to vector<16xf32>
    tpu.vector_store %arg6[%swap3A_97], %swap3A_100 {strides = array<i32>} : memref<640xf32, #tpu.memory_space<vmem>>, vector<16xf32>,
    %broadcast_in_dim3A_101 = arith.constant 0.000000e+00 : f32
    %broadcast_in_dim3A_102 = vector.broadcast %broadcast_in_dim3A_101 : f32 to vector<16xf32>
    %swap3A_103 = arith.constant 144 : index
    %swap3A_104 = tpu.vector_load %arg6[%swap3A_103] {strides = array<i32>} : memref<640xf32, #tpu.memory_space<vmem>>, vector<16xf32>,
    %swap3A_105 = vector.shape_cast %swap3A_104 : vector<16xf32> to vector<16xf32>
    %swap3A_106 = vector.shape_cast %broadcast_in_dim3A_102 : vector<16xf32> to vector<16xf32>
    tpu.vector_store %arg6[%swap3A_103], %swap3A_106 {strides = array<i32>} : memref<640xf32, #tpu.memory_space<vmem>>, vector<16xf32>,
    %broadcast_in_dim3A_107 = arith.constant 0.000000e+00 : f32
    %broadcast_in_dim3A_108 = vector.broadcast %broadcast_in_dim3A_107 : f32 to vector<16xf32>
    %swap3A_109 = arith.constant 160 : index
    %swap3A_110 = tpu.vector_load %arg6[%swap3A_109] {strides = array<i32>} : memref<640xf32, #tpu.memory_space<vmem>>, vector<16xf32>,
    %swap3A_111 = vector.shape_cast %swap3A_110 : vector<16xf32> to vector<16xf32>
    %swap3A_112 = vector.shape_cast %broadcast_in_dim3A_108 : vector<16xf32> to vector<16xf32>
    tpu.vector_store %arg6[%swap3A_109], %swap3A_112 {strides = array<i32>} : memref<640xf32, #tpu.memory_space<vmem>>, vector<16xf32>,
    %broadcast_in_dim3A_113 = arith.constant 0.000000e+00 : f32
    %broadcast_in_dim3A_114 = vector.broadcast %broadcast_in_dim3A_113 : f32 to vector<16xf32>
    %swap3A_115 = arith.constant 176 : index
    %swap3A_116 = tpu.vector_load %arg6[%swap3A_115] {strides = array<i32>} : memref<640xf32, #tpu.memory_space<vmem>>, vector<16xf32>,
    %swap3A_117 = vector.shape_cast %swap3A_116 : vector<16xf32> to vector<16xf32>
    %swap3A_118 = vector.shape_cast %broadcast_in_dim3A_114 : vector<16xf32> to vector<16xf32>
    tpu.vector_store %arg6[%swap3A_115], %swap3A_118 {strides = array<i32>} : memref<640xf32, #tpu.memory_space<vmem>>, vector<16xf32>,
    %broadcast_in_dim3A_119 = arith.constant 0.000000e+00 : f32
    %broadcast_in_dim3A_120 = vector.broadcast %broadcast_in_dim3A_119 : f32 to vector<16xf32>
    %swap3A_121 = arith.constant 192 : index
    %swap3A_122 = tpu.vector_load %arg6[%swap3A_121] {strides = array<i32>} : memref<640xf32, #tpu.memory_space<vmem>>, vector<16xf32>,
    %swap3A_123 = vector.shape_cast %swap3A_122 : vector<16xf32> to vector<16xf32>
    %swap3A_124 = vector.shape_cast %broadcast_in_dim3A_120 : vector<16xf32> to vector<16xf32>
    tpu.vector_store %arg6[%swap3A_121], %swap3A_124 {strides = array<i32>} : memref<640xf32, #tpu.memory_space<vmem>>, vector<16xf32>,
    %broadcast_in_dim3A_125 = arith.constant 0.000000e+00 : f32
    %broadcast_in_dim3A_126 = vector.broadcast %broadcast_in_dim3A_125 : f32 to vector<16xf32>
    %swap3A_127 = arith.constant 208 : index
    %swap3A_128 = tpu.vector_load %arg6[%swap3A_127] {strides = array<i32>} : memref<640xf32, #tpu.memory_space<vmem>>, vector<16xf32>,
    %swap3A_129 = vector.shape_cast %swap3A_128 : vector<16xf32> to vector<16xf32>
    %swap3A_130 = vector.shape_cast %broadcast_in_dim3A_126 : vector<16xf32> to vector<16xf32>
    tpu.vector_store %arg6[%swap3A_127], %swap3A_130 {strides = array<i32>} : memref<640xf32, #tpu.memory_space<vmem>>, vector<16xf32>,
    %broadcast_in_dim3A_131 = arith.constant 0.000000e+00 : f32
    %broadcast_in_dim3A_132 = vector.broadcast %broadcast_in_dim3A_131 : f32 to vector<16xf32>
    %swap3A_133 = arith.constant 224 : index
    %swap3A_134 = tpu.vector_load %arg6[%swap3A_133] {strides = array<i32>} : memref<640xf32, #tpu.memory_space<vmem>>, vector<16xf32>,
    %swap3A_135 = vector.shape_cast %swap3A_134 : vector<16xf32> to vector<16xf32>
    %swap3A_136 = vector.shape_cast %broadcast_in_dim3A_132 : vector<16xf32> to vector<16xf32>
    tpu.vector_store %arg6[%swap3A_133], %swap3A_136 {strides = array<i32>} : memref<640xf32, #tpu.memory_space<vmem>>, vector<16xf32>,
    %broadcast_in_dim3A_137 = arith.constant 0.000000e+00 : f32
    %broadcast_in_dim3A_138 = vector.broadcast %broadcast_in_dim3A_137 : f32 to vector<16xf32>
    %swap3A_139 = arith.constant 240 : index
    %swap3A_140 = tpu.vector_load %arg6[%swap3A_139] {strides = array<i32>} : memref<640xf32, #tpu.memory_space<vmem>>, vector<16xf32>,
    %swap3A_141 = vector.shape_cast %swap3A_140 : vector<16xf32> to vector<16xf32>
    %swap3A_142 = vector.shape_cast %broadcast_in_dim3A_138 : vector<16xf32> to vector<16xf32>
    tpu.vector_store %arg6[%swap3A_139], %swap3A_142 {strides = array<i32>} : memref<640xf32, #tpu.memory_space<vmem>>, vector<16xf32>,
    %broadcast_in_dim3A_143 = arith.constant 0.000000e+00 : f32
    %broadcast_in_dim3A_144 = vector.broadcast %broadcast_in_dim3A_143 : f32 to vector<16xf32>
    %swap3A_145 = arith.constant 256 : index
    %swap3A_146 = tpu.vector_load %arg6[%swap3A_145] {strides = array<i32>} : memref<640xf32, #tpu.memory_space<vmem>>, vector<16xf32>,
    %swap3A_147 = vector.shape_cast %swap3A_146 : vector<16xf32> to vector<16xf32>
    %swap3A_148 = vector.shape_cast %broadcast_in_dim3A_144 : vector<16xf32> to vector<16xf32>
    tpu.vector_store %arg6[%swap3A_145], %swap3A_148 {strides = array<i32>} : memref<640xf32, #tpu.memory_space<vmem>>, vector<16xf32>,
    %broadcast_in_dim3A_149 = arith.constant 0.000000e+00 : f32
    %broadcast_in_dim3A_150 = vector.broadcast %broadcast_in_dim3A_149 : f32 to vector<16xf32>
    %swap3A_151 = arith.constant 272 : index
    %swap3A_152 = tpu.vector_load %arg6[%swap3A_151] {strides = array<i32>} : memref<640xf32, #tpu.memory_space<vmem>>, vector<16xf32>,
    %swap3A_153 = vector.shape_cast %swap3A_152 : vector<16xf32> to vector<16xf32>
    %swap3A_154 = vector.shape_cast %broadcast_in_dim3A_150 : vector<16xf32> to vector<16xf32>
    tpu.vector_store %arg6[%swap3A_151], %swap3A_154 {strides = array<i32>} : memref<640xf32, #tpu.memory_space<vmem>>, vector<16xf32>,
    %broadcast_in_dim3A_155 = arith.constant 0.000000e+00 : f32
    %broadcast_in_dim3A_156 = vector.broadcast %broadcast_in_dim3A_155 : f32 to vector<16xf32>
    %swap3A_157 = arith.constant 288 : index
    %swap3A_158 = tpu.vector_load %arg6[%swap3A_157] {strides = array<i32>} : memref<640xf32, #tpu.memory_space<vmem>>, vector<16xf32>,
    %swap3A_159 = vector.shape_cast %swap3A_158 : vector<16xf32> to vector<16xf32>
    %swap3A_160 = vector.shape_cast %broadcast_in_dim3A_156 : vector<16xf32> to vector<16xf32>
    tpu.vector_store %arg6[%swap3A_157], %swap3A_160 {strides = array<i32>} : memref<640xf32, #tpu.memory_space<vmem>>, vector<16xf32>,
    %broadcast_in_dim3A_161 = arith.constant 0.000000e+00 : f32
    %broadcast_in_dim3A_162 = vector.broadcast %broadcast_in_dim3A_161 : f32 to vector<16xf32>
    %swap3A_163 = arith.constant 304 : index
    %swap3A_164 = tpu.vector_load %arg6[%swap3A_163] {strides = array<i32>} : memref<640xf32, #tpu.memory_space<vmem>>, vector<16xf32>,
    %swap3A_165 = vector.shape_cast %swap3A_164 : vector<16xf32> to vector<16xf32>
    %swap3A_166 = vector.shape_cast %broadcast_in_dim3A_162 : vector<16xf32> to vector<16xf32>
    tpu.vector_store %arg6[%swap3A_163], %swap3A_166 {strides = array<i32>} : memref<640xf32, #tpu.memory_space<vmem>>, vector<16xf32>,
    %broadcast_in_dim3A_167 = arith.constant 0.000000e+00 : f32
    %broadcast_in_dim3A_168 = vector.broadcast %broadcast_in_dim3A_167 : f32 to vector<16xf32>
    %swap3A_169 = arith.constant 320 : index
    %swap3A_170 = tpu.vector_load %arg6[%swap3A_169] {strides = array<i32>} : memref<640xf32, #tpu.memory_space<vmem>>, vector<16xf32>,
    %swap3A_171 = vector.shape_cast %swap3A_170 : vector<16xf32> to vector<16xf32>
    %swap3A_172 = vector.shape_cast %broadcast_in_dim3A_168 : vector<16xf32> to vector<16xf32>
    tpu.vector_store %arg6[%swap3A_169], %swap3A_172 {strides = array<i32>} : memref<640xf32, #tpu.memory_space<vmem>>, vector<16xf32>,
    %broadcast_in_dim3A_173 = arith.constant 0.000000e+00 : f32
    %broadcast_in_dim3A_174 = vector.broadcast %broadcast_in_dim3A_173 : f32 to vector<16xf32>
    %swap3A_175 = arith.constant 336 : index
    %swap3A_176 = tpu.vector_load %arg6[%swap3A_175] {strides = array<i32>} : memref<640xf32, #tpu.memory_space<vmem>>, vector<16xf32>,
    %swap3A_177 = vector.shape_cast %swap3A_176 : vector<16xf32> to vector<16xf32>
    %swap3A_178 = vector.shape_cast %broadcast_in_dim3A_174 : vector<16xf32> to vector<16xf32>
    tpu.vector_store %arg6[%swap3A_175], %swap3A_178 {strides = array<i32>} : memref<640xf32, #tpu.memory_space<vmem>>, vector<16xf32>,
    %broadcast_in_dim3A_179 = arith.constant 0.000000e+00 : f32
    %broadcast_in_dim3A_180 = vector.broadcast %broadcast_in_dim3A_179 : f32 to vector<16xf32>
    %swap3A_181 = arith.constant 352 : index
    %swap3A_182 = tpu.vector_load %arg6[%swap3A_181] {strides = array<i32>} : memref<640xf32, #tpu.memory_space<vmem>>, vector<16xf32>,
    %swap3A_183 = vector.shape_cast %swap3A_182 : vector<16xf32> to vector<16xf32>
    %swap3A_184 = vector.shape_cast %broadcast_in_dim3A_180 : vector<16xf32> to vector<16xf32>
    tpu.vector_store %arg6[%swap3A_181], %swap3A_184 {strides = array<i32>} : memref<640xf32, #tpu.memory_space<vmem>>, vector<16xf32>,
    %broadcast_in_dim3A_185 = arith.constant 0.000000e+00 : f32
    %broadcast_in_dim3A_186 = vector.broadcast %broadcast_in_dim3A_185 : f32 to vector<16xf32>
    %swap3A_187 = arith.constant 368 : index
    %swap3A_188 = tpu.vector_load %arg6[%swap3A_187] {strides = array<i32>} : memref<640xf32, #tpu.memory_space<vmem>>, vector<16xf32>,
    %swap3A_189 = vector.shape_cast %swap3A_188 : vector<16xf32> to vector<16xf32>
    %swap3A_190 = vector.shape_cast %broadcast_in_dim3A_186 : vector<16xf32> to vector<16xf32>
    tpu.vector_store %arg6[%swap3A_187], %swap3A_190 {strides = array<i32>} : memref<640xf32, #tpu.memory_space<vmem>>, vector<16xf32>,
    %broadcast_in_dim3A_191 = arith.constant 0.000000e+00 : f32
    %broadcast_in_dim3A_192 = vector.broadcast %broadcast_in_dim3A_191 : f32 to vector<16xf32>
    %swap3A_193 = arith.constant 384 : index
    %swap3A_194 = tpu.vector_load %arg6[%swap3A_193] {strides = array<i32>} : memref<640xf32, #tpu.memory_space<vmem>>, vector<16xf32>,
    %swap3A_195 = vector.shape_cast %swap3A_194 : vector<16xf32> to vector<16xf32>
    %swap3A_196 = vector.shape_cast %broadcast_in_dim3A_192 : vector<16xf32> to vector<16xf32>
    tpu.vector_store %arg6[%swap3A_193], %swap3A_196 {strides = array<i32>} : memref<640xf32, #tpu.memory_space<vmem>>, vector<16xf32>,
    %broadcast_in_dim3A_197 = arith.constant 0.000000e+00 : f32
    %broadcast_in_dim3A_198 = vector.broadcast %broadcast_in_dim3A_197 : f32 to vector<16xf32>
    %swap3A_199 = arith.constant 400 : index
    %swap3A_200 = tpu.vector_load %arg6[%swap3A_199] {strides = array<i32>} : memref<640xf32, #tpu.memory_space<vmem>>, vector<16xf32>,
    %swap3A_201 = vector.shape_cast %swap3A_200 : vector<16xf32> to vector<16xf32>
    %swap3A_202 = vector.shape_cast %broadcast_in_dim3A_198 : vector<16xf32> to vector<16xf32>
    tpu.vector_store %arg6[%swap3A_199], %swap3A_202 {strides = array<i32>} : memref<640xf32, #tpu.memory_space<vmem>>, vector<16xf32>,
    %broadcast_in_dim3A_203 = arith.constant 0.000000e+00 : f32
    %broadcast_in_dim3A_204 = vector.broadcast %broadcast_in_dim3A_203 : f32 to vector<16xf32>
    %swap3A_205 = arith.constant 416 : index
    %swap3A_206 = tpu.vector_load %arg6[%swap3A_205] {strides = array<i32>} : memref<640xf32, #tpu.memory_space<vmem>>, vector<16xf32>,
    %swap3A_207 = vector.shape_cast %swap3A_206 : vector<16xf32> to vector<16xf32>
    %swap3A_208 = vector.shape_cast %broadcast_in_dim3A_204 : vector<16xf32> to vector<16xf32>
    tpu.vector_store %arg6[%swap3A_205], %swap3A_208 {strides = array<i32>} : memref<640xf32, #tpu.memory_space<vmem>>, vector<16xf32>,
    %broadcast_in_dim3A_209 = arith.constant 0.000000e+00 : f32
    %broadcast_in_dim3A_210 = vector.broadcast %broadcast_in_dim3A_209 : f32 to vector<16xf32>
    %swap3A_211 = arith.constant 432 : index
    %swap3A_212 = tpu.vector_load %arg6[%swap3A_211] {strides = array<i32>} : memref<640xf32, #tpu.memory_space<vmem>>, vector<16xf32>,
    %swap3A_213 = vector.shape_cast %swap3A_212 : vector<16xf32> to vector<16xf32>
    %swap3A_214 = vector.shape_cast %broadcast_in_dim3A_210 : vector<16xf32> to vector<16xf32>
    tpu.vector_store %arg6[%swap3A_211], %swap3A_214 {strides = array<i32>} : memref<640xf32, #tpu.memory_space<vmem>>, vector<16xf32>,
    %broadcast_in_dim3A_215 = arith.constant 0.000000e+00 : f32
    %broadcast_in_dim3A_216 = vector.broadcast %broadcast_in_dim3A_215 : f32 to vector<16xf32>
    %swap3A_217 = arith.constant 448 : index
    %swap3A_218 = tpu.vector_load %arg6[%swap3A_217] {strides = array<i32>} : memref<640xf32, #tpu.memory_space<vmem>>, vector<16xf32>,
    %swap3A_219 = vector.shape_cast %swap3A_218 : vector<16xf32> to vector<16xf32>
    %swap3A_220 = vector.shape_cast %broadcast_in_dim3A_216 : vector<16xf32> to vector<16xf32>
    tpu.vector_store %arg6[%swap3A_217], %swap3A_220 {strides = array<i32>} : memref<640xf32, #tpu.memory_space<vmem>>, vector<16xf32>,
    %broadcast_in_dim3A_221 = arith.constant 0.000000e+00 : f32
    %broadcast_in_dim3A_222 = vector.broadcast %broadcast_in_dim3A_221 : f32 to vector<16xf32>
    %swap3A_223 = arith.constant 464 : index
    %swap3A_224 = tpu.vector_load %arg6[%swap3A_223] {strides = array<i32>} : memref<640xf32, #tpu.memory_space<vmem>>, vector<16xf32>,
    %swap3A_225 = vector.shape_cast %swap3A_224 : vector<16xf32> to vector<16xf32>
    %swap3A_226 = vector.shape_cast %broadcast_in_dim3A_222 : vector<16xf32> to vector<16xf32>
    tpu.vector_store %arg6[%swap3A_223], %swap3A_226 {strides = array<i32>} : memref<640xf32, #tpu.memory_space<vmem>>, vector<16xf32>,
    %broadcast_in_dim3A_227 = arith.constant 0.000000e+00 : f32
    %broadcast_in_dim3A_228 = vector.broadcast %broadcast_in_dim3A_227 : f32 to vector<16xf32>
    %swap3A_229 = arith.constant 480 : index
    %swap3A_230 = tpu.vector_load %arg6[%swap3A_229] {strides = array<i32>} : memref<640xf32, #tpu.memory_space<vmem>>, vector<16xf32>,
    %swap3A_231 = vector.shape_cast %swap3A_230 : vector<16xf32> to vector<16xf32>
    %swap3A_232 = vector.shape_cast %broadcast_in_dim3A_228 : vector<16xf32> to vector<16xf32>
    tpu.vector_store %arg6[%swap3A_229], %swap3A_232 {strides = array<i32>} : memref<640xf32, #tpu.memory_space<vmem>>, vector<16xf32>,
    %broadcast_in_dim3A_233 = arith.constant 0.000000e+00 : f32
    %broadcast_in_dim3A_234 = vector.broadcast %broadcast_in_dim3A_233 : f32 to vector<16xf32>
    %swap3A_235 = arith.constant 496 : index
    %swap3A_236 = tpu.vector_load %arg6[%swap3A_235] {strides = array<i32>} : memref<640xf32, #tpu.memory_space<vmem>>, vector<16xf32>,
    %swap3A_237 = vector.shape_cast %swap3A_236 : vector<16xf32> to vector<16xf32>
    %swap3A_238 = vector.shape_cast %broadcast_in_dim3A_234 : vector<16xf32> to vector<16xf32>
    tpu.vector_store %arg6[%swap3A_235], %swap3A_238 {strides = array<i32>} : memref<640xf32, #tpu.memory_space<vmem>>, vector<16xf32>,
    %broadcast_in_dim3A_239 = arith.constant 0.000000e+00 : f32
    %broadcast_in_dim3A_240 = vector.broadcast %broadcast_in_dim3A_239 : f32 to vector<16xf32>
    %swap3A_241 = arith.constant 512 : index
    %swap3A_242 = tpu.vector_load %arg6[%swap3A_241] {strides = array<i32>} : memref<640xf32, #tpu.memory_space<vmem>>, vector<16xf32>,
    %swap3A_243 = vector.shape_cast %swap3A_242 : vector<16xf32> to vector<16xf32>
    %swap3A_244 = vector.shape_cast %broadcast_in_dim3A_240 : vector<16xf32> to vector<16xf32>
    tpu.vector_store %arg6[%swap3A_241], %swap3A_244 {strides = array<i32>} : memref<640xf32, #tpu.memory_space<vmem>>, vector<16xf32>,
    %broadcast_in_dim3A_245 = arith.constant 0.000000e+00 : f32
    %broadcast_in_dim3A_246 = vector.broadcast %broadcast_in_dim3A_245 : f32 to vector<16xf32>
    %swap3A_247 = arith.constant 528 : index
    %swap3A_248 = tpu.vector_load %arg6[%swap3A_247] {strides = array<i32>} : memref<640xf32, #tpu.memory_space<vmem>>, vector<16xf32>,
    %swap3A_249 = vector.shape_cast %swap3A_248 : vector<16xf32> to vector<16xf32>
    %swap3A_250 = vector.shape_cast %broadcast_in_dim3A_246 : vector<16xf32> to vector<16xf32>
    tpu.vector_store %arg6[%swap3A_247], %swap3A_250 {strides = array<i32>} : memref<640xf32, #tpu.memory_space<vmem>>, vector<16xf32>,
    %broadcast_in_dim3A_251 = arith.constant 0.000000e+00 : f32
    %broadcast_in_dim3A_252 = vector.broadcast %broadcast_in_dim3A_251 : f32 to vector<16xf32>
    %swap3A_253 = arith.constant 544 : index
    %swap3A_254 = tpu.vector_load %arg6[%swap3A_253] {strides = array<i32>} : memref<640xf32, #tpu.memory_space<vmem>>, vector<16xf32>,
    %swap3A_255 = vector.shape_cast %swap3A_254 : vector<16xf32> to vector<16xf32>
    %swap3A_256 = vector.shape_cast %broadcast_in_dim3A_252 : vector<16xf32> to vector<16xf32>
    tpu.vector_store %arg6[%swap3A_253], %swap3A_256 {strides = array<i32>} : memref<640xf32, #tpu.memory_space<vmem>>, vector<16xf32>,
    %broadcast_in_dim3A_257 = arith.constant 0.000000e+00 : f32
    %broadcast_in_dim3A_258 = vector.broadcast %broadcast_in_dim3A_257 : f32 to vector<16xf32>
    %swap3A_259 = arith.constant 560 : index
    %swap3A_260 = tpu.vector_load %arg6[%swap3A_259] {strides = array<i32>} : memref<640xf32, #tpu.memory_space<vmem>>, vector<16xf32>,
    %swap3A_261 = vector.shape_cast %swap3A_260 : vector<16xf32> to vector<16xf32>
    %swap3A_262 = vector.shape_cast %broadcast_in_dim3A_258 : vector<16xf32> to vector<16xf32>
    tpu.vector_store %arg6[%swap3A_259], %swap3A_262 {strides = array<i32>} : memref<640xf32, #tpu.memory_space<vmem>>, vector<16xf32>,
    %broadcast_in_dim3A_263 = arith.constant 0.000000e+00 : f32
    %broadcast_in_dim3A_264 = vector.broadcast %broadcast_in_dim3A_263 : f32 to vector<16xf32>
    %swap3A_265 = arith.constant 576 : index
    %swap3A_266 = tpu.vector_load %arg6[%swap3A_265] {strides = array<i32>} : memref<640xf32, #tpu.memory_space<vmem>>, vector<16xf32>,
    %swap3A_267 = vector.shape_cast %swap3A_266 : vector<16xf32> to vector<16xf32>
    %swap3A_268 = vector.shape_cast %broadcast_in_dim3A_264 : vector<16xf32> to vector<16xf32>
    tpu.vector_store %arg6[%swap3A_265], %swap3A_268 {strides = array<i32>} : memref<640xf32, #tpu.memory_space<vmem>>, vector<16xf32>,
    %broadcast_in_dim3A_269 = arith.constant 0.000000e+00 : f32
    %broadcast_in_dim3A_270 = vector.broadcast %broadcast_in_dim3A_269 : f32 to vector<16xf32>
    %swap3A_271 = arith.constant 592 : index
    %swap3A_272 = tpu.vector_load %arg6[%swap3A_271] {strides = array<i32>} : memref<640xf32, #tpu.memory_space<vmem>>, vector<16xf32>,
    %swap3A_273 = vector.shape_cast %swap3A_272 : vector<16xf32> to vector<16xf32>
    %swap3A_274 = vector.shape_cast %broadcast_in_dim3A_270 : vector<16xf32> to vector<16xf32>
    tpu.vector_store %arg6[%swap3A_271], %swap3A_274 {strides = array<i32>} : memref<640xf32, #tpu.memory_space<vmem>>, vector<16xf32>,
    %broadcast_in_dim3A_275 = arith.constant 0.000000e+00 : f32
    %broadcast_in_dim3A_276 = vector.broadcast %broadcast_in_dim3A_275 : f32 to vector<16xf32>
    %swap3A_277 = arith.constant 608 : index
    %swap3A_278 = tpu.vector_load %arg6[%swap3A_277] {strides = array<i32>} : memref<640xf32, #tpu.memory_space<vmem>>, vector<16xf32>,
    %swap3A_279 = vector.shape_cast %swap3A_278 : vector<16xf32> to vector<16xf32>
    %swap3A_280 = vector.shape_cast %broadcast_in_dim3A_276 : vector<16xf32> to vector<16xf32>
    tpu.vector_store %arg6[%swap3A_277], %swap3A_280 {strides = array<i32>} : memref<640xf32, #tpu.memory_space<vmem>>, vector<16xf32>,
    %broadcast_in_dim3A_281 = arith.constant 0.000000e+00 : f32
    %broadcast_in_dim3A_282 = vector.broadcast %broadcast_in_dim3A_281 : f32 to vector<16xf32>
    %swap3A_283 = arith.constant 624 : index
    %swap3A_284 = tpu.vector_load %arg6[%swap3A_283] {strides = array<i32>} : memref<640xf32, #tpu.memory_space<vmem>>, vector<16xf32>,
    %swap3A_285 = vector.shape_cast %swap3A_284 : vector<16xf32> to vector<16xf32>
    %swap3A_286 = vector.shape_cast %broadcast_in_dim3A_282 : vector<16xf32> to vector<16xf32>
    tpu.vector_store %arg6[%swap3A_283], %swap3A_286 {strides = array<i32>} : memref<640xf32, #tpu.memory_space<vmem>>, vector<16xf32>,
    %mul3A_287 = arith.constant 640 : i32
    %mul3A_288 = arith.muli %arg1, %mul3A_287 : i32
    "tpu.region"() ({
      %run_scoped3A = tpu.sem_alloc : memref<!tpu.dma_semaphore, #tpu.memory_space<semaphore_mem>>
      %dma_start3A = tpu.memref_slice %arg7[%mul3A_288] : memref<10240xf32, #tpu.memory_space<vmem_shared>> -> memref<640xf32, #tpu.memory_space<vmem_shared>>
      %dma_start3A_302 = tpu.memref_slice %arg7[%mul3A_288] : memref<10240xf32, #tpu.memory_space<vmem_shared>> -> memref<640xf32, #tpu.memory_space<vmem_shared>>
      tpu.enqueue_dma source(%arg6 : memref<640xf32, #tpu.memory_space<vmem>>) target(%dma_start3A_302 : memref<640xf32, #tpu.memory_space<vmem_shared>>) target_semaphore(%run_scoped3A : memref<!tpu.dma_semaphore, #tpu.memory_space<semaphore_mem>>)
      %dma_wait3A = tpu.memref_slice %arg7[%mul3A_288] : memref<10240xf32, #tpu.memory_space<vmem_shared>> -> memref<640xf32, #tpu.memory_space<vmem_shared>>
      %dma_wait3A_303 = tpu.memref_slice %arg7[%mul3A_288] : memref<10240xf32, #tpu.memory_space<vmem_shared>> -> memref<640xf32, #tpu.memory_space<vmem_shared>>
      tpu.wait_dma2 semaphore(%run_scoped3A : memref<!tpu.dma_semaphore, #tpu.memory_space<semaphore_mem>>) src(%arg6 : memref<640xf32, #tpu.memory_space<vmem>>) dst(%dma_wait3A_303 : memref<640xf32, #tpu.memory_space<vmem_shared>>)
      tpu.yield
    }) : () -> ()
    %barrier3A = arith.constant 0 : index
    tpu.barrier barrier_id(%barrier3A)
    %scan3A = arith.constant 0 : i32
    %scan3A_289 = arith.constant 0 : i32
    %scan3A_290 = arith.constant 80 : i32
    %scan3A_291 = arith.addi %scan3A_289, %scan3A_290 : i32
    %scan3A_292 = arith.constant 1 : i32
    scf.for %scan3A_302 = %scan3A_289 to %scan3A_291 step %scan3A_292  : i32 {
      %mul3A_303 = arith.constant 10240 : i32
      %mul3A_304 = arith.muli %add3A, %mul3A_303 : i32
      %mul3A_305 = arith.constant 128 : i32
      %mul3A_306 = arith.muli %scan3A_302, %mul3A_305 : i32
      %add3A_307 = arith.addi %mul3A_304, %mul3A_306 : i32
      "tpu.region"() ({
        %run_scoped3A = tpu.sem_alloc : memref<!tpu.dma_semaphore, #tpu.memory_space<semaphore_mem>>
        %dma_start3A = tpu.memref_slice %arg2[%add3A_307] : memref<327680xi32, #tpu.memory_space<hbm>> -> memref<128xi32, #tpu.memory_space<hbm>>
        %dma_start3A_308 = tpu.memref_slice %arg2[%add3A_307] : memref<327680xi32, #tpu.memory_space<hbm>> -> memref<128xi32, #tpu.memory_space<hbm>>
        tpu.enqueue_dma source(%dma_start3A_308 : memref<128xi32, #tpu.memory_space<hbm>>) target(%arg4 : memref<128xi32, #tpu.memory_space<vmem>>) target_semaphore(%run_scoped3A : memref<!tpu.dma_semaphore, #tpu.memory_space<semaphore_mem>>)
        %dma_wait3A = tpu.memref_slice %arg2[%add3A_307] : memref<327680xi32, #tpu.memory_space<hbm>> -> memref<128xi32, #tpu.memory_space<hbm>>
        %dma_wait3A_309 = tpu.memref_slice %arg2[%add3A_307] : memref<327680xi32, #tpu.memory_space<hbm>> -> memref<128xi32, #tpu.memory_space<hbm>>
        tpu.wait_dma2 semaphore(%run_scoped3A : memref<!tpu.dma_semaphore, #tpu.memory_space<semaphore_mem>>) src(%dma_wait3A_309 : memref<128xi32, #tpu.memory_space<hbm>>) dst(%arg4 : memref<128xi32, #tpu.memory_space<vmem>>)
        tpu.yield
      }) : () -> ()
      "tpu.region"() ({
        %run_scoped3A = tpu.sem_alloc : memref<!tpu.dma_semaphore, #tpu.memory_space<semaphore_mem>>
        %dma_start3A = arith.constant 0 : i32
        %dma_start3A_308 = tpu.memref_slice %arg7[%dma_start3A] : memref<10240xf32, #tpu.memory_space<vmem_shared>> -> memref<10240xf32, #tpu.memory_space<vmem_shared>>
        tpu.enqueue_indirect_dma source(%arg5 : memref<128xf32, #tpu.memory_space<vmem>>) target(%dma_start3A_308 : memref<10240xf32, #tpu.memory_space<vmem_shared>>) offsets(%arg4 : memref<128xi32, #tpu.memory_space<vmem>>) semaphore(%run_scoped3A : memref<!tpu.dma_semaphore, #tpu.memory_space<semaphore_mem>>) {add = true}
        %dma_wait3A = arith.constant 0 : i32
        %dma_wait3A_309 = tpu.memref_slice %arg7[%dma_wait3A] : memref<10240xf32, #tpu.memory_space<vmem_shared>> -> memref<10240xf32, #tpu.memory_space<vmem_shared>>
        tpu.wait_indirect_dma semaphore(%run_scoped3A : memref<!tpu.dma_semaphore, #tpu.memory_space<semaphore_mem>>) src(%arg5 : memref<128xf32, #tpu.memory_space<vmem>>) dst(%dma_wait3A_309 : memref<10240xf32, #tpu.memory_space<vmem_shared>>)
        tpu.yield
      }) : () -> ()
    }
    %scan3A_293 = arith.constant 80 : i32
    %barrier3A_294 = arith.constant 0 : index
    tpu.barrier barrier_id(%barrier3A_294)
    %mul3A_295 = arith.constant 640 : i32
    %mul3A_296 = arith.muli %arg1, %mul3A_295 : i32
    %mul3A_297 = arith.constant 10240 : i32
    %mul3A_298 = arith.muli %arg0, %mul3A_297 : i32
    %mul3A_299 = arith.constant 640 : i32
    %mul3A_300 = arith.muli %arg1, %mul3A_299 : i32
    %add3A_301 = arith.addi %mul3A_298, %mul3A_300 : i32
    "tpu.region"() ({
      %run_scoped3A = tpu.sem_alloc : memref<!tpu.dma_semaphore, #tpu.memory_space<semaphore_mem>>
      %dma_start3A = tpu.memref_slice %arg3[%add3A_301] : memref<20480xf32, #tpu.memory_space<hbm>> -> memref<640xf32, #tpu.memory_space<hbm>>
      %dma_start3A_302 = tpu.memref_slice %arg7[%mul3A_296] : memref<10240xf32, #tpu.memory_space<vmem_shared>> -> memref<640xf32, #tpu.memory_space<vmem_shared>>
      tpu.enqueue_dma source(%dma_start3A_302 : memref<640xf32, #tpu.memory_space<vmem_shared>>) target(%dma_start3A : memref<640xf32, #tpu.memory_space<hbm>>) target_semaphore(%run_scoped3A : memref<!tpu.dma_semaphore, #tpu.memory_space<semaphore_mem>>)
      %dma_wait3A = tpu.memref_slice %arg3[%add3A_301] : memref<20480xf32, #tpu.memory_space<hbm>> -> memref<640xf32, #tpu.memory_space<hbm>>
      %dma_wait3A_303 = tpu.memref_slice %arg7[%mul3A_296] : memref<10240xf32, #tpu.memory_space<vmem_shared>> -> memref<640xf32, #tpu.memory_space<vmem_shared>>
      tpu.wait_dma2 semaphore(%run_scoped3A : memref<!tpu.dma_semaphore, #tpu.memory_space<semaphore_mem>>) src(%dma_wait3A_303 : memref<640xf32, #tpu.memory_space<vmem_shared>>) dst(%dma_wait3A : memref<640xf32, #tpu.memory_space<hbm>>)
      tpu.yield
    }) : () -> ()
    return
  }
}

#map = affine_map<(d0, d1) -> (0, 0)>
module attributes {stable_mosaic.version = 14 : i64} {
  func.func @_conv_body(%arg0: i32, %arg1: i32, %arg2: memref<10240x128xf32, #tpu.memory_space<hbm>>, %arg3: memref<2560x128xi32, #tpu.memory_space<hbm>>, %arg4: memref<2560x128xi32, #tpu.memory_space<hbm>>, %arg5: memref<20480x128xf32, #tpu.memory_space<hbm>>, %arg6: memref<40x128xi32, #tpu.memory_space<vmem>>, %arg7: memref<40x128xi32, #tpu.memory_space<vmem>>, %arg8: memref<128x128xf32, #tpu.memory_space<vmem>>, %arg9: memref<128x128xf32, #tpu.memory_space<vmem>>, %arg10: memref<10240x128xf32, #tpu.memory_space<vmem_shared>>, %arg11: memref<!tpu.dma_semaphore, #tpu.memory_space<semaphore_mem>>, %arg12: memref<!tpu.dma_semaphore, #tpu.memory_space<semaphore_mem>>, %arg13: memref<!tpu.dma_semaphore, #tpu.memory_space<semaphore_mem>>, %arg14: memref<!tpu.dma_semaphore, #tpu.memory_space<semaphore_mem>>) attributes {dimension_semantics = [#tpu.dimension_semantics<core_parallel>, #tpu.dimension_semantics<subcore_parallel>], iteration_bounds = array<i64: 2, 16>, scalar_prefetch = 0 : i64, scratch_operands = 9 : i64, tpu.core_type = #tpu.core_type<sc_vector_subcore>, window_params = [{transform_indices = #map}, {transform_indices = #map}, {transform_indices = #map}, {transform_indices = #map}]} {
    %mul3A = arith.constant 16 : i32
    %mul3A_0 = arith.muli %arg0, %mul3A : i32
    %add3A = arith.addi %mul3A_0, %arg1 : i32
    %scan3A = arith.constant 0 : i32
    %scan3A_1 = arith.constant 0 : i32
    %scan3A_2 = arith.constant 128 : i32
    %scan3A_3 = arith.addi %scan3A_1, %scan3A_2 : i32
    %scan3A_4 = arith.constant 1 : i32
    scf.for %scan3A_80 = %scan3A_1 to %scan3A_3 step %scan3A_4  : i32 {
      %broadcast_in_dim3A = arith.constant 0.000000e+00 : f32
      %broadcast_in_dim3A_81 = vector.broadcast %broadcast_in_dim3A : f32 to vector<16xf32>
      %swap3A = arith.index_cast %scan3A_80 : i32 to index
      %swap3A_82 = arith.constant 0 : index
      %swap3A_83 = tpu.vector_load %arg8[%swap3A, %swap3A_82] {strides = array<i32>} : memref<128x128xf32, #tpu.memory_space<vmem>>, vector<1x16xf32>,
      %swap3A_84 = vector.shape_cast %swap3A_83 : vector<1x16xf32> to vector<16xf32>
      %swap3A_85 = vector.shape_cast %broadcast_in_dim3A_81 : vector<16xf32> to vector<1x16xf32>
      tpu.vector_store %arg8[%swap3A, %swap3A_82], %swap3A_85 {strides = array<i32>} : memref<128x128xf32, #tpu.memory_space<vmem>>, vector<1x16xf32>,
      %broadcast_in_dim3A_86 = arith.constant 0.000000e+00 : f32
      %broadcast_in_dim3A_87 = vector.broadcast %broadcast_in_dim3A_86 : f32 to vector<16xf32>
      %swap3A_88 = arith.index_cast %scan3A_80 : i32 to index
      %swap3A_89 = arith.constant 16 : index
      %swap3A_90 = tpu.vector_load %arg8[%swap3A_88, %swap3A_89] {strides = array<i32>} : memref<128x128xf32, #tpu.memory_space<vmem>>, vector<1x16xf32>,
      %swap3A_91 = vector.shape_cast %swap3A_90 : vector<1x16xf32> to vector<16xf32>
      %swap3A_92 = vector.shape_cast %broadcast_in_dim3A_87 : vector<16xf32> to vector<1x16xf32>
      tpu.vector_store %arg8[%swap3A_88, %swap3A_89], %swap3A_92 {strides = array<i32>} : memref<128x128xf32, #tpu.memory_space<vmem>>, vector<1x16xf32>,
      %broadcast_in_dim3A_93 = arith.constant 0.000000e+00 : f32
      %broadcast_in_dim3A_94 = vector.broadcast %broadcast_in_dim3A_93 : f32 to vector<16xf32>
      %swap3A_95 = arith.index_cast %scan3A_80 : i32 to index
      %swap3A_96 = arith.constant 32 : index
      %swap3A_97 = tpu.vector_load %arg8[%swap3A_95, %swap3A_96] {strides = array<i32>} : memref<128x128xf32, #tpu.memory_space<vmem>>, vector<1x16xf32>,
      %swap3A_98 = vector.shape_cast %swap3A_97 : vector<1x16xf32> to vector<16xf32>
      %swap3A_99 = vector.shape_cast %broadcast_in_dim3A_94 : vector<16xf32> to vector<1x16xf32>
      tpu.vector_store %arg8[%swap3A_95, %swap3A_96], %swap3A_99 {strides = array<i32>} : memref<128x128xf32, #tpu.memory_space<vmem>>, vector<1x16xf32>,
      %broadcast_in_dim3A_100 = arith.constant 0.000000e+00 : f32
      %broadcast_in_dim3A_101 = vector.broadcast %broadcast_in_dim3A_100 : f32 to vector<16xf32>
      %swap3A_102 = arith.index_cast %scan3A_80 : i32 to index
      %swap3A_103 = arith.constant 48 : index
      %swap3A_104 = tpu.vector_load %arg8[%swap3A_102, %swap3A_103] {strides = array<i32>} : memref<128x128xf32, #tpu.memory_space<vmem>>, vector<1x16xf32>,
      %swap3A_105 = vector.shape_cast %swap3A_104 : vector<1x16xf32> to vector<16xf32>
      %swap3A_106 = vector.shape_cast %broadcast_in_dim3A_101 : vector<16xf32> to vector<1x16xf32>
      tpu.vector_store %arg8[%swap3A_102, %swap3A_103], %swap3A_106 {strides = array<i32>} : memref<128x128xf32, #tpu.memory_space<vmem>>, vector<1x16xf32>,
      %broadcast_in_dim3A_107 = arith.constant 0.000000e+00 : f32
      %broadcast_in_dim3A_108 = vector.broadcast %broadcast_in_dim3A_107 : f32 to vector<16xf32>
      %swap3A_109 = arith.index_cast %scan3A_80 : i32 to index
      %swap3A_110 = arith.constant 64 : index
      %swap3A_111 = tpu.vector_load %arg8[%swap3A_109, %swap3A_110] {strides = array<i32>} : memref<128x128xf32, #tpu.memory_space<vmem>>, vector<1x16xf32>,
      %swap3A_112 = vector.shape_cast %swap3A_111 : vector<1x16xf32> to vector<16xf32>
      %swap3A_113 = vector.shape_cast %broadcast_in_dim3A_108 : vector<16xf32> to vector<1x16xf32>
      tpu.vector_store %arg8[%swap3A_109, %swap3A_110], %swap3A_113 {strides = array<i32>} : memref<128x128xf32, #tpu.memory_space<vmem>>, vector<1x16xf32>,
      %broadcast_in_dim3A_114 = arith.constant 0.000000e+00 : f32
      %broadcast_in_dim3A_115 = vector.broadcast %broadcast_in_dim3A_114 : f32 to vector<16xf32>
      %swap3A_116 = arith.index_cast %scan3A_80 : i32 to index
      %swap3A_117 = arith.constant 80 : index
      %swap3A_118 = tpu.vector_load %arg8[%swap3A_116, %swap3A_117] {strides = array<i32>} : memref<128x128xf32, #tpu.memory_space<vmem>>, vector<1x16xf32>,
      %swap3A_119 = vector.shape_cast %swap3A_118 : vector<1x16xf32> to vector<16xf32>
      %swap3A_120 = vector.shape_cast %broadcast_in_dim3A_115 : vector<16xf32> to vector<1x16xf32>
      tpu.vector_store %arg8[%swap3A_116, %swap3A_117], %swap3A_120 {strides = array<i32>} : memref<128x128xf32, #tpu.memory_space<vmem>>, vector<1x16xf32>,
      %broadcast_in_dim3A_121 = arith.constant 0.000000e+00 : f32
      %broadcast_in_dim3A_122 = vector.broadcast %broadcast_in_dim3A_121 : f32 to vector<16xf32>
      %swap3A_123 = arith.index_cast %scan3A_80 : i32 to index
      %swap3A_124 = arith.constant 96 : index
      %swap3A_125 = tpu.vector_load %arg8[%swap3A_123, %swap3A_124] {strides = array<i32>} : memref<128x128xf32, #tpu.memory_space<vmem>>, vector<1x16xf32>,
      %swap3A_126 = vector.shape_cast %swap3A_125 : vector<1x16xf32> to vector<16xf32>
      %swap3A_127 = vector.shape_cast %broadcast_in_dim3A_122 : vector<16xf32> to vector<1x16xf32>
      tpu.vector_store %arg8[%swap3A_123, %swap3A_124], %swap3A_127 {strides = array<i32>} : memref<128x128xf32, #tpu.memory_space<vmem>>, vector<1x16xf32>,
      %broadcast_in_dim3A_128 = arith.constant 0.000000e+00 : f32
      %broadcast_in_dim3A_129 = vector.broadcast %broadcast_in_dim3A_128 : f32 to vector<16xf32>
      %swap3A_130 = arith.index_cast %scan3A_80 : i32 to index
      %swap3A_131 = arith.constant 112 : index
      %swap3A_132 = tpu.vector_load %arg8[%swap3A_130, %swap3A_131] {strides = array<i32>} : memref<128x128xf32, #tpu.memory_space<vmem>>, vector<1x16xf32>,
      %swap3A_133 = vector.shape_cast %swap3A_132 : vector<1x16xf32> to vector<16xf32>
      %swap3A_134 = vector.shape_cast %broadcast_in_dim3A_129 : vector<16xf32> to vector<1x16xf32>
      tpu.vector_store %arg8[%swap3A_130, %swap3A_131], %swap3A_134 {strides = array<i32>} : memref<128x128xf32, #tpu.memory_space<vmem>>, vector<1x16xf32>,
    }
    %scan3A_5 = arith.constant 128 : i32
    %scan3A_6 = arith.constant 0 : i32
    %scan3A_7 = arith.constant 0 : i32
    %scan3A_8 = arith.constant 5 : i32
    %scan3A_9 = arith.addi %scan3A_7, %scan3A_8 : i32
    %scan3A_10 = arith.constant 1 : i32
    scf.for %scan3A_80 = %scan3A_7 to %scan3A_9 step %scan3A_10  : i32 {
      %mul3A_81 = arith.constant 640 : i32
      %mul3A_82 = arith.muli %arg1, %mul3A_81 : i32
      %mul3A_83 = arith.constant 128 : i32
      %mul3A_84 = arith.muli %scan3A_80, %mul3A_83 : i32
      %add3A_85 = arith.addi %mul3A_82, %mul3A_84 : i32
      "tpu.region"() ({
        %run_scoped3A = tpu.sem_alloc : memref<!tpu.dma_semaphore, #tpu.memory_space<semaphore_mem>>
        %dma_start3A_86 = arith.constant 0 : i32
        %dma_start3A_87 = tpu.memref_slice %arg10[%add3A_85, %dma_start3A_86] : memref<10240x128xf32, #tpu.memory_space<vmem_shared>> -> memref<128x128xf32, #tpu.memory_space<vmem_shared>>
        %dma_start3A_88 = arith.constant 0 : i32
        %dma_start3A_89 = tpu.memref_slice %arg10[%add3A_85, %dma_start3A_88] : memref<10240x128xf32, #tpu.memory_space<vmem_shared>> -> memref<128x128xf32, #tpu.memory_space<vmem_shared>>
        tpu.enqueue_dma source(%arg8 : memref<128x128xf32, #tpu.memory_space<vmem>>) target(%dma_start3A_89 : memref<128x128xf32, #tpu.memory_space<vmem_shared>>) target_semaphore(%run_scoped3A : memref<!tpu.dma_semaphore, #tpu.memory_space<semaphore_mem>>)
        %dma_wait3A_90 = arith.constant 0 : i32
        %dma_wait3A_91 = tpu.memref_slice %arg10[%add3A_85, %dma_wait3A_90] : memref<10240x128xf32, #tpu.memory_space<vmem_shared>> -> memref<128x128xf32, #tpu.memory_space<vmem_shared>>
        %dma_wait3A_92 = arith.constant 0 : i32
        %dma_wait3A_93 = tpu.memref_slice %arg10[%add3A_85, %dma_wait3A_92] : memref<10240x128xf32, #tpu.memory_space<vmem_shared>> -> memref<128x128xf32, #tpu.memory_space<vmem_shared>>
        tpu.wait_dma2 semaphore(%run_scoped3A : memref<!tpu.dma_semaphore, #tpu.memory_space<semaphore_mem>>) src(%arg8 : memref<128x128xf32, #tpu.memory_space<vmem>>) dst(%dma_wait3A_93 : memref<128x128xf32, #tpu.memory_space<vmem_shared>>)
        tpu.yield
      }) : () -> ()
    }
    %scan3A_11 = arith.constant 5 : i32
    %barrier3A = arith.constant 0 : index
    tpu.barrier barrier_id(%barrier3A)
    %mul3A_12 = arith.constant 80 : i32
    %mul3A_13 = arith.muli %add3A, %mul3A_12 : i32
    %add3A_14 = arith.constant 0 : i32
    %add3A_15 = arith.addi %mul3A_13, %add3A_14 : i32
    "tpu.region"() ({
      %run_scoped3A = tpu.sem_alloc : memref<!tpu.dma_semaphore, #tpu.memory_space<semaphore_mem>>
      %dma_start3A_80 = arith.constant 0 : i32
      %dma_start3A_81 = tpu.memref_slice %arg3[%add3A_15, %dma_start3A_80] : memref<2560x128xi32, #tpu.memory_space<hbm>> -> memref<40x128xi32, #tpu.memory_space<hbm>>
      %dma_start3A_82 = arith.constant 0 : i32
      %dma_start3A_83 = tpu.memref_slice %arg3[%add3A_15, %dma_start3A_82] : memref<2560x128xi32, #tpu.memory_space<hbm>> -> memref<40x128xi32, #tpu.memory_space<hbm>>
      tpu.enqueue_dma source(%dma_start3A_83 : memref<40x128xi32, #tpu.memory_space<hbm>>) target(%arg6 : memref<40x128xi32, #tpu.memory_space<vmem>>) target_semaphore(%run_scoped3A : memref<!tpu.dma_semaphore, #tpu.memory_space<semaphore_mem>>)
      %dma_wait3A_84 = arith.constant 0 : i32
      %dma_wait3A_85 = tpu.memref_slice %arg3[%add3A_15, %dma_wait3A_84] : memref<2560x128xi32, #tpu.memory_space<hbm>> -> memref<40x128xi32, #tpu.memory_space<hbm>>
      %dma_wait3A_86 = arith.constant 0 : i32
      %dma_wait3A_87 = tpu.memref_slice %arg3[%add3A_15, %dma_wait3A_86] : memref<2560x128xi32, #tpu.memory_space<hbm>> -> memref<40x128xi32, #tpu.memory_space<hbm>>
      tpu.wait_dma2 semaphore(%run_scoped3A : memref<!tpu.dma_semaphore, #tpu.memory_space<semaphore_mem>>) src(%dma_wait3A_87 : memref<40x128xi32, #tpu.memory_space<hbm>>) dst(%arg6 : memref<40x128xi32, #tpu.memory_space<vmem>>)
      tpu.yield
    }) : () -> ()
    "tpu.region"() ({
      %run_scoped3A = tpu.sem_alloc : memref<!tpu.dma_semaphore, #tpu.memory_space<semaphore_mem>>
      %dma_start3A_80 = arith.constant 0 : i32
      %dma_start3A_81 = tpu.memref_slice %arg4[%add3A_15, %dma_start3A_80] : memref<2560x128xi32, #tpu.memory_space<hbm>> -> memref<40x128xi32, #tpu.memory_space<hbm>>
      %dma_start3A_82 = arith.constant 0 : i32
      %dma_start3A_83 = tpu.memref_slice %arg4[%add3A_15, %dma_start3A_82] : memref<2560x128xi32, #tpu.memory_space<hbm>> -> memref<40x128xi32, #tpu.memory_space<hbm>>
      tpu.enqueue_dma source(%dma_start3A_83 : memref<40x128xi32, #tpu.memory_space<hbm>>) target(%arg7 : memref<40x128xi32, #tpu.memory_space<vmem>>) target_semaphore(%run_scoped3A : memref<!tpu.dma_semaphore, #tpu.memory_space<semaphore_mem>>)
      %dma_wait3A_84 = arith.constant 0 : i32
      %dma_wait3A_85 = tpu.memref_slice %arg4[%add3A_15, %dma_wait3A_84] : memref<2560x128xi32, #tpu.memory_space<hbm>> -> memref<40x128xi32, #tpu.memory_space<hbm>>
      %dma_wait3A_86 = arith.constant 0 : i32
      %dma_wait3A_87 = tpu.memref_slice %arg4[%add3A_15, %dma_wait3A_86] : memref<2560x128xi32, #tpu.memory_space<hbm>> -> memref<40x128xi32, #tpu.memory_space<hbm>>
      tpu.wait_dma2 semaphore(%run_scoped3A : memref<!tpu.dma_semaphore, #tpu.memory_space<semaphore_mem>>) src(%dma_wait3A_87 : memref<40x128xi32, #tpu.memory_space<hbm>>) dst(%arg7 : memref<40x128xi32, #tpu.memory_space<vmem>>)
      tpu.yield
    }) : () -> ()
    %dma_start3A = arith.constant 0 : i32
    %dma_start3A_16 = arith.constant 0 : i32
    %dma_start3A_17 = tpu.memref_slice %arg6[%dma_start3A, %dma_start3A_16] : memref<40x128xi32, #tpu.memory_space<vmem>> -> memref<1x128xi32, #tpu.memory_space<vmem>>
    %dma_start3A_18 = tpu.memref_squeeze %dma_start3A_17 : memref<1x128xi32, #tpu.memory_space<vmem>> -> memref<128xi32, #tpu.memory_space<vmem>>
    %dma_start3A_19 = arith.constant 0 : i32
    %dma_start3A_20 = arith.constant 0 : i32
    %dma_start3A_21 = tpu.memref_slice %arg2[%dma_start3A_19, %dma_start3A_20] : memref<10240x128xf32, #tpu.memory_space<hbm>> -> memref<10240x128xf32, #tpu.memory_space<hbm>>
    tpu.enqueue_indirect_dma source(%dma_start3A_21 : memref<10240x128xf32, #tpu.memory_space<hbm>>) target(%arg8 : memref<128x128xf32, #tpu.memory_space<vmem>>) offsets(%dma_start3A_18 : memref<128xi32, #tpu.memory_space<vmem>>) semaphore(%arg11 : memref<!tpu.dma_semaphore, #tpu.memory_space<semaphore_mem>>)
    %scan3A_22 = arith.constant 0 : i32
    %scan3A_23 = arith.constant 0 : i32
    %scan3A_24 = arith.constant 20 : i32
    %scan3A_25 = arith.addi %scan3A_23, %scan3A_24 : i32
    %scan3A_26 = arith.constant 1 : i32
    scf.for %scan3A_80 = %scan3A_23 to %scan3A_25 step %scan3A_26  : i32 {
      %mul3A_81 = arith.constant 2 : i32
      %mul3A_82 = arith.muli %mul3A_81, %scan3A_80 : i32
      %add3A_83 = arith.constant 1 : i32
      %add3A_84 = arith.addi %mul3A_82, %add3A_83 : i32
      %dma_wait3A_85 = arith.constant 0 : i32
      %dma_wait3A_86 = tpu.memref_slice %arg6[%mul3A_82, %dma_wait3A_85] : memref<40x128xi32, #tpu.memory_space<vmem>> -> memref<1x128xi32, #tpu.memory_space<vmem>>
      %dma_wait3A_87 = tpu.memref_squeeze %dma_wait3A_86 : memref<1x128xi32, #tpu.memory_space<vmem>> -> memref<128xi32, #tpu.memory_space<vmem>>
      %dma_wait3A_88 = arith.constant 0 : i32
      %dma_wait3A_89 = arith.constant 0 : i32
      %dma_wait3A_90 = tpu.memref_slice %arg2[%dma_wait3A_88, %dma_wait3A_89] : memref<10240x128xf32, #tpu.memory_space<hbm>> -> memref<10240x128xf32, #tpu.memory_space<hbm>>
      tpu.wait_indirect_dma semaphore(%arg11 : memref<!tpu.dma_semaphore, #tpu.memory_space<semaphore_mem>>) src(%dma_wait3A_90 : memref<10240x128xf32, #tpu.memory_space<hbm>>) dst(%arg8 : memref<128x128xf32, #tpu.memory_space<vmem>>)
      %dma_start3A_91 = arith.constant 0 : i32
      %dma_start3A_92 = tpu.memref_slice %arg7[%mul3A_82, %dma_start3A_91] : memref<40x128xi32, #tpu.memory_space<vmem>> -> memref<1x128xi32, #tpu.memory_space<vmem>>
      %dma_start3A_93 = tpu.memref_squeeze %dma_start3A_92 : memref<1x128xi32, #tpu.memory_space<vmem>> -> memref<128xi32, #tpu.memory_space<vmem>>
      %dma_start3A_94 = arith.constant 0 : i32
      %dma_start3A_95 = arith.constant 0 : i32
      %dma_start3A_96 = tpu.memref_slice %arg10[%dma_start3A_94, %dma_start3A_95] : memref<10240x128xf32, #tpu.memory_space<vmem_shared>> -> memref<10240x128xf32, #tpu.memory_space<vmem_shared>>
      tpu.enqueue_indirect_dma source(%arg8 : memref<128x128xf32, #tpu.memory_space<vmem>>) target(%dma_start3A_96 : memref<10240x128xf32, #tpu.memory_space<vmem_shared>>) offsets(%dma_start3A_93 : memref<128xi32, #tpu.memory_space<vmem>>) semaphore(%arg13 : memref<!tpu.dma_semaphore, #tpu.memory_space<semaphore_mem>>) {add = true}
      %gt3A = arith.constant 0 : i32
      %gt3A_97 = arith.cmpi sgt, %scan3A_80, %gt3A : i32
      %convert_element_type3A = arith.extui %gt3A_97 : i1 to i32
      %cond3A = arith.constant 0 : i32
      %cond3A_98 = arith.cmpi ne, %convert_element_type3A, %cond3A : i32
      scf.if %cond3A_98 {
        %dma_wait3A_133 = arith.constant 0 : i32
        %dma_wait3A_134 = arith.constant 0 : i32
        %dma_wait3A_135 = tpu.memref_slice %arg7[%dma_wait3A_133, %dma_wait3A_134] : memref<40x128xi32, #tpu.memory_space<vmem>> -> memref<1x128xi32, #tpu.memory_space<vmem>>
        %dma_wait3A_136 = tpu.memref_squeeze %dma_wait3A_135 : memref<1x128xi32, #tpu.memory_space<vmem>> -> memref<128xi32, #tpu.memory_space<vmem>>
        %dma_wait3A_137 = arith.constant 0 : i32
        %dma_wait3A_138 = arith.constant 0 : i32
        %dma_wait3A_139 = tpu.memref_slice %arg10[%dma_wait3A_137, %dma_wait3A_138] : memref<10240x128xf32, #tpu.memory_space<vmem_shared>> -> memref<10240x128xf32, #tpu.memory_space<vmem_shared>>
        tpu.wait_indirect_dma semaphore(%arg14 : memref<!tpu.dma_semaphore, #tpu.memory_space<semaphore_mem>>) src(%arg9 : memref<128x128xf32, #tpu.memory_space<vmem>>) dst(%dma_wait3A_139 : memref<10240x128xf32, #tpu.memory_space<vmem_shared>>)
      } else {
      }
      %dma_start3A_99 = arith.constant 0 : i32
      %dma_start3A_100 = tpu.memref_slice %arg6[%add3A_84, %dma_start3A_99] : memref<40x128xi32, #tpu.memory_space<vmem>> -> memref<1x128xi32, #tpu.memory_space<vmem>>
      %dma_start3A_101 = tpu.memref_squeeze %dma_start3A_100 : memref<1x128xi32, #tpu.memory_space<vmem>> -> memref<128xi32, #tpu.memory_space<vmem>>
      %dma_start3A_102 = arith.constant 0 : i32
      %dma_start3A_103 = arith.constant 0 : i32
      %dma_start3A_104 = tpu.memref_slice %arg2[%dma_start3A_102, %dma_start3A_103] : memref<10240x128xf32, #tpu.memory_space<hbm>> -> memref<10240x128xf32, #tpu.memory_space<hbm>>
      tpu.enqueue_indirect_dma source(%dma_start3A_104 : memref<10240x128xf32, #tpu.memory_space<hbm>>) target(%arg9 : memref<128x128xf32, #tpu.memory_space<vmem>>) offsets(%dma_start3A_101 : memref<128xi32, #tpu.memory_space<vmem>>) semaphore(%arg12 : memref<!tpu.dma_semaphore, #tpu.memory_space<semaphore_mem>>)
      %dma_wait3A_105 = arith.constant 0 : i32
      %dma_wait3A_106 = tpu.memref_slice %arg6[%add3A_84, %dma_wait3A_105] : memref<40x128xi32, #tpu.memory_space<vmem>> -> memref<1x128xi32, #tpu.memory_space<vmem>>
      %dma_wait3A_107 = tpu.memref_squeeze %dma_wait3A_106 : memref<1x128xi32, #tpu.memory_space<vmem>> -> memref<128xi32, #tpu.memory_space<vmem>>
      %dma_wait3A_108 = arith.constant 0 : i32
      %dma_wait3A_109 = arith.constant 0 : i32
      %dma_wait3A_110 = tpu.memref_slice %arg2[%dma_wait3A_108, %dma_wait3A_109] : memref<10240x128xf32, #tpu.memory_space<hbm>> -> memref<10240x128xf32, #tpu.memory_space<hbm>>
      tpu.wait_indirect_dma semaphore(%arg12 : memref<!tpu.dma_semaphore, #tpu.memory_space<semaphore_mem>>) src(%dma_wait3A_110 : memref<10240x128xf32, #tpu.memory_space<hbm>>) dst(%arg9 : memref<128x128xf32, #tpu.memory_space<vmem>>)
      %dma_start3A_111 = arith.constant 0 : i32
      %dma_start3A_112 = tpu.memref_slice %arg7[%add3A_84, %dma_start3A_111] : memref<40x128xi32, #tpu.memory_space<vmem>> -> memref<1x128xi32, #tpu.memory_space<vmem>>
      %dma_start3A_113 = tpu.memref_squeeze %dma_start3A_112 : memref<1x128xi32, #tpu.memory_space<vmem>> -> memref<128xi32, #tpu.memory_space<vmem>>
      %dma_start3A_114 = arith.constant 0 : i32
      %dma_start3A_115 = arith.constant 0 : i32
      %dma_start3A_116 = tpu.memref_slice %arg10[%dma_start3A_114, %dma_start3A_115] : memref<10240x128xf32, #tpu.memory_space<vmem_shared>> -> memref<10240x128xf32, #tpu.memory_space<vmem_shared>>
      tpu.enqueue_indirect_dma source(%arg9 : memref<128x128xf32, #tpu.memory_space<vmem>>) target(%dma_start3A_116 : memref<10240x128xf32, #tpu.memory_space<vmem_shared>>) offsets(%dma_start3A_113 : memref<128xi32, #tpu.memory_space<vmem>>) semaphore(%arg14 : memref<!tpu.dma_semaphore, #tpu.memory_space<semaphore_mem>>) {add = true}
      %dma_wait3A_117 = arith.constant 0 : i32
      %dma_wait3A_118 = arith.constant 0 : i32
      %dma_wait3A_119 = tpu.memref_slice %arg7[%dma_wait3A_117, %dma_wait3A_118] : memref<40x128xi32, #tpu.memory_space<vmem>> -> memref<1x128xi32, #tpu.memory_space<vmem>>
      %dma_wait3A_120 = tpu.memref_squeeze %dma_wait3A_119 : memref<1x128xi32, #tpu.memory_space<vmem>> -> memref<128xi32, #tpu.memory_space<vmem>>
      %dma_wait3A_121 = arith.constant 0 : i32
      %dma_wait3A_122 = arith.constant 0 : i32
      %dma_wait3A_123 = tpu.memref_slice %arg10[%dma_wait3A_121, %dma_wait3A_122] : memref<10240x128xf32, #tpu.memory_space<vmem_shared>> -> memref<10240x128xf32, #tpu.memory_space<vmem_shared>>
      tpu.wait_indirect_dma semaphore(%arg13 : memref<!tpu.dma_semaphore, #tpu.memory_space<semaphore_mem>>) src(%arg8 : memref<128x128xf32, #tpu.memory_space<vmem>>) dst(%dma_wait3A_123 : memref<10240x128xf32, #tpu.memory_space<vmem_shared>>)
      %add3A_124 = arith.constant 2 : i32
      %add3A_125 = arith.addi %mul3A_82, %add3A_124 : i32
      %min3A = arith.constant 39 : i32
      %min3A_126 = arith.minsi %add3A_125, %min3A : i32
      %dma_start3A_127 = arith.constant 0 : i32
      %dma_start3A_128 = tpu.memref_slice %arg6[%min3A_126, %dma_start3A_127] : memref<40x128xi32, #tpu.memory_space<vmem>> -> memref<1x128xi32, #tpu.memory_space<vmem>>
      %dma_start3A_129 = tpu.memref_squeeze %dma_start3A_128 : memref<1x128xi32, #tpu.memory_space<vmem>> -> memref<128xi32, #tpu.memory_space<vmem>>
      %dma_start3A_130 = arith.constant 0 : i32
      %dma_start3A_131 = arith.constant 0 : i32
      %dma_start3A_132 = tpu.memref_slice %arg2[%dma_start3A_130, %dma_start3A_131] : memref<10240x128xf32, #tpu.memory_space<hbm>> -> memref<10240x128xf32, #tpu.memory_space<hbm>>
      tpu.enqueue_indirect_dma source(%dma_start3A_132 : memref<10240x128xf32, #tpu.memory_space<hbm>>) target(%arg8 : memref<128x128xf32, #tpu.memory_space<vmem>>) offsets(%dma_start3A_129 : memref<128xi32, #tpu.memory_space<vmem>>) semaphore(%arg11 : memref<!tpu.dma_semaphore, #tpu.memory_space<semaphore_mem>>)
    }
    %scan3A_27 = arith.constant 20 : i32
    %dma_wait3A = arith.constant 0 : i32
    %dma_wait3A_28 = arith.constant 0 : i32
    %dma_wait3A_29 = tpu.memref_slice %arg7[%dma_wait3A, %dma_wait3A_28] : memref<40x128xi32, #tpu.memory_space<vmem>> -> memref<1x128xi32, #tpu.memory_space<vmem>>
    %dma_wait3A_30 = tpu.memref_squeeze %dma_wait3A_29 : memref<1x128xi32, #tpu.memory_space<vmem>> -> memref<128xi32, #tpu.memory_space<vmem>>
    %dma_wait3A_31 = arith.constant 0 : i32
    %dma_wait3A_32 = arith.constant 0 : i32
    %dma_wait3A_33 = tpu.memref_slice %arg10[%dma_wait3A_31, %dma_wait3A_32] : memref<10240x128xf32, #tpu.memory_space<vmem_shared>> -> memref<10240x128xf32, #tpu.memory_space<vmem_shared>>
    tpu.wait_indirect_dma semaphore(%arg14 : memref<!tpu.dma_semaphore, #tpu.memory_space<semaphore_mem>>) src(%arg9 : memref<128x128xf32, #tpu.memory_space<vmem>>) dst(%dma_wait3A_33 : memref<10240x128xf32, #tpu.memory_space<vmem_shared>>)
    %dma_wait3A_34 = arith.constant 0 : i32
    %dma_wait3A_35 = arith.constant 0 : i32
    %dma_wait3A_36 = tpu.memref_slice %arg6[%dma_wait3A_34, %dma_wait3A_35] : memref<40x128xi32, #tpu.memory_space<vmem>> -> memref<1x128xi32, #tpu.memory_space<vmem>>
    %dma_wait3A_37 = tpu.memref_squeeze %dma_wait3A_36 : memref<1x128xi32, #tpu.memory_space<vmem>> -> memref<128xi32, #tpu.memory_space<vmem>>
    %dma_wait3A_38 = arith.constant 0 : i32
    %dma_wait3A_39 = arith.constant 0 : i32
    %dma_wait3A_40 = tpu.memref_slice %arg2[%dma_wait3A_38, %dma_wait3A_39] : memref<10240x128xf32, #tpu.memory_space<hbm>> -> memref<10240x128xf32, #tpu.memory_space<hbm>>
    tpu.wait_indirect_dma semaphore(%arg11 : memref<!tpu.dma_semaphore, #tpu.memory_space<semaphore_mem>>) src(%dma_wait3A_40 : memref<10240x128xf32, #tpu.memory_space<hbm>>) dst(%arg8 : memref<128x128xf32, #tpu.memory_space<vmem>>)
    %mul3A_41 = arith.constant 80 : i32
    %mul3A_42 = arith.muli %add3A, %mul3A_41 : i32
    %add3A_43 = arith.constant 40 : i32
    %add3A_44 = arith.addi %mul3A_42, %add3A_43 : i32
    "tpu.region"() ({
      %run_scoped3A = tpu.sem_alloc : memref<!tpu.dma_semaphore, #tpu.memory_space<semaphore_mem>>
      %dma_start3A_80 = arith.constant 0 : i32
      %dma_start3A_81 = tpu.memref_slice %arg3[%add3A_44, %dma_start3A_80] : memref<2560x128xi32, #tpu.memory_space<hbm>> -> memref<40x128xi32, #tpu.memory_space<hbm>>
      %dma_start3A_82 = arith.constant 0 : i32
      %dma_start3A_83 = tpu.memref_slice %arg3[%add3A_44, %dma_start3A_82] : memref<2560x128xi32, #tpu.memory_space<hbm>> -> memref<40x128xi32, #tpu.memory_space<hbm>>
      tpu.enqueue_dma source(%dma_start3A_83 : memref<40x128xi32, #tpu.memory_space<hbm>>) target(%arg6 : memref<40x128xi32, #tpu.memory_space<vmem>>) target_semaphore(%run_scoped3A : memref<!tpu.dma_semaphore, #tpu.memory_space<semaphore_mem>>)
      %dma_wait3A_84 = arith.constant 0 : i32
      %dma_wait3A_85 = tpu.memref_slice %arg3[%add3A_44, %dma_wait3A_84] : memref<2560x128xi32, #tpu.memory_space<hbm>> -> memref<40x128xi32, #tpu.memory_space<hbm>>
      %dma_wait3A_86 = arith.constant 0 : i32
      %dma_wait3A_87 = tpu.memref_slice %arg3[%add3A_44, %dma_wait3A_86] : memref<2560x128xi32, #tpu.memory_space<hbm>> -> memref<40x128xi32, #tpu.memory_space<hbm>>
      tpu.wait_dma2 semaphore(%run_scoped3A : memref<!tpu.dma_semaphore, #tpu.memory_space<semaphore_mem>>) src(%dma_wait3A_87 : memref<40x128xi32, #tpu.memory_space<hbm>>) dst(%arg6 : memref<40x128xi32, #tpu.memory_space<vmem>>)
      tpu.yield
    }) : () -> ()
    "tpu.region"() ({
      %run_scoped3A = tpu.sem_alloc : memref<!tpu.dma_semaphore, #tpu.memory_space<semaphore_mem>>
      %dma_start3A_80 = arith.constant 0 : i32
      %dma_start3A_81 = tpu.memref_slice %arg4[%add3A_44, %dma_start3A_80] : memref<2560x128xi32, #tpu.memory_space<hbm>> -> memref<40x128xi32, #tpu.memory_space<hbm>>
      %dma_start3A_82 = arith.constant 0 : i32
      %dma_start3A_83 = tpu.memref_slice %arg4[%add3A_44, %dma_start3A_82] : memref<2560x128xi32, #tpu.memory_space<hbm>> -> memref<40x128xi32, #tpu.memory_space<hbm>>
      tpu.enqueue_dma source(%dma_start3A_83 : memref<40x128xi32, #tpu.memory_space<hbm>>) target(%arg7 : memref<40x128xi32, #tpu.memory_space<vmem>>) target_semaphore(%run_scoped3A : memref<!tpu.dma_semaphore, #tpu.memory_space<semaphore_mem>>)
      %dma_wait3A_84 = arith.constant 0 : i32
      %dma_wait3A_85 = tpu.memref_slice %arg4[%add3A_44, %dma_wait3A_84] : memref<2560x128xi32, #tpu.memory_space<hbm>> -> memref<40x128xi32, #tpu.memory_space<hbm>>
      %dma_wait3A_86 = arith.constant 0 : i32
      %dma_wait3A_87 = tpu.memref_slice %arg4[%add3A_44, %dma_wait3A_86] : memref<2560x128xi32, #tpu.memory_space<hbm>> -> memref<40x128xi32, #tpu.memory_space<hbm>>
      tpu.wait_dma2 semaphore(%run_scoped3A : memref<!tpu.dma_semaphore, #tpu.memory_space<semaphore_mem>>) src(%dma_wait3A_87 : memref<40x128xi32, #tpu.memory_space<hbm>>) dst(%arg7 : memref<40x128xi32, #tpu.memory_space<vmem>>)
      tpu.yield
    }) : () -> ()
    %dma_start3A_45 = arith.constant 0 : i32
    %dma_start3A_46 = arith.constant 0 : i32
    %dma_start3A_47 = tpu.memref_slice %arg6[%dma_start3A_45, %dma_start3A_46] : memref<40x128xi32, #tpu.memory_space<vmem>> -> memref<1x128xi32, #tpu.memory_space<vmem>>
    %dma_start3A_48 = tpu.memref_squeeze %dma_start3A_47 : memref<1x128xi32, #tpu.memory_space<vmem>> -> memref<128xi32, #tpu.memory_space<vmem>>
    %dma_start3A_49 = arith.constant 0 : i32
    %dma_start3A_50 = arith.constant 0 : i32
    %dma_start3A_51 = tpu.memref_slice %arg2[%dma_start3A_49, %dma_start3A_50] : memref<10240x128xf32, #tpu.memory_space<hbm>> -> memref<10240x128xf32, #tpu.memory_space<hbm>>
    tpu.enqueue_indirect_dma source(%dma_start3A_51 : memref<10240x128xf32, #tpu.memory_space<hbm>>) target(%arg8 : memref<128x128xf32, #tpu.memory_space<vmem>>) offsets(%dma_start3A_48 : memref<128xi32, #tpu.memory_space<vmem>>) semaphore(%arg11 : memref<!tpu.dma_semaphore, #tpu.memory_space<semaphore_mem>>)
    %scan3A_52 = arith.constant 0 : i32
    %scan3A_53 = arith.constant 0 : i32
    %scan3A_54 = arith.constant 20 : i32
    %scan3A_55 = arith.addi %scan3A_53, %scan3A_54 : i32
    %scan3A_56 = arith.constant 1 : i32
    scf.for %scan3A_80 = %scan3A_53 to %scan3A_55 step %scan3A_56  : i32 {
      %mul3A_81 = arith.constant 2 : i32
      %mul3A_82 = arith.muli %mul3A_81, %scan3A_80 : i32
      %add3A_83 = arith.constant 1 : i32
      %add3A_84 = arith.addi %mul3A_82, %add3A_83 : i32
      %dma_wait3A_85 = arith.constant 0 : i32
      %dma_wait3A_86 = tpu.memref_slice %arg6[%mul3A_82, %dma_wait3A_85] : memref<40x128xi32, #tpu.memory_space<vmem>> -> memref<1x128xi32, #tpu.memory_space<vmem>>
      %dma_wait3A_87 = tpu.memref_squeeze %dma_wait3A_86 : memref<1x128xi32, #tpu.memory_space<vmem>> -> memref<128xi32, #tpu.memory_space<vmem>>
      %dma_wait3A_88 = arith.constant 0 : i32
      %dma_wait3A_89 = arith.constant 0 : i32
      %dma_wait3A_90 = tpu.memref_slice %arg2[%dma_wait3A_88, %dma_wait3A_89] : memref<10240x128xf32, #tpu.memory_space<hbm>> -> memref<10240x128xf32, #tpu.memory_space<hbm>>
      tpu.wait_indirect_dma semaphore(%arg11 : memref<!tpu.dma_semaphore, #tpu.memory_space<semaphore_mem>>) src(%dma_wait3A_90 : memref<10240x128xf32, #tpu.memory_space<hbm>>) dst(%arg8 : memref<128x128xf32, #tpu.memory_space<vmem>>)
      %dma_start3A_91 = arith.constant 0 : i32
      %dma_start3A_92 = tpu.memref_slice %arg7[%mul3A_82, %dma_start3A_91] : memref<40x128xi32, #tpu.memory_space<vmem>> -> memref<1x128xi32, #tpu.memory_space<vmem>>
      %dma_start3A_93 = tpu.memref_squeeze %dma_start3A_92 : memref<1x128xi32, #tpu.memory_space<vmem>> -> memref<128xi32, #tpu.memory_space<vmem>>
      %dma_start3A_94 = arith.constant 0 : i32
      %dma_start3A_95 = arith.constant 0 : i32
      %dma_start3A_96 = tpu.memref_slice %arg10[%dma_start3A_94, %dma_start3A_95] : memref<10240x128xf32, #tpu.memory_space<vmem_shared>> -> memref<10240x128xf32, #tpu.memory_space<vmem_shared>>
      tpu.enqueue_indirect_dma source(%arg8 : memref<128x128xf32, #tpu.memory_space<vmem>>) target(%dma_start3A_96 : memref<10240x128xf32, #tpu.memory_space<vmem_shared>>) offsets(%dma_start3A_93 : memref<128xi32, #tpu.memory_space<vmem>>) semaphore(%arg13 : memref<!tpu.dma_semaphore, #tpu.memory_space<semaphore_mem>>) {add = true}
      %gt3A = arith.constant 0 : i32
      %gt3A_97 = arith.cmpi sgt, %scan3A_80, %gt3A : i32
      %convert_element_type3A = arith.extui %gt3A_97 : i1 to i32
      %cond3A = arith.constant 0 : i32
      %cond3A_98 = arith.cmpi ne, %convert_element_type3A, %cond3A : i32
      scf.if %cond3A_98 {
        %dma_wait3A_133 = arith.constant 0 : i32
        %dma_wait3A_134 = arith.constant 0 : i32
        %dma_wait3A_135 = tpu.memref_slice %arg7[%dma_wait3A_133, %dma_wait3A_134] : memref<40x128xi32, #tpu.memory_space<vmem>> -> memref<1x128xi32, #tpu.memory_space<vmem>>
        %dma_wait3A_136 = tpu.memref_squeeze %dma_wait3A_135 : memref<1x128xi32, #tpu.memory_space<vmem>> -> memref<128xi32, #tpu.memory_space<vmem>>
        %dma_wait3A_137 = arith.constant 0 : i32
        %dma_wait3A_138 = arith.constant 0 : i32
        %dma_wait3A_139 = tpu.memref_slice %arg10[%dma_wait3A_137, %dma_wait3A_138] : memref<10240x128xf32, #tpu.memory_space<vmem_shared>> -> memref<10240x128xf32, #tpu.memory_space<vmem_shared>>
        tpu.wait_indirect_dma semaphore(%arg14 : memref<!tpu.dma_semaphore, #tpu.memory_space<semaphore_mem>>) src(%arg9 : memref<128x128xf32, #tpu.memory_space<vmem>>) dst(%dma_wait3A_139 : memref<10240x128xf32, #tpu.memory_space<vmem_shared>>)
      } else {
      }
      %dma_start3A_99 = arith.constant 0 : i32
      %dma_start3A_100 = tpu.memref_slice %arg6[%add3A_84, %dma_start3A_99] : memref<40x128xi32, #tpu.memory_space<vmem>> -> memref<1x128xi32, #tpu.memory_space<vmem>>
      %dma_start3A_101 = tpu.memref_squeeze %dma_start3A_100 : memref<1x128xi32, #tpu.memory_space<vmem>> -> memref<128xi32, #tpu.memory_space<vmem>>
      %dma_start3A_102 = arith.constant 0 : i32
      %dma_start3A_103 = arith.constant 0 : i32
      %dma_start3A_104 = tpu.memref_slice %arg2[%dma_start3A_102, %dma_start3A_103] : memref<10240x128xf32, #tpu.memory_space<hbm>> -> memref<10240x128xf32, #tpu.memory_space<hbm>>
      tpu.enqueue_indirect_dma source(%dma_start3A_104 : memref<10240x128xf32, #tpu.memory_space<hbm>>) target(%arg9 : memref<128x128xf32, #tpu.memory_space<vmem>>) offsets(%dma_start3A_101 : memref<128xi32, #tpu.memory_space<vmem>>) semaphore(%arg12 : memref<!tpu.dma_semaphore, #tpu.memory_space<semaphore_mem>>)
      %dma_wait3A_105 = arith.constant 0 : i32
      %dma_wait3A_106 = tpu.memref_slice %arg6[%add3A_84, %dma_wait3A_105] : memref<40x128xi32, #tpu.memory_space<vmem>> -> memref<1x128xi32, #tpu.memory_space<vmem>>
      %dma_wait3A_107 = tpu.memref_squeeze %dma_wait3A_106 : memref<1x128xi32, #tpu.memory_space<vmem>> -> memref<128xi32, #tpu.memory_space<vmem>>
      %dma_wait3A_108 = arith.constant 0 : i32
      %dma_wait3A_109 = arith.constant 0 : i32
      %dma_wait3A_110 = tpu.memref_slice %arg2[%dma_wait3A_108, %dma_wait3A_109] : memref<10240x128xf32, #tpu.memory_space<hbm>> -> memref<10240x128xf32, #tpu.memory_space<hbm>>
      tpu.wait_indirect_dma semaphore(%arg12 : memref<!tpu.dma_semaphore, #tpu.memory_space<semaphore_mem>>) src(%dma_wait3A_110 : memref<10240x128xf32, #tpu.memory_space<hbm>>) dst(%arg9 : memref<128x128xf32, #tpu.memory_space<vmem>>)
      %dma_start3A_111 = arith.constant 0 : i32
      %dma_start3A_112 = tpu.memref_slice %arg7[%add3A_84, %dma_start3A_111] : memref<40x128xi32, #tpu.memory_space<vmem>> -> memref<1x128xi32, #tpu.memory_space<vmem>>
      %dma_start3A_113 = tpu.memref_squeeze %dma_start3A_112 : memref<1x128xi32, #tpu.memory_space<vmem>> -> memref<128xi32, #tpu.memory_space<vmem>>
      %dma_start3A_114 = arith.constant 0 : i32
      %dma_start3A_115 = arith.constant 0 : i32
      %dma_start3A_116 = tpu.memref_slice %arg10[%dma_start3A_114, %dma_start3A_115] : memref<10240x128xf32, #tpu.memory_space<vmem_shared>> -> memref<10240x128xf32, #tpu.memory_space<vmem_shared>>
      tpu.enqueue_indirect_dma source(%arg9 : memref<128x128xf32, #tpu.memory_space<vmem>>) target(%dma_start3A_116 : memref<10240x128xf32, #tpu.memory_space<vmem_shared>>) offsets(%dma_start3A_113 : memref<128xi32, #tpu.memory_space<vmem>>) semaphore(%arg14 : memref<!tpu.dma_semaphore, #tpu.memory_space<semaphore_mem>>) {add = true}
      %dma_wait3A_117 = arith.constant 0 : i32
      %dma_wait3A_118 = arith.constant 0 : i32
      %dma_wait3A_119 = tpu.memref_slice %arg7[%dma_wait3A_117, %dma_wait3A_118] : memref<40x128xi32, #tpu.memory_space<vmem>> -> memref<1x128xi32, #tpu.memory_space<vmem>>
      %dma_wait3A_120 = tpu.memref_squeeze %dma_wait3A_119 : memref<1x128xi32, #tpu.memory_space<vmem>> -> memref<128xi32, #tpu.memory_space<vmem>>
      %dma_wait3A_121 = arith.constant 0 : i32
      %dma_wait3A_122 = arith.constant 0 : i32
      %dma_wait3A_123 = tpu.memref_slice %arg10[%dma_wait3A_121, %dma_wait3A_122] : memref<10240x128xf32, #tpu.memory_space<vmem_shared>> -> memref<10240x128xf32, #tpu.memory_space<vmem_shared>>
      tpu.wait_indirect_dma semaphore(%arg13 : memref<!tpu.dma_semaphore, #tpu.memory_space<semaphore_mem>>) src(%arg8 : memref<128x128xf32, #tpu.memory_space<vmem>>) dst(%dma_wait3A_123 : memref<10240x128xf32, #tpu.memory_space<vmem_shared>>)
      %add3A_124 = arith.constant 2 : i32
      %add3A_125 = arith.addi %mul3A_82, %add3A_124 : i32
      %min3A = arith.constant 39 : i32
      %min3A_126 = arith.minsi %add3A_125, %min3A : i32
      %dma_start3A_127 = arith.constant 0 : i32
      %dma_start3A_128 = tpu.memref_slice %arg6[%min3A_126, %dma_start3A_127] : memref<40x128xi32, #tpu.memory_space<vmem>> -> memref<1x128xi32, #tpu.memory_space<vmem>>
      %dma_start3A_129 = tpu.memref_squeeze %dma_start3A_128 : memref<1x128xi32, #tpu.memory_space<vmem>> -> memref<128xi32, #tpu.memory_space<vmem>>
      %dma_start3A_130 = arith.constant 0 : i32
      %dma_start3A_131 = arith.constant 0 : i32
      %dma_start3A_132 = tpu.memref_slice %arg2[%dma_start3A_130, %dma_start3A_131] : memref<10240x128xf32, #tpu.memory_space<hbm>> -> memref<10240x128xf32, #tpu.memory_space<hbm>>
      tpu.enqueue_indirect_dma source(%dma_start3A_132 : memref<10240x128xf32, #tpu.memory_space<hbm>>) target(%arg8 : memref<128x128xf32, #tpu.memory_space<vmem>>) offsets(%dma_start3A_129 : memref<128xi32, #tpu.memory_space<vmem>>) semaphore(%arg11 : memref<!tpu.dma_semaphore, #tpu.memory_space<semaphore_mem>>)
    }
    %scan3A_57 = arith.constant 20 : i32
    %dma_wait3A_58 = arith.constant 0 : i32
    %dma_wait3A_59 = arith.constant 0 : i32
    %dma_wait3A_60 = tpu.memref_slice %arg7[%dma_wait3A_58, %dma_wait3A_59] : memref<40x128xi32, #tpu.memory_space<vmem>> -> memref<1x128xi32, #tpu.memory_space<vmem>>
    %dma_wait3A_61 = tpu.memref_squeeze %dma_wait3A_60 : memref<1x128xi32, #tpu.memory_space<vmem>> -> memref<128xi32, #tpu.memory_space<vmem>>
    %dma_wait3A_62 = arith.constant 0 : i32
    %dma_wait3A_63 = arith.constant 0 : i32
    %dma_wait3A_64 = tpu.memref_slice %arg10[%dma_wait3A_62, %dma_wait3A_63] : memref<10240x128xf32, #tpu.memory_space<vmem_shared>> -> memref<10240x128xf32, #tpu.memory_space<vmem_shared>>
    tpu.wait_indirect_dma semaphore(%arg14 : memref<!tpu.dma_semaphore, #tpu.memory_space<semaphore_mem>>) src(%arg9 : memref<128x128xf32, #tpu.memory_space<vmem>>) dst(%dma_wait3A_64 : memref<10240x128xf32, #tpu.memory_space<vmem_shared>>)
    %dma_wait3A_65 = arith.constant 0 : i32
    %dma_wait3A_66 = arith.constant 0 : i32
    %dma_wait3A_67 = tpu.memref_slice %arg6[%dma_wait3A_65, %dma_wait3A_66] : memref<40x128xi32, #tpu.memory_space<vmem>> -> memref<1x128xi32, #tpu.memory_space<vmem>>
    %dma_wait3A_68 = tpu.memref_squeeze %dma_wait3A_67 : memref<1x128xi32, #tpu.memory_space<vmem>> -> memref<128xi32, #tpu.memory_space<vmem>>
    %dma_wait3A_69 = arith.constant 0 : i32
    %dma_wait3A_70 = arith.constant 0 : i32
    %dma_wait3A_71 = tpu.memref_slice %arg2[%dma_wait3A_69, %dma_wait3A_70] : memref<10240x128xf32, #tpu.memory_space<hbm>> -> memref<10240x128xf32, #tpu.memory_space<hbm>>
    tpu.wait_indirect_dma semaphore(%arg11 : memref<!tpu.dma_semaphore, #tpu.memory_space<semaphore_mem>>) src(%dma_wait3A_71 : memref<10240x128xf32, #tpu.memory_space<hbm>>) dst(%arg8 : memref<128x128xf32, #tpu.memory_space<vmem>>)
    %barrier3A_72 = arith.constant 0 : index
    tpu.barrier barrier_id(%barrier3A_72)
    %mul3A_73 = arith.constant 640 : i32
    %mul3A_74 = arith.muli %arg1, %mul3A_73 : i32
    %mul3A_75 = arith.constant 10240 : i32
    %mul3A_76 = arith.muli %arg0, %mul3A_75 : i32
    %mul3A_77 = arith.constant 640 : i32
    %mul3A_78 = arith.muli %arg1, %mul3A_77 : i32
    %add3A_79 = arith.addi %mul3A_76, %mul3A_78 : i32
    "tpu.region"() ({
      %run_scoped3A = tpu.sem_alloc : memref<!tpu.dma_semaphore, #tpu.memory_space<semaphore_mem>>
      %dma_start3A_80 = arith.constant 0 : i32
      %dma_start3A_81 = tpu.memref_slice %arg5[%add3A_79, %dma_start3A_80] : memref<20480x128xf32, #tpu.memory_space<hbm>> -> memref<640x128xf32, #tpu.memory_space<hbm>>
      %dma_start3A_82 = arith.constant 0 : i32
      %dma_start3A_83 = tpu.memref_slice %arg10[%mul3A_74, %dma_start3A_82] : memref<10240x128xf32, #tpu.memory_space<vmem_shared>> -> memref<640x128xf32, #tpu.memory_space<vmem_shared>>
      tpu.enqueue_dma source(%dma_start3A_83 : memref<640x128xf32, #tpu.memory_space<vmem_shared>>) target(%dma_start3A_81 : memref<640x128xf32, #tpu.memory_space<hbm>>) target_semaphore(%run_scoped3A : memref<!tpu.dma_semaphore, #tpu.memory_space<semaphore_mem>>)
      %dma_wait3A_84 = arith.constant 0 : i32
      %dma_wait3A_85 = tpu.memref_slice %arg5[%add3A_79, %dma_wait3A_84] : memref<20480x128xf32, #tpu.memory_space<hbm>> -> memref<640x128xf32, #tpu.memory_space<hbm>>
      %dma_wait3A_86 = arith.constant 0 : i32
      %dma_wait3A_87 = tpu.memref_slice %arg10[%mul3A_74, %dma_wait3A_86] : memref<10240x128xf32, #tpu.memory_space<vmem_shared>> -> memref<640x128xf32, #tpu.memory_space<vmem_shared>>
      tpu.wait_dma2 semaphore(%run_scoped3A : memref<!tpu.dma_semaphore, #tpu.memory_space<semaphore_mem>>) src(%dma_wait3A_87 : memref<640x128xf32, #tpu.memory_space<vmem_shared>>) dst(%dma_wait3A_85 : memref<640x128xf32, #tpu.memory_space<hbm>>)
      tpu.yield
    }) : () -> ()
    return
  }
}

#map = affine_map<(d0, d1) -> (0, 0)>
module attributes {stable_mosaic.version = 14 : i64} {
  func.func @_conv_body(%arg0: i32, %arg1: i32, %arg2: memref<10240x128xf32, #tpu.memory_space<hbm>>, %arg3: memref<2560x128xi32, #tpu.memory_space<hbm>>, %arg4: memref<2560x128xi32, #tpu.memory_space<hbm>>, %arg5: memref<20480x128xf32, #tpu.memory_space<hbm>>, %arg6: memref<40x128xi32, #tpu.memory_space<vmem>>, %arg7: memref<40x128xi32, #tpu.memory_space<vmem>>, %arg8: memref<128x128xf32, #tpu.memory_space<vmem>>, %arg9: memref<128x128xf32, #tpu.memory_space<vmem>>, %arg10: memref<10240x128xf32, #tpu.memory_space<vmem_shared>>, %arg11: memref<!tpu.dma_semaphore, #tpu.memory_space<semaphore_mem>>, %arg12: memref<!tpu.dma_semaphore, #tpu.memory_space<semaphore_mem>>, %arg13: memref<!tpu.dma_semaphore, #tpu.memory_space<semaphore_mem>>, %arg14: memref<!tpu.dma_semaphore, #tpu.memory_space<semaphore_mem>>) attributes {dimension_semantics = [#tpu.dimension_semantics<core_parallel>, #tpu.dimension_semantics<subcore_parallel>], iteration_bounds = array<i64: 2, 16>, scalar_prefetch = 0 : i64, scratch_operands = 9 : i64, tpu.core_type = #tpu.core_type<sc_vector_subcore>, window_params = [{transform_indices = #map}, {transform_indices = #map}, {transform_indices = #map}, {transform_indices = #map}]} {
    %mul3A = arith.constant 16 : i32
    %mul3A_0 = arith.muli %arg0, %mul3A : i32
    %add3A = arith.addi %mul3A_0, %arg1 : i32
    %scan3A = arith.constant 0 : i32
    %scan3A_1 = arith.constant 0 : i32
    %scan3A_2 = arith.constant 128 : i32
    %scan3A_3 = arith.addi %scan3A_1, %scan3A_2 : i32
    %scan3A_4 = arith.constant 1 : i32
    scf.for %scan3A_80 = %scan3A_1 to %scan3A_3 step %scan3A_4  : i32 {
      %broadcast_in_dim3A = arith.constant 0.000000e+00 : f32
      %broadcast_in_dim3A_81 = vector.broadcast %broadcast_in_dim3A : f32 to vector<16xf32>
      %swap3A = arith.index_cast %scan3A_80 : i32 to index
      %swap3A_82 = arith.constant 0 : index
      %swap3A_83 = tpu.vector_load %arg8[%swap3A, %swap3A_82] {strides = array<i32>} : memref<128x128xf32, #tpu.memory_space<vmem>>, vector<1x16xf32>,
      %swap3A_84 = vector.shape_cast %swap3A_83 : vector<1x16xf32> to vector<16xf32>
      %swap3A_85 = vector.shape_cast %broadcast_in_dim3A_81 : vector<16xf32> to vector<1x16xf32>
      tpu.vector_store %arg8[%swap3A, %swap3A_82], %swap3A_85 {strides = array<i32>} : memref<128x128xf32, #tpu.memory_space<vmem>>, vector<1x16xf32>,
      %broadcast_in_dim3A_86 = arith.constant 0.000000e+00 : f32
      %broadcast_in_dim3A_87 = vector.broadcast %broadcast_in_dim3A_86 : f32 to vector<16xf32>
      %swap3A_88 = arith.index_cast %scan3A_80 : i32 to index
      %swap3A_89 = arith.constant 16 : index
      %swap3A_90 = tpu.vector_load %arg8[%swap3A_88, %swap3A_89] {strides = array<i32>} : memref<128x128xf32, #tpu.memory_space<vmem>>, vector<1x16xf32>,
      %swap3A_91 = vector.shape_cast %swap3A_90 : vector<1x16xf32> to vector<16xf32>
      %swap3A_92 = vector.shape_cast %broadcast_in_dim3A_87 : vector<16xf32> to vector<1x16xf32>
      tpu.vector_store %arg8[%swap3A_88, %swap3A_89], %swap3A_92 {strides = array<i32>} : memref<128x128xf32, #tpu.memory_space<vmem>>, vector<1x16xf32>,
      %broadcast_in_dim3A_93 = arith.constant 0.000000e+00 : f32
      %broadcast_in_dim3A_94 = vector.broadcast %broadcast_in_dim3A_93 : f32 to vector<16xf32>
      %swap3A_95 = arith.index_cast %scan3A_80 : i32 to index
      %swap3A_96 = arith.constant 32 : index
      %swap3A_97 = tpu.vector_load %arg8[%swap3A_95, %swap3A_96] {strides = array<i32>} : memref<128x128xf32, #tpu.memory_space<vmem>>, vector<1x16xf32>,
      %swap3A_98 = vector.shape_cast %swap3A_97 : vector<1x16xf32> to vector<16xf32>
      %swap3A_99 = vector.shape_cast %broadcast_in_dim3A_94 : vector<16xf32> to vector<1x16xf32>
      tpu.vector_store %arg8[%swap3A_95, %swap3A_96], %swap3A_99 {strides = array<i32>} : memref<128x128xf32, #tpu.memory_space<vmem>>, vector<1x16xf32>,
      %broadcast_in_dim3A_100 = arith.constant 0.000000e+00 : f32
      %broadcast_in_dim3A_101 = vector.broadcast %broadcast_in_dim3A_100 : f32 to vector<16xf32>
      %swap3A_102 = arith.index_cast %scan3A_80 : i32 to index
      %swap3A_103 = arith.constant 48 : index
      %swap3A_104 = tpu.vector_load %arg8[%swap3A_102, %swap3A_103] {strides = array<i32>} : memref<128x128xf32, #tpu.memory_space<vmem>>, vector<1x16xf32>,
      %swap3A_105 = vector.shape_cast %swap3A_104 : vector<1x16xf32> to vector<16xf32>
      %swap3A_106 = vector.shape_cast %broadcast_in_dim3A_101 : vector<16xf32> to vector<1x16xf32>
      tpu.vector_store %arg8[%swap3A_102, %swap3A_103], %swap3A_106 {strides = array<i32>} : memref<128x128xf32, #tpu.memory_space<vmem>>, vector<1x16xf32>,
      %broadcast_in_dim3A_107 = arith.constant 0.000000e+00 : f32
      %broadcast_in_dim3A_108 = vector.broadcast %broadcast_in_dim3A_107 : f32 to vector<16xf32>
      %swap3A_109 = arith.index_cast %scan3A_80 : i32 to index
      %swap3A_110 = arith.constant 64 : index
      %swap3A_111 = tpu.vector_load %arg8[%swap3A_109, %swap3A_110] {strides = array<i32>} : memref<128x128xf32, #tpu.memory_space<vmem>>, vector<1x16xf32>,
      %swap3A_112 = vector.shape_cast %swap3A_111 : vector<1x16xf32> to vector<16xf32>
      %swap3A_113 = vector.shape_cast %broadcast_in_dim3A_108 : vector<16xf32> to vector<1x16xf32>
      tpu.vector_store %arg8[%swap3A_109, %swap3A_110], %swap3A_113 {strides = array<i32>} : memref<128x128xf32, #tpu.memory_space<vmem>>, vector<1x16xf32>,
      %broadcast_in_dim3A_114 = arith.constant 0.000000e+00 : f32
      %broadcast_in_dim3A_115 = vector.broadcast %broadcast_in_dim3A_114 : f32 to vector<16xf32>
      %swap3A_116 = arith.index_cast %scan3A_80 : i32 to index
      %swap3A_117 = arith.constant 80 : index
      %swap3A_118 = tpu.vector_load %arg8[%swap3A_116, %swap3A_117] {strides = array<i32>} : memref<128x128xf32, #tpu.memory_space<vmem>>, vector<1x16xf32>,
      %swap3A_119 = vector.shape_cast %swap3A_118 : vector<1x16xf32> to vector<16xf32>
      %swap3A_120 = vector.shape_cast %broadcast_in_dim3A_115 : vector<16xf32> to vector<1x16xf32>
      tpu.vector_store %arg8[%swap3A_116, %swap3A_117], %swap3A_120 {strides = array<i32>} : memref<128x128xf32, #tpu.memory_space<vmem>>, vector<1x16xf32>,
      %broadcast_in_dim3A_121 = arith.constant 0.000000e+00 : f32
      %broadcast_in_dim3A_122 = vector.broadcast %broadcast_in_dim3A_121 : f32 to vector<16xf32>
      %swap3A_123 = arith.index_cast %scan3A_80 : i32 to index
      %swap3A_124 = arith.constant 96 : index
      %swap3A_125 = tpu.vector_load %arg8[%swap3A_123, %swap3A_124] {strides = array<i32>} : memref<128x128xf32, #tpu.memory_space<vmem>>, vector<1x16xf32>,
      %swap3A_126 = vector.shape_cast %swap3A_125 : vector<1x16xf32> to vector<16xf32>
      %swap3A_127 = vector.shape_cast %broadcast_in_dim3A_122 : vector<16xf32> to vector<1x16xf32>
      tpu.vector_store %arg8[%swap3A_123, %swap3A_124], %swap3A_127 {strides = array<i32>} : memref<128x128xf32, #tpu.memory_space<vmem>>, vector<1x16xf32>,
      %broadcast_in_dim3A_128 = arith.constant 0.000000e+00 : f32
      %broadcast_in_dim3A_129 = vector.broadcast %broadcast_in_dim3A_128 : f32 to vector<16xf32>
      %swap3A_130 = arith.index_cast %scan3A_80 : i32 to index
      %swap3A_131 = arith.constant 112 : index
      %swap3A_132 = tpu.vector_load %arg8[%swap3A_130, %swap3A_131] {strides = array<i32>} : memref<128x128xf32, #tpu.memory_space<vmem>>, vector<1x16xf32>,
      %swap3A_133 = vector.shape_cast %swap3A_132 : vector<1x16xf32> to vector<16xf32>
      %swap3A_134 = vector.shape_cast %broadcast_in_dim3A_129 : vector<16xf32> to vector<1x16xf32>
      tpu.vector_store %arg8[%swap3A_130, %swap3A_131], %swap3A_134 {strides = array<i32>} : memref<128x128xf32, #tpu.memory_space<vmem>>, vector<1x16xf32>,
    }
    %scan3A_5 = arith.constant 128 : i32
    %scan3A_6 = arith.constant 0 : i32
    %scan3A_7 = arith.constant 0 : i32
    %scan3A_8 = arith.constant 5 : i32
    %scan3A_9 = arith.addi %scan3A_7, %scan3A_8 : i32
    %scan3A_10 = arith.constant 1 : i32
    scf.for %scan3A_80 = %scan3A_7 to %scan3A_9 step %scan3A_10  : i32 {
      %mul3A_81 = arith.constant 640 : i32
      %mul3A_82 = arith.muli %arg1, %mul3A_81 : i32
      %mul3A_83 = arith.constant 128 : i32
      %mul3A_84 = arith.muli %scan3A_80, %mul3A_83 : i32
      %add3A_85 = arith.addi %mul3A_82, %mul3A_84 : i32
      "tpu.region"() ({
        %run_scoped3A = tpu.sem_alloc : memref<!tpu.dma_semaphore, #tpu.memory_space<semaphore_mem>>
        %dma_start3A_86 = arith.constant 0 : i32
        %dma_start3A_87 = tpu.memref_slice %arg10[%add3A_85, %dma_start3A_86] : memref<10240x128xf32, #tpu.memory_space<vmem_shared>> -> memref<128x128xf32, #tpu.memory_space<vmem_shared>>
        %dma_start3A_88 = arith.constant 0 : i32
        %dma_start3A_89 = tpu.memref_slice %arg10[%add3A_85, %dma_start3A_88] : memref<10240x128xf32, #tpu.memory_space<vmem_shared>> -> memref<128x128xf32, #tpu.memory_space<vmem_shared>>
        tpu.enqueue_dma source(%arg8 : memref<128x128xf32, #tpu.memory_space<vmem>>) target(%dma_start3A_89 : memref<128x128xf32, #tpu.memory_space<vmem_shared>>) target_semaphore(%run_scoped3A : memref<!tpu.dma_semaphore, #tpu.memory_space<semaphore_mem>>)
        %dma_wait3A_90 = arith.constant 0 : i32
        %dma_wait3A_91 = tpu.memref_slice %arg10[%add3A_85, %dma_wait3A_90] : memref<10240x128xf32, #tpu.memory_space<vmem_shared>> -> memref<128x128xf32, #tpu.memory_space<vmem_shared>>
        %dma_wait3A_92 = arith.constant 0 : i32
        %dma_wait3A_93 = tpu.memref_slice %arg10[%add3A_85, %dma_wait3A_92] : memref<10240x128xf32, #tpu.memory_space<vmem_shared>> -> memref<128x128xf32, #tpu.memory_space<vmem_shared>>
        tpu.wait_dma2 semaphore(%run_scoped3A : memref<!tpu.dma_semaphore, #tpu.memory_space<semaphore_mem>>) src(%arg8 : memref<128x128xf32, #tpu.memory_space<vmem>>) dst(%dma_wait3A_93 : memref<128x128xf32, #tpu.memory_space<vmem_shared>>)
        tpu.yield
      }) : () -> ()
    }
    %scan3A_11 = arith.constant 5 : i32
    %barrier3A = arith.constant 0 : index
    tpu.barrier barrier_id(%barrier3A)
    %mul3A_12 = arith.constant 80 : i32
    %mul3A_13 = arith.muli %add3A, %mul3A_12 : i32
    %add3A_14 = arith.constant 0 : i32
    %add3A_15 = arith.addi %mul3A_13, %add3A_14 : i32
    "tpu.region"() ({
      %run_scoped3A = tpu.sem_alloc : memref<!tpu.dma_semaphore, #tpu.memory_space<semaphore_mem>>
      %dma_start3A_80 = arith.constant 0 : i32
      %dma_start3A_81 = tpu.memref_slice %arg3[%add3A_15, %dma_start3A_80] : memref<2560x128xi32, #tpu.memory_space<hbm>> -> memref<40x128xi32, #tpu.memory_space<hbm>>
      %dma_start3A_82 = arith.constant 0 : i32
      %dma_start3A_83 = tpu.memref_slice %arg3[%add3A_15, %dma_start3A_82] : memref<2560x128xi32, #tpu.memory_space<hbm>> -> memref<40x128xi32, #tpu.memory_space<hbm>>
      tpu.enqueue_dma source(%dma_start3A_83 : memref<40x128xi32, #tpu.memory_space<hbm>>) target(%arg6 : memref<40x128xi32, #tpu.memory_space<vmem>>) target_semaphore(%run_scoped3A : memref<!tpu.dma_semaphore, #tpu.memory_space<semaphore_mem>>)
      %dma_wait3A_84 = arith.constant 0 : i32
      %dma_wait3A_85 = tpu.memref_slice %arg3[%add3A_15, %dma_wait3A_84] : memref<2560x128xi32, #tpu.memory_space<hbm>> -> memref<40x128xi32, #tpu.memory_space<hbm>>
      %dma_wait3A_86 = arith.constant 0 : i32
      %dma_wait3A_87 = tpu.memref_slice %arg3[%add3A_15, %dma_wait3A_86] : memref<2560x128xi32, #tpu.memory_space<hbm>> -> memref<40x128xi32, #tpu.memory_space<hbm>>
      tpu.wait_dma2 semaphore(%run_scoped3A : memref<!tpu.dma_semaphore, #tpu.memory_space<semaphore_mem>>) src(%dma_wait3A_87 : memref<40x128xi32, #tpu.memory_space<hbm>>) dst(%arg6 : memref<40x128xi32, #tpu.memory_space<vmem>>)
      tpu.yield
    }) : () -> ()
    "tpu.region"() ({
      %run_scoped3A = tpu.sem_alloc : memref<!tpu.dma_semaphore, #tpu.memory_space<semaphore_mem>>
      %dma_start3A_80 = arith.constant 0 : i32
      %dma_start3A_81 = tpu.memref_slice %arg4[%add3A_15, %dma_start3A_80] : memref<2560x128xi32, #tpu.memory_space<hbm>> -> memref<40x128xi32, #tpu.memory_space<hbm>>
      %dma_start3A_82 = arith.constant 0 : i32
      %dma_start3A_83 = tpu.memref_slice %arg4[%add3A_15, %dma_start3A_82] : memref<2560x128xi32, #tpu.memory_space<hbm>> -> memref<40x128xi32, #tpu.memory_space<hbm>>
      tpu.enqueue_dma source(%dma_start3A_83 : memref<40x128xi32, #tpu.memory_space<hbm>>) target(%arg7 : memref<40x128xi32, #tpu.memory_space<vmem>>) target_semaphore(%run_scoped3A : memref<!tpu.dma_semaphore, #tpu.memory_space<semaphore_mem>>)
      %dma_wait3A_84 = arith.constant 0 : i32
      %dma_wait3A_85 = tpu.memref_slice %arg4[%add3A_15, %dma_wait3A_84] : memref<2560x128xi32, #tpu.memory_space<hbm>> -> memref<40x128xi32, #tpu.memory_space<hbm>>
      %dma_wait3A_86 = arith.constant 0 : i32
      %dma_wait3A_87 = tpu.memref_slice %arg4[%add3A_15, %dma_wait3A_86] : memref<2560x128xi32, #tpu.memory_space<hbm>> -> memref<40x128xi32, #tpu.memory_space<hbm>>
      tpu.wait_dma2 semaphore(%run_scoped3A : memref<!tpu.dma_semaphore, #tpu.memory_space<semaphore_mem>>) src(%dma_wait3A_87 : memref<40x128xi32, #tpu.memory_space<hbm>>) dst(%arg7 : memref<40x128xi32, #tpu.memory_space<vmem>>)
      tpu.yield
    }) : () -> ()
    %dma_start3A = arith.constant 0 : i32
    %dma_start3A_16 = arith.constant 0 : i32
    %dma_start3A_17 = tpu.memref_slice %arg6[%dma_start3A, %dma_start3A_16] : memref<40x128xi32, #tpu.memory_space<vmem>> -> memref<1x128xi32, #tpu.memory_space<vmem>>
    %dma_start3A_18 = tpu.memref_squeeze %dma_start3A_17 : memref<1x128xi32, #tpu.memory_space<vmem>> -> memref<128xi32, #tpu.memory_space<vmem>>
    %dma_start3A_19 = arith.constant 0 : i32
    %dma_start3A_20 = arith.constant 0 : i32
    %dma_start3A_21 = tpu.memref_slice %arg2[%dma_start3A_19, %dma_start3A_20] : memref<10240x128xf32, #tpu.memory_space<hbm>> -> memref<10240x128xf32, #tpu.memory_space<hbm>>
    tpu.enqueue_indirect_dma source(%dma_start3A_21 : memref<10240x128xf32, #tpu.memory_space<hbm>>) target(%arg8 : memref<128x128xf32, #tpu.memory_space<vmem>>) offsets(%dma_start3A_18 : memref<128xi32, #tpu.memory_space<vmem>>) semaphore(%arg11 : memref<!tpu.dma_semaphore, #tpu.memory_space<semaphore_mem>>)
    %scan3A_22 = arith.constant 0 : i32
    %scan3A_23 = arith.constant 0 : i32
    %scan3A_24 = arith.constant 20 : i32
    %scan3A_25 = arith.addi %scan3A_23, %scan3A_24 : i32
    %scan3A_26 = arith.constant 1 : i32
    scf.for %scan3A_80 = %scan3A_23 to %scan3A_25 step %scan3A_26  : i32 {
      %mul3A_81 = arith.constant 2 : i32
      %mul3A_82 = arith.muli %mul3A_81, %scan3A_80 : i32
      %add3A_83 = arith.constant 1 : i32
      %add3A_84 = arith.addi %mul3A_82, %add3A_83 : i32
      %dma_wait3A_85 = arith.constant 0 : i32
      %dma_wait3A_86 = tpu.memref_slice %arg6[%mul3A_82, %dma_wait3A_85] : memref<40x128xi32, #tpu.memory_space<vmem>> -> memref<1x128xi32, #tpu.memory_space<vmem>>
      %dma_wait3A_87 = tpu.memref_squeeze %dma_wait3A_86 : memref<1x128xi32, #tpu.memory_space<vmem>> -> memref<128xi32, #tpu.memory_space<vmem>>
      %dma_wait3A_88 = arith.constant 0 : i32
      %dma_wait3A_89 = arith.constant 0 : i32
      %dma_wait3A_90 = tpu.memref_slice %arg2[%dma_wait3A_88, %dma_wait3A_89] : memref<10240x128xf32, #tpu.memory_space<hbm>> -> memref<10240x128xf32, #tpu.memory_space<hbm>>
      tpu.wait_indirect_dma semaphore(%arg11 : memref<!tpu.dma_semaphore, #tpu.memory_space<semaphore_mem>>) src(%dma_wait3A_90 : memref<10240x128xf32, #tpu.memory_space<hbm>>) dst(%arg8 : memref<128x128xf32, #tpu.memory_space<vmem>>)
      %dma_start3A_91 = arith.constant 0 : i32
      %dma_start3A_92 = tpu.memref_slice %arg7[%mul3A_82, %dma_start3A_91] : memref<40x128xi32, #tpu.memory_space<vmem>> -> memref<1x128xi32, #tpu.memory_space<vmem>>
      %dma_start3A_93 = tpu.memref_squeeze %dma_start3A_92 : memref<1x128xi32, #tpu.memory_space<vmem>> -> memref<128xi32, #tpu.memory_space<vmem>>
      %dma_start3A_94 = arith.constant 0 : i32
      %dma_start3A_95 = arith.constant 0 : i32
      %dma_start3A_96 = tpu.memref_slice %arg10[%dma_start3A_94, %dma_start3A_95] : memref<10240x128xf32, #tpu.memory_space<vmem_shared>> -> memref<10240x128xf32, #tpu.memory_space<vmem_shared>>
      tpu.enqueue_indirect_dma source(%arg8 : memref<128x128xf32, #tpu.memory_space<vmem>>) target(%dma_start3A_96 : memref<10240x128xf32, #tpu.memory_space<vmem_shared>>) offsets(%dma_start3A_93 : memref<128xi32, #tpu.memory_space<vmem>>) semaphore(%arg13 : memref<!tpu.dma_semaphore, #tpu.memory_space<semaphore_mem>>) {add = true}
      %gt3A = arith.constant 0 : i32
      %gt3A_97 = arith.cmpi sgt, %scan3A_80, %gt3A : i32
      %convert_element_type3A = arith.extui %gt3A_97 : i1 to i32
      %cond3A = arith.constant 0 : i32
      %cond3A_98 = arith.cmpi ne, %convert_element_type3A, %cond3A : i32
      scf.if %cond3A_98 {
        %dma_wait3A_133 = arith.constant 0 : i32
        %dma_wait3A_134 = arith.constant 0 : i32
        %dma_wait3A_135 = tpu.memref_slice %arg7[%dma_wait3A_133, %dma_wait3A_134] : memref<40x128xi32, #tpu.memory_space<vmem>> -> memref<1x128xi32, #tpu.memory_space<vmem>>
        %dma_wait3A_136 = tpu.memref_squeeze %dma_wait3A_135 : memref<1x128xi32, #tpu.memory_space<vmem>> -> memref<128xi32, #tpu.memory_space<vmem>>
        %dma_wait3A_137 = arith.constant 0 : i32
        %dma_wait3A_138 = arith.constant 0 : i32
        %dma_wait3A_139 = tpu.memref_slice %arg10[%dma_wait3A_137, %dma_wait3A_138] : memref<10240x128xf32, #tpu.memory_space<vmem_shared>> -> memref<10240x128xf32, #tpu.memory_space<vmem_shared>>
        tpu.wait_indirect_dma semaphore(%arg14 : memref<!tpu.dma_semaphore, #tpu.memory_space<semaphore_mem>>) src(%arg9 : memref<128x128xf32, #tpu.memory_space<vmem>>) dst(%dma_wait3A_139 : memref<10240x128xf32, #tpu.memory_space<vmem_shared>>)
      } else {
      }
      %dma_start3A_99 = arith.constant 0 : i32
      %dma_start3A_100 = tpu.memref_slice %arg6[%add3A_84, %dma_start3A_99] : memref<40x128xi32, #tpu.memory_space<vmem>> -> memref<1x128xi32, #tpu.memory_space<vmem>>
      %dma_start3A_101 = tpu.memref_squeeze %dma_start3A_100 : memref<1x128xi32, #tpu.memory_space<vmem>> -> memref<128xi32, #tpu.memory_space<vmem>>
      %dma_start3A_102 = arith.constant 0 : i32
      %dma_start3A_103 = arith.constant 0 : i32
      %dma_start3A_104 = tpu.memref_slice %arg2[%dma_start3A_102, %dma_start3A_103] : memref<10240x128xf32, #tpu.memory_space<hbm>> -> memref<10240x128xf32, #tpu.memory_space<hbm>>
      tpu.enqueue_indirect_dma source(%dma_start3A_104 : memref<10240x128xf32, #tpu.memory_space<hbm>>) target(%arg9 : memref<128x128xf32, #tpu.memory_space<vmem>>) offsets(%dma_start3A_101 : memref<128xi32, #tpu.memory_space<vmem>>) semaphore(%arg12 : memref<!tpu.dma_semaphore, #tpu.memory_space<semaphore_mem>>)
      %dma_wait3A_105 = arith.constant 0 : i32
      %dma_wait3A_106 = tpu.memref_slice %arg6[%add3A_84, %dma_wait3A_105] : memref<40x128xi32, #tpu.memory_space<vmem>> -> memref<1x128xi32, #tpu.memory_space<vmem>>
      %dma_wait3A_107 = tpu.memref_squeeze %dma_wait3A_106 : memref<1x128xi32, #tpu.memory_space<vmem>> -> memref<128xi32, #tpu.memory_space<vmem>>
      %dma_wait3A_108 = arith.constant 0 : i32
      %dma_wait3A_109 = arith.constant 0 : i32
      %dma_wait3A_110 = tpu.memref_slice %arg2[%dma_wait3A_108, %dma_wait3A_109] : memref<10240x128xf32, #tpu.memory_space<hbm>> -> memref<10240x128xf32, #tpu.memory_space<hbm>>
      tpu.wait_indirect_dma semaphore(%arg12 : memref<!tpu.dma_semaphore, #tpu.memory_space<semaphore_mem>>) src(%dma_wait3A_110 : memref<10240x128xf32, #tpu.memory_space<hbm>>) dst(%arg9 : memref<128x128xf32, #tpu.memory_space<vmem>>)
      %dma_start3A_111 = arith.constant 0 : i32
      %dma_start3A_112 = tpu.memref_slice %arg7[%add3A_84, %dma_start3A_111] : memref<40x128xi32, #tpu.memory_space<vmem>> -> memref<1x128xi32, #tpu.memory_space<vmem>>
      %dma_start3A_113 = tpu.memref_squeeze %dma_start3A_112 : memref<1x128xi32, #tpu.memory_space<vmem>> -> memref<128xi32, #tpu.memory_space<vmem>>
      %dma_start3A_114 = arith.constant 0 : i32
      %dma_start3A_115 = arith.constant 0 : i32
      %dma_start3A_116 = tpu.memref_slice %arg10[%dma_start3A_114, %dma_start3A_115] : memref<10240x128xf32, #tpu.memory_space<vmem_shared>> -> memref<10240x128xf32, #tpu.memory_space<vmem_shared>>
      tpu.enqueue_indirect_dma source(%arg9 : memref<128x128xf32, #tpu.memory_space<vmem>>) target(%dma_start3A_116 : memref<10240x128xf32, #tpu.memory_space<vmem_shared>>) offsets(%dma_start3A_113 : memref<128xi32, #tpu.memory_space<vmem>>) semaphore(%arg14 : memref<!tpu.dma_semaphore, #tpu.memory_space<semaphore_mem>>) {add = true}
      %dma_wait3A_117 = arith.constant 0 : i32
      %dma_wait3A_118 = arith.constant 0 : i32
      %dma_wait3A_119 = tpu.memref_slice %arg7[%dma_wait3A_117, %dma_wait3A_118] : memref<40x128xi32, #tpu.memory_space<vmem>> -> memref<1x128xi32, #tpu.memory_space<vmem>>
      %dma_wait3A_120 = tpu.memref_squeeze %dma_wait3A_119 : memref<1x128xi32, #tpu.memory_space<vmem>> -> memref<128xi32, #tpu.memory_space<vmem>>
      %dma_wait3A_121 = arith.constant 0 : i32
      %dma_wait3A_122 = arith.constant 0 : i32
      %dma_wait3A_123 = tpu.memref_slice %arg10[%dma_wait3A_121, %dma_wait3A_122] : memref<10240x128xf32, #tpu.memory_space<vmem_shared>> -> memref<10240x128xf32, #tpu.memory_space<vmem_shared>>
      tpu.wait_indirect_dma semaphore(%arg13 : memref<!tpu.dma_semaphore, #tpu.memory_space<semaphore_mem>>) src(%arg8 : memref<128x128xf32, #tpu.memory_space<vmem>>) dst(%dma_wait3A_123 : memref<10240x128xf32, #tpu.memory_space<vmem_shared>>)
      %add3A_124 = arith.constant 2 : i32
      %add3A_125 = arith.addi %mul3A_82, %add3A_124 : i32
      %min3A = arith.constant 39 : i32
      %min3A_126 = arith.minsi %add3A_125, %min3A : i32
      %dma_start3A_127 = arith.constant 0 : i32
      %dma_start3A_128 = tpu.memref_slice %arg6[%min3A_126, %dma_start3A_127] : memref<40x128xi32, #tpu.memory_space<vmem>> -> memref<1x128xi32, #tpu.memory_space<vmem>>
      %dma_start3A_129 = tpu.memref_squeeze %dma_start3A_128 : memref<1x128xi32, #tpu.memory_space<vmem>> -> memref<128xi32, #tpu.memory_space<vmem>>
      %dma_start3A_130 = arith.constant 0 : i32
      %dma_start3A_131 = arith.constant 0 : i32
      %dma_start3A_132 = tpu.memref_slice %arg2[%dma_start3A_130, %dma_start3A_131] : memref<10240x128xf32, #tpu.memory_space<hbm>> -> memref<10240x128xf32, #tpu.memory_space<hbm>>
      tpu.enqueue_indirect_dma source(%dma_start3A_132 : memref<10240x128xf32, #tpu.memory_space<hbm>>) target(%arg8 : memref<128x128xf32, #tpu.memory_space<vmem>>) offsets(%dma_start3A_129 : memref<128xi32, #tpu.memory_space<vmem>>) semaphore(%arg11 : memref<!tpu.dma_semaphore, #tpu.memory_space<semaphore_mem>>)
    }
    %scan3A_27 = arith.constant 20 : i32
    %dma_wait3A = arith.constant 0 : i32
    %dma_wait3A_28 = arith.constant 0 : i32
    %dma_wait3A_29 = tpu.memref_slice %arg7[%dma_wait3A, %dma_wait3A_28] : memref<40x128xi32, #tpu.memory_space<vmem>> -> memref<1x128xi32, #tpu.memory_space<vmem>>
    %dma_wait3A_30 = tpu.memref_squeeze %dma_wait3A_29 : memref<1x128xi32, #tpu.memory_space<vmem>> -> memref<128xi32, #tpu.memory_space<vmem>>
    %dma_wait3A_31 = arith.constant 0 : i32
    %dma_wait3A_32 = arith.constant 0 : i32
    %dma_wait3A_33 = tpu.memref_slice %arg10[%dma_wait3A_31, %dma_wait3A_32] : memref<10240x128xf32, #tpu.memory_space<vmem_shared>> -> memref<10240x128xf32, #tpu.memory_space<vmem_shared>>
    tpu.wait_indirect_dma semaphore(%arg14 : memref<!tpu.dma_semaphore, #tpu.memory_space<semaphore_mem>>) src(%arg9 : memref<128x128xf32, #tpu.memory_space<vmem>>) dst(%dma_wait3A_33 : memref<10240x128xf32, #tpu.memory_space<vmem_shared>>)
    %dma_wait3A_34 = arith.constant 0 : i32
    %dma_wait3A_35 = arith.constant 0 : i32
    %dma_wait3A_36 = tpu.memref_slice %arg6[%dma_wait3A_34, %dma_wait3A_35] : memref<40x128xi32, #tpu.memory_space<vmem>> -> memref<1x128xi32, #tpu.memory_space<vmem>>
    %dma_wait3A_37 = tpu.memref_squeeze %dma_wait3A_36 : memref<1x128xi32, #tpu.memory_space<vmem>> -> memref<128xi32, #tpu.memory_space<vmem>>
    %dma_wait3A_38 = arith.constant 0 : i32
    %dma_wait3A_39 = arith.constant 0 : i32
    %dma_wait3A_40 = tpu.memref_slice %arg2[%dma_wait3A_38, %dma_wait3A_39] : memref<10240x128xf32, #tpu.memory_space<hbm>> -> memref<10240x128xf32, #tpu.memory_space<hbm>>
    tpu.wait_indirect_dma semaphore(%arg11 : memref<!tpu.dma_semaphore, #tpu.memory_space<semaphore_mem>>) src(%dma_wait3A_40 : memref<10240x128xf32, #tpu.memory_space<hbm>>) dst(%arg8 : memref<128x128xf32, #tpu.memory_space<vmem>>)
    %mul3A_41 = arith.constant 80 : i32
    %mul3A_42 = arith.muli %add3A, %mul3A_41 : i32
    %add3A_43 = arith.constant 40 : i32
    %add3A_44 = arith.addi %mul3A_42, %add3A_43 : i32
    "tpu.region"() ({
      %run_scoped3A = tpu.sem_alloc : memref<!tpu.dma_semaphore, #tpu.memory_space<semaphore_mem>>
      %dma_start3A_80 = arith.constant 0 : i32
      %dma_start3A_81 = tpu.memref_slice %arg3[%add3A_44, %dma_start3A_80] : memref<2560x128xi32, #tpu.memory_space<hbm>> -> memref<40x128xi32, #tpu.memory_space<hbm>>
      %dma_start3A_82 = arith.constant 0 : i32
      %dma_start3A_83 = tpu.memref_slice %arg3[%add3A_44, %dma_start3A_82] : memref<2560x128xi32, #tpu.memory_space<hbm>> -> memref<40x128xi32, #tpu.memory_space<hbm>>
      tpu.enqueue_dma source(%dma_start3A_83 : memref<40x128xi32, #tpu.memory_space<hbm>>) target(%arg6 : memref<40x128xi32, #tpu.memory_space<vmem>>) target_semaphore(%run_scoped3A : memref<!tpu.dma_semaphore, #tpu.memory_space<semaphore_mem>>)
      %dma_wait3A_84 = arith.constant 0 : i32
      %dma_wait3A_85 = tpu.memref_slice %arg3[%add3A_44, %dma_wait3A_84] : memref<2560x128xi32, #tpu.memory_space<hbm>> -> memref<40x128xi32, #tpu.memory_space<hbm>>
      %dma_wait3A_86 = arith.constant 0 : i32
      %dma_wait3A_87 = tpu.memref_slice %arg3[%add3A_44, %dma_wait3A_86] : memref<2560x128xi32, #tpu.memory_space<hbm>> -> memref<40x128xi32, #tpu.memory_space<hbm>>
      tpu.wait_dma2 semaphore(%run_scoped3A : memref<!tpu.dma_semaphore, #tpu.memory_space<semaphore_mem>>) src(%dma_wait3A_87 : memref<40x128xi32, #tpu.memory_space<hbm>>) dst(%arg6 : memref<40x128xi32, #tpu.memory_space<vmem>>)
      tpu.yield
    }) : () -> ()
    "tpu.region"() ({
      %run_scoped3A = tpu.sem_alloc : memref<!tpu.dma_semaphore, #tpu.memory_space<semaphore_mem>>
      %dma_start3A_80 = arith.constant 0 : i32
      %dma_start3A_81 = tpu.memref_slice %arg4[%add3A_44, %dma_start3A_80] : memref<2560x128xi32, #tpu.memory_space<hbm>> -> memref<40x128xi32, #tpu.memory_space<hbm>>
      %dma_start3A_82 = arith.constant 0 : i32
      %dma_start3A_83 = tpu.memref_slice %arg4[%add3A_44, %dma_start3A_82] : memref<2560x128xi32, #tpu.memory_space<hbm>> -> memref<40x128xi32, #tpu.memory_space<hbm>>
      tpu.enqueue_dma source(%dma_start3A_83 : memref<40x128xi32, #tpu.memory_space<hbm>>) target(%arg7 : memref<40x128xi32, #tpu.memory_space<vmem>>) target_semaphore(%run_scoped3A : memref<!tpu.dma_semaphore, #tpu.memory_space<semaphore_mem>>)
      %dma_wait3A_84 = arith.constant 0 : i32
      %dma_wait3A_85 = tpu.memref_slice %arg4[%add3A_44, %dma_wait3A_84] : memref<2560x128xi32, #tpu.memory_space<hbm>> -> memref<40x128xi32, #tpu.memory_space<hbm>>
      %dma_wait3A_86 = arith.constant 0 : i32
      %dma_wait3A_87 = tpu.memref_slice %arg4[%add3A_44, %dma_wait3A_86] : memref<2560x128xi32, #tpu.memory_space<hbm>> -> memref<40x128xi32, #tpu.memory_space<hbm>>
      tpu.wait_dma2 semaphore(%run_scoped3A : memref<!tpu.dma_semaphore, #tpu.memory_space<semaphore_mem>>) src(%dma_wait3A_87 : memref<40x128xi32, #tpu.memory_space<hbm>>) dst(%arg7 : memref<40x128xi32, #tpu.memory_space<vmem>>)
      tpu.yield
    }) : () -> ()
    %dma_start3A_45 = arith.constant 0 : i32
    %dma_start3A_46 = arith.constant 0 : i32
    %dma_start3A_47 = tpu.memref_slice %arg6[%dma_start3A_45, %dma_start3A_46] : memref<40x128xi32, #tpu.memory_space<vmem>> -> memref<1x128xi32, #tpu.memory_space<vmem>>
    %dma_start3A_48 = tpu.memref_squeeze %dma_start3A_47 : memref<1x128xi32, #tpu.memory_space<vmem>> -> memref<128xi32, #tpu.memory_space<vmem>>
    %dma_start3A_49 = arith.constant 0 : i32
    %dma_start3A_50 = arith.constant 0 : i32
    %dma_start3A_51 = tpu.memref_slice %arg2[%dma_start3A_49, %dma_start3A_50] : memref<10240x128xf32, #tpu.memory_space<hbm>> -> memref<10240x128xf32, #tpu.memory_space<hbm>>
    tpu.enqueue_indirect_dma source(%dma_start3A_51 : memref<10240x128xf32, #tpu.memory_space<hbm>>) target(%arg8 : memref<128x128xf32, #tpu.memory_space<vmem>>) offsets(%dma_start3A_48 : memref<128xi32, #tpu.memory_space<vmem>>) semaphore(%arg11 : memref<!tpu.dma_semaphore, #tpu.memory_space<semaphore_mem>>)
    %scan3A_52 = arith.constant 0 : i32
    %scan3A_53 = arith.constant 0 : i32
    %scan3A_54 = arith.constant 20 : i32
    %scan3A_55 = arith.addi %scan3A_53, %scan3A_54 : i32
    %scan3A_56 = arith.constant 1 : i32
    scf.for %scan3A_80 = %scan3A_53 to %scan3A_55 step %scan3A_56  : i32 {
      %mul3A_81 = arith.constant 2 : i32
      %mul3A_82 = arith.muli %mul3A_81, %scan3A_80 : i32
      %add3A_83 = arith.constant 1 : i32
      %add3A_84 = arith.addi %mul3A_82, %add3A_83 : i32
      %dma_wait3A_85 = arith.constant 0 : i32
      %dma_wait3A_86 = tpu.memref_slice %arg6[%mul3A_82, %dma_wait3A_85] : memref<40x128xi32, #tpu.memory_space<vmem>> -> memref<1x128xi32, #tpu.memory_space<vmem>>
      %dma_wait3A_87 = tpu.memref_squeeze %dma_wait3A_86 : memref<1x128xi32, #tpu.memory_space<vmem>> -> memref<128xi32, #tpu.memory_space<vmem>>
      %dma_wait3A_88 = arith.constant 0 : i32
      %dma_wait3A_89 = arith.constant 0 : i32
      %dma_wait3A_90 = tpu.memref_slice %arg2[%dma_wait3A_88, %dma_wait3A_89] : memref<10240x128xf32, #tpu.memory_space<hbm>> -> memref<10240x128xf32, #tpu.memory_space<hbm>>
      tpu.wait_indirect_dma semaphore(%arg11 : memref<!tpu.dma_semaphore, #tpu.memory_space<semaphore_mem>>) src(%dma_wait3A_90 : memref<10240x128xf32, #tpu.memory_space<hbm>>) dst(%arg8 : memref<128x128xf32, #tpu.memory_space<vmem>>)
      %dma_start3A_91 = arith.constant 0 : i32
      %dma_start3A_92 = tpu.memref_slice %arg7[%mul3A_82, %dma_start3A_91] : memref<40x128xi32, #tpu.memory_space<vmem>> -> memref<1x128xi32, #tpu.memory_space<vmem>>
      %dma_start3A_93 = tpu.memref_squeeze %dma_start3A_92 : memref<1x128xi32, #tpu.memory_space<vmem>> -> memref<128xi32, #tpu.memory_space<vmem>>
      %dma_start3A_94 = arith.constant 0 : i32
      %dma_start3A_95 = arith.constant 0 : i32
      %dma_start3A_96 = tpu.memref_slice %arg10[%dma_start3A_94, %dma_start3A_95] : memref<10240x128xf32, #tpu.memory_space<vmem_shared>> -> memref<10240x128xf32, #tpu.memory_space<vmem_shared>>
      tpu.enqueue_indirect_dma source(%arg8 : memref<128x128xf32, #tpu.memory_space<vmem>>) target(%dma_start3A_96 : memref<10240x128xf32, #tpu.memory_space<vmem_shared>>) offsets(%dma_start3A_93 : memref<128xi32, #tpu.memory_space<vmem>>) semaphore(%arg13 : memref<!tpu.dma_semaphore, #tpu.memory_space<semaphore_mem>>) {add = true}
      %gt3A = arith.constant 0 : i32
      %gt3A_97 = arith.cmpi sgt, %scan3A_80, %gt3A : i32
      %convert_element_type3A = arith.extui %gt3A_97 : i1 to i32
      %cond3A = arith.constant 0 : i32
      %cond3A_98 = arith.cmpi ne, %convert_element_type3A, %cond3A : i32
      scf.if %cond3A_98 {
        %dma_wait3A_133 = arith.constant 0 : i32
        %dma_wait3A_134 = arith.constant 0 : i32
        %dma_wait3A_135 = tpu.memref_slice %arg7[%dma_wait3A_133, %dma_wait3A_134] : memref<40x128xi32, #tpu.memory_space<vmem>> -> memref<1x128xi32, #tpu.memory_space<vmem>>
        %dma_wait3A_136 = tpu.memref_squeeze %dma_wait3A_135 : memref<1x128xi32, #tpu.memory_space<vmem>> -> memref<128xi32, #tpu.memory_space<vmem>>
        %dma_wait3A_137 = arith.constant 0 : i32
        %dma_wait3A_138 = arith.constant 0 : i32
        %dma_wait3A_139 = tpu.memref_slice %arg10[%dma_wait3A_137, %dma_wait3A_138] : memref<10240x128xf32, #tpu.memory_space<vmem_shared>> -> memref<10240x128xf32, #tpu.memory_space<vmem_shared>>
        tpu.wait_indirect_dma semaphore(%arg14 : memref<!tpu.dma_semaphore, #tpu.memory_space<semaphore_mem>>) src(%arg9 : memref<128x128xf32, #tpu.memory_space<vmem>>) dst(%dma_wait3A_139 : memref<10240x128xf32, #tpu.memory_space<vmem_shared>>)
      } else {
      }
      %dma_start3A_99 = arith.constant 0 : i32
      %dma_start3A_100 = tpu.memref_slice %arg6[%add3A_84, %dma_start3A_99] : memref<40x128xi32, #tpu.memory_space<vmem>> -> memref<1x128xi32, #tpu.memory_space<vmem>>
      %dma_start3A_101 = tpu.memref_squeeze %dma_start3A_100 : memref<1x128xi32, #tpu.memory_space<vmem>> -> memref<128xi32, #tpu.memory_space<vmem>>
      %dma_start3A_102 = arith.constant 0 : i32
      %dma_start3A_103 = arith.constant 0 : i32
      %dma_start3A_104 = tpu.memref_slice %arg2[%dma_start3A_102, %dma_start3A_103] : memref<10240x128xf32, #tpu.memory_space<hbm>> -> memref<10240x128xf32, #tpu.memory_space<hbm>>
      tpu.enqueue_indirect_dma source(%dma_start3A_104 : memref<10240x128xf32, #tpu.memory_space<hbm>>) target(%arg9 : memref<128x128xf32, #tpu.memory_space<vmem>>) offsets(%dma_start3A_101 : memref<128xi32, #tpu.memory_space<vmem>>) semaphore(%arg12 : memref<!tpu.dma_semaphore, #tpu.memory_space<semaphore_mem>>)
      %dma_wait3A_105 = arith.constant 0 : i32
      %dma_wait3A_106 = tpu.memref_slice %arg6[%add3A_84, %dma_wait3A_105] : memref<40x128xi32, #tpu.memory_space<vmem>> -> memref<1x128xi32, #tpu.memory_space<vmem>>
      %dma_wait3A_107 = tpu.memref_squeeze %dma_wait3A_106 : memref<1x128xi32, #tpu.memory_space<vmem>> -> memref<128xi32, #tpu.memory_space<vmem>>
      %dma_wait3A_108 = arith.constant 0 : i32
      %dma_wait3A_109 = arith.constant 0 : i32
      %dma_wait3A_110 = tpu.memref_slice %arg2[%dma_wait3A_108, %dma_wait3A_109] : memref<10240x128xf32, #tpu.memory_space<hbm>> -> memref<10240x128xf32, #tpu.memory_space<hbm>>
      tpu.wait_indirect_dma semaphore(%arg12 : memref<!tpu.dma_semaphore, #tpu.memory_space<semaphore_mem>>) src(%dma_wait3A_110 : memref<10240x128xf32, #tpu.memory_space<hbm>>) dst(%arg9 : memref<128x128xf32, #tpu.memory_space<vmem>>)
      %dma_start3A_111 = arith.constant 0 : i32
      %dma_start3A_112 = tpu.memref_slice %arg7[%add3A_84, %dma_start3A_111] : memref<40x128xi32, #tpu.memory_space<vmem>> -> memref<1x128xi32, #tpu.memory_space<vmem>>
      %dma_start3A_113 = tpu.memref_squeeze %dma_start3A_112 : memref<1x128xi32, #tpu.memory_space<vmem>> -> memref<128xi32, #tpu.memory_space<vmem>>
      %dma_start3A_114 = arith.constant 0 : i32
      %dma_start3A_115 = arith.constant 0 : i32
      %dma_start3A_116 = tpu.memref_slice %arg10[%dma_start3A_114, %dma_start3A_115] : memref<10240x128xf32, #tpu.memory_space<vmem_shared>> -> memref<10240x128xf32, #tpu.memory_space<vmem_shared>>
      tpu.enqueue_indirect_dma source(%arg9 : memref<128x128xf32, #tpu.memory_space<vmem>>) target(%dma_start3A_116 : memref<10240x128xf32, #tpu.memory_space<vmem_shared>>) offsets(%dma_start3A_113 : memref<128xi32, #tpu.memory_space<vmem>>) semaphore(%arg14 : memref<!tpu.dma_semaphore, #tpu.memory_space<semaphore_mem>>) {add = true}
      %dma_wait3A_117 = arith.constant 0 : i32
      %dma_wait3A_118 = arith.constant 0 : i32
      %dma_wait3A_119 = tpu.memref_slice %arg7[%dma_wait3A_117, %dma_wait3A_118] : memref<40x128xi32, #tpu.memory_space<vmem>> -> memref<1x128xi32, #tpu.memory_space<vmem>>
      %dma_wait3A_120 = tpu.memref_squeeze %dma_wait3A_119 : memref<1x128xi32, #tpu.memory_space<vmem>> -> memref<128xi32, #tpu.memory_space<vmem>>
      %dma_wait3A_121 = arith.constant 0 : i32
      %dma_wait3A_122 = arith.constant 0 : i32
      %dma_wait3A_123 = tpu.memref_slice %arg10[%dma_wait3A_121, %dma_wait3A_122] : memref<10240x128xf32, #tpu.memory_space<vmem_shared>> -> memref<10240x128xf32, #tpu.memory_space<vmem_shared>>
      tpu.wait_indirect_dma semaphore(%arg13 : memref<!tpu.dma_semaphore, #tpu.memory_space<semaphore_mem>>) src(%arg8 : memref<128x128xf32, #tpu.memory_space<vmem>>) dst(%dma_wait3A_123 : memref<10240x128xf32, #tpu.memory_space<vmem_shared>>)
      %add3A_124 = arith.constant 2 : i32
      %add3A_125 = arith.addi %mul3A_82, %add3A_124 : i32
      %min3A = arith.constant 39 : i32
      %min3A_126 = arith.minsi %add3A_125, %min3A : i32
      %dma_start3A_127 = arith.constant 0 : i32
      %dma_start3A_128 = tpu.memref_slice %arg6[%min3A_126, %dma_start3A_127] : memref<40x128xi32, #tpu.memory_space<vmem>> -> memref<1x128xi32, #tpu.memory_space<vmem>>
      %dma_start3A_129 = tpu.memref_squeeze %dma_start3A_128 : memref<1x128xi32, #tpu.memory_space<vmem>> -> memref<128xi32, #tpu.memory_space<vmem>>
      %dma_start3A_130 = arith.constant 0 : i32
      %dma_start3A_131 = arith.constant 0 : i32
      %dma_start3A_132 = tpu.memref_slice %arg2[%dma_start3A_130, %dma_start3A_131] : memref<10240x128xf32, #tpu.memory_space<hbm>> -> memref<10240x128xf32, #tpu.memory_space<hbm>>
      tpu.enqueue_indirect_dma source(%dma_start3A_132 : memref<10240x128xf32, #tpu.memory_space<hbm>>) target(%arg8 : memref<128x128xf32, #tpu.memory_space<vmem>>) offsets(%dma_start3A_129 : memref<128xi32, #tpu.memory_space<vmem>>) semaphore(%arg11 : memref<!tpu.dma_semaphore, #tpu.memory_space<semaphore_mem>>)
    }
    %scan3A_57 = arith.constant 20 : i32
    %dma_wait3A_58 = arith.constant 0 : i32
    %dma_wait3A_59 = arith.constant 0 : i32
    %dma_wait3A_60 = tpu.memref_slice %arg7[%dma_wait3A_58, %dma_wait3A_59] : memref<40x128xi32, #tpu.memory_space<vmem>> -> memref<1x128xi32, #tpu.memory_space<vmem>>
    %dma_wait3A_61 = tpu.memref_squeeze %dma_wait3A_60 : memref<1x128xi32, #tpu.memory_space<vmem>> -> memref<128xi32, #tpu.memory_space<vmem>>
    %dma_wait3A_62 = arith.constant 0 : i32
    %dma_wait3A_63 = arith.constant 0 : i32
    %dma_wait3A_64 = tpu.memref_slice %arg10[%dma_wait3A_62, %dma_wait3A_63] : memref<10240x128xf32, #tpu.memory_space<vmem_shared>> -> memref<10240x128xf32, #tpu.memory_space<vmem_shared>>
    tpu.wait_indirect_dma semaphore(%arg14 : memref<!tpu.dma_semaphore, #tpu.memory_space<semaphore_mem>>) src(%arg9 : memref<128x128xf32, #tpu.memory_space<vmem>>) dst(%dma_wait3A_64 : memref<10240x128xf32, #tpu.memory_space<vmem_shared>>)
    %dma_wait3A_65 = arith.constant 0 : i32
    %dma_wait3A_66 = arith.constant 0 : i32
    %dma_wait3A_67 = tpu.memref_slice %arg6[%dma_wait3A_65, %dma_wait3A_66] : memref<40x128xi32, #tpu.memory_space<vmem>> -> memref<1x128xi32, #tpu.memory_space<vmem>>
    %dma_wait3A_68 = tpu.memref_squeeze %dma_wait3A_67 : memref<1x128xi32, #tpu.memory_space<vmem>> -> memref<128xi32, #tpu.memory_space<vmem>>
    %dma_wait3A_69 = arith.constant 0 : i32
    %dma_wait3A_70 = arith.constant 0 : i32
    %dma_wait3A_71 = tpu.memref_slice %arg2[%dma_wait3A_69, %dma_wait3A_70] : memref<10240x128xf32, #tpu.memory_space<hbm>> -> memref<10240x128xf32, #tpu.memory_space<hbm>>
    tpu.wait_indirect_dma semaphore(%arg11 : memref<!tpu.dma_semaphore, #tpu.memory_space<semaphore_mem>>) src(%dma_wait3A_71 : memref<10240x128xf32, #tpu.memory_space<hbm>>) dst(%arg8 : memref<128x128xf32, #tpu.memory_space<vmem>>)
    %barrier3A_72 = arith.constant 0 : index
    tpu.barrier barrier_id(%barrier3A_72)
    %mul3A_73 = arith.constant 640 : i32
    %mul3A_74 = arith.muli %arg1, %mul3A_73 : i32
    %mul3A_75 = arith.constant 10240 : i32
    %mul3A_76 = arith.muli %arg0, %mul3A_75 : i32
    %mul3A_77 = arith.constant 640 : i32
    %mul3A_78 = arith.muli %arg1, %mul3A_77 : i32
    %add3A_79 = arith.addi %mul3A_76, %mul3A_78 : i32
    "tpu.region"() ({
      %run_scoped3A = tpu.sem_alloc : memref<!tpu.dma_semaphore, #tpu.memory_space<semaphore_mem>>
      %dma_start3A_80 = arith.constant 0 : i32
      %dma_start3A_81 = tpu.memref_slice %arg5[%add3A_79, %dma_start3A_80] : memref<20480x128xf32, #tpu.memory_space<hbm>> -> memref<640x128xf32, #tpu.memory_space<hbm>>
      %dma_start3A_82 = arith.constant 0 : i32
      %dma_start3A_83 = tpu.memref_slice %arg10[%mul3A_74, %dma_start3A_82] : memref<10240x128xf32, #tpu.memory_space<vmem_shared>> -> memref<640x128xf32, #tpu.memory_space<vmem_shared>>
      tpu.enqueue_dma source(%dma_start3A_83 : memref<640x128xf32, #tpu.memory_space<vmem_shared>>) target(%dma_start3A_81 : memref<640x128xf32, #tpu.memory_space<hbm>>) target_semaphore(%run_scoped3A : memref<!tpu.dma_semaphore, #tpu.memory_space<semaphore_mem>>)
      %dma_wait3A_84 = arith.constant 0 : i32
      %dma_wait3A_85 = tpu.memref_slice %arg5[%add3A_79, %dma_wait3A_84] : memref<20480x128xf32, #tpu.memory_space<hbm>> -> memref<640x128xf32, #tpu.memory_space<hbm>>
      %dma_wait3A_86 = arith.constant 0 : i32
      %dma_wait3A_87 = tpu.memref_slice %arg10[%mul3A_74, %dma_wait3A_86] : memref<10240x128xf32, #tpu.memory_space<vmem_shared>> -> memref<640x128xf32, #tpu.memory_space<vmem_shared>>
      tpu.wait_dma2 semaphore(%run_scoped3A : memref<!tpu.dma_semaphore, #tpu.memory_space<semaphore_mem>>) src(%dma_wait3A_87 : memref<640x128xf32, #tpu.memory_space<vmem_shared>>) dst(%dma_wait3A_85 : memref<640x128xf32, #tpu.memory_space<hbm>>)
      tpu.yield
    }) : () -> ()
    return
  }
}

module attributes {stable_mosaic.version = 14 : i64} {
  func.func @_tc_pre_body(%arg0: memref<10240x128xf32, #tpu.memory_space<vmem>>, %arg1: memref<128x128xf32, #tpu.memory_space<vmem>>, %arg2: memref<1x128xf32, #tpu.memory_space<vmem>>, %arg3: memref<1x128xf32, #tpu.memory_space<vmem>>, %arg4: memref<1x128xf32, #tpu.memory_space<vmem>>, %arg5: memref<10240x128xf32, #tpu.memory_space<vmem>>) attributes {dimension_semantics = [], scalar_prefetch = 0 : i64, scratch_operands = 0 : i64, tpu.core_type = #tpu.core_type<tc>} {
    %get3A = arith.constant 0 : index
    %get3A_0 = arith.constant 0 : index
    %get3A_1 = vector.load %arg0[%get3A, %get3A_0] : memref<10240x128xf32, #tpu.memory_space<vmem>>, vector<10240x128xf32>
    %get3A_2 = arith.constant 0 : index
    %get3A_3 = arith.constant 0 : index
    %get3A_4 = vector.load %arg1[%get3A_2, %get3A_3] : memref<128x128xf32, #tpu.memory_space<vmem>>, vector<128x128xf32>
    %dot_general3A = arith.constant dense<0.000000e+00> : vector<10240x128xf32>
    %dot_general3A_5 = tpu.matmul %get3A_1, %get3A_4, %dot_general3A {dimension_numbers = #tpu.dot_dimension_numbers<[1], [0], [0], [1], [0, 0, 1, 1], [], []>, transpose_lhs_hint = false} : vector<10240x128xf32>, vector<128x128xf32>, vector<10240x128xf32> -> vector<10240x128xf32>
    %get3A_6 = arith.constant 0 : index
    %get3A_7 = arith.constant 0 : index
    %get3A_8 = vector.load %arg2[%get3A_6, %get3A_7] : memref<1x128xf32, #tpu.memory_space<vmem>>, vector<1x128xf32>
    %add3A = vector.broadcast %get3A_8 : vector<1x128xf32> to vector<10240x128xf32>
    %add3A_9 = arith.addf %dot_general3A_5, %add3A : vector<10240x128xf32>
    %iota3A = tpu.iota {dimensions = array<i32: 0>} : vector<10240x1xi32>
    %lt3A = arith.constant 10000 : i32
    %lt3A_10 = vector.broadcast %lt3A : i32 to vector<10240x1xi32>
    %lt3A_11 = arith.cmpi slt, %iota3A, %lt3A_10 : vector<10240x1xi32>
    %jit3A = arith.constant 0.000000e+00 : f32
    %broadcast_in_dim3A = vector.shape_cast %lt3A_11 : vector<10240x1xi1> to vector<10240x1xi1>
    %broadcast_in_dim3A_12 = vector.broadcast %broadcast_in_dim3A : vector<10240x1xi1> to vector<10240x128xi1>
    %broadcast_in_dim3A_13 = vector.broadcast %jit3A : f32 to vector<10240x128xf32>
    %select_n3A = arith.select %broadcast_in_dim3A_12, %add3A_9, %broadcast_in_dim3A_13 : vector<10240x128xi1>, vector<10240x128xf32>
    %get3A_14 = arith.constant 0 : index
    %get3A_15 = arith.constant 0 : index
    %get3A_16 = vector.load %arg3[%get3A_14, %get3A_15] : memref<1x128xf32, #tpu.memory_space<vmem>>, vector<1x128xf32>
    %get3A_17 = arith.constant 0 : index
    %get3A_18 = arith.constant 0 : index
    %get3A_19 = vector.load %arg4[%get3A_17, %get3A_18] : memref<1x128xf32, #tpu.memory_space<vmem>>, vector<1x128xf32>
    %reduce_sum3A = arith.constant dense<0.000000e+00> : vector<128xf32>
    %reduce_sum3A_20 = vector.multi_reduction <add>, %select_n3A, %reduce_sum3A [0] : vector<10240x128xf32> to vector<128xf32>
    %broadcast_in_dim3A_21 = vector.shape_cast %reduce_sum3A_20 : vector<128xf32> to vector<1x128xf32>
    %mul3A = arith.mulf %select_n3A, %select_n3A : vector<10240x128xf32>
    %reduce_sum3A_22 = arith.constant dense<0.000000e+00> : vector<128xf32>
    %reduce_sum3A_23 = vector.multi_reduction <add>, %mul3A, %reduce_sum3A_22 [0] : vector<10240x128xf32> to vector<128xf32>
    %broadcast_in_dim3A_24 = vector.shape_cast %reduce_sum3A_23 : vector<128xf32> to vector<1x128xf32>
    %div3A = arith.constant 1.000000e+04 : f32
    %div3A_25 = vector.broadcast %div3A : f32 to vector<1x128xf32>
    %div3A_26 = arith.divf %broadcast_in_dim3A_21, %div3A_25 : vector<1x128xf32>
    %div3A_27 = arith.constant 1.000000e+04 : f32
    %div3A_28 = vector.broadcast %div3A_27 : f32 to vector<1x128xf32>
    %div3A_29 = arith.divf %broadcast_in_dim3A_24, %div3A_28 : vector<1x128xf32>
    %mul3A_30 = arith.mulf %div3A_26, %div3A_26 : vector<1x128xf32>
    %sub3A = arith.subf %div3A_29, %mul3A_30 : vector<1x128xf32>
    %sub3A_31 = vector.broadcast %div3A_26 : vector<1x128xf32> to vector<10240x128xf32>
    %sub3A_32 = arith.subf %select_n3A, %sub3A_31 : vector<10240x128xf32>
    %add3A_33 = arith.constant 9.99999974E-6 : f32
    %add3A_34 = vector.broadcast %add3A_33 : f32 to vector<1x128xf32>
    %add3A_35 = arith.addf %sub3A, %add3A_34 : vector<1x128xf32>
    %rsqrt3A = math.rsqrt %add3A_35 : vector<1x128xf32>
    %mul3A_36 = vector.broadcast %rsqrt3A : vector<1x128xf32> to vector<10240x128xf32>
    %mul3A_37 = arith.mulf %sub3A_32, %mul3A_36 : vector<10240x128xf32>
    %mul3A_38 = vector.broadcast %get3A_16 : vector<1x128xf32> to vector<10240x128xf32>
    %mul3A_39 = arith.mulf %mul3A_37, %mul3A_38 : vector<10240x128xf32>
    %add3A_40 = vector.broadcast %get3A_19 : vector<1x128xf32> to vector<10240x128xf32>
    %add3A_41 = arith.addf %mul3A_39, %add3A_40 : vector<10240x128xf32>
    %swap3A = arith.constant 0 : index
    %swap3A_42 = arith.constant 0 : index
    %swap3A_43 = vector.load %arg5[%swap3A, %swap3A_42] : memref<10240x128xf32, #tpu.memory_space<vmem>>, vector<10240x128xf32>
    tpu.vector_store %arg5[%swap3A, %swap3A_42], %add3A_41 {strides = array<i32>} : memref<10240x128xf32, #tpu.memory_space<vmem>>, vector<10240x128xf32>,
    return
  }
}

module attributes {stable_mosaic.version = 14 : i64} {
  func.func @_tc_scale_body(%arg0: memref<20480x1xf32, #tpu.memory_space<vmem>>, %arg1: memref<10240x128xf32, #tpu.memory_space<vmem>>, %arg2: memref<128x128xf32, #tpu.memory_space<vmem>>, %arg3: memref<10240x1xf32, #tpu.memory_space<vmem>>, %arg4: memref<10240x128xf32, #tpu.memory_space<vmem>>) attributes {dimension_semantics = [], scalar_prefetch = 0 : i64, scratch_operands = 0 : i64, tpu.core_type = #tpu.core_type<tc>} {
    %get3A = arith.constant 0 : index
    %get3A_0 = arith.constant 0 : index
    %get3A_1 = vector.load %arg0[%get3A, %get3A_0] : memref<20480x1xf32, #tpu.memory_space<vmem>>, vector<10240x1xf32>
    %get3A_2 = arith.constant 10240 : index
    %get3A_3 = arith.constant 0 : index
    %get3A_4 = vector.load %arg0[%get3A_2, %get3A_3] : memref<20480x1xf32, #tpu.memory_space<vmem>>, vector<10240x1xf32>
    %add3A = arith.addf %get3A_1, %get3A_4 : vector<10240x1xf32>
    %add3A_5 = arith.constant 1.000000e+00 : f32
    %add3A_6 = vector.broadcast %add3A_5 : f32 to vector<10240x1xf32>
    %add3A_7 = arith.addf %add3A, %add3A_6 : vector<10240x1xf32>
    %rsqrt3A = math.rsqrt %add3A_7 : vector<10240x1xf32>
    %swap3A = arith.constant 0 : index
    %swap3A_8 = arith.constant 0 : index
    %swap3A_9 = vector.load %arg3[%swap3A, %swap3A_8] : memref<10240x1xf32, #tpu.memory_space<vmem>>, vector<10240x1xf32>
    tpu.vector_store %arg3[%swap3A, %swap3A_8], %rsqrt3A {strides = array<i32>} : memref<10240x1xf32, #tpu.memory_space<vmem>>, vector<10240x1xf32>,
    %get3A_10 = arith.constant 0 : index
    %get3A_11 = arith.constant 0 : index
    %get3A_12 = vector.load %arg1[%get3A_10, %get3A_11] : memref<10240x128xf32, #tpu.memory_space<vmem>>, vector<10240x128xf32>
    %get3A_13 = arith.constant 0 : index
    %get3A_14 = arith.constant 0 : index
    %get3A_15 = vector.load %arg2[%get3A_13, %get3A_14] : memref<128x128xf32, #tpu.memory_space<vmem>>, vector<128x128xf32>
    %dot_general3A = arith.constant dense<0.000000e+00> : vector<10240x128xf32>
    %dot_general3A_16 = tpu.matmul %get3A_12, %get3A_15, %dot_general3A {dimension_numbers = #tpu.dot_dimension_numbers<[1], [0], [0], [1], [0, 0, 1, 1], [], []>, transpose_lhs_hint = false} : vector<10240x128xf32>, vector<128x128xf32>, vector<10240x128xf32> -> vector<10240x128xf32>
    %mul3A = vector.broadcast %rsqrt3A : vector<10240x1xf32> to vector<10240x128xf32>
    %mul3A_17 = arith.mulf %mul3A, %dot_general3A_16 : vector<10240x128xf32>
    %swap3A_18 = arith.constant 0 : index
    %swap3A_19 = arith.constant 0 : index
    %swap3A_20 = vector.load %arg4[%swap3A_18, %swap3A_19] : memref<10240x128xf32, #tpu.memory_space<vmem>>, vector<10240x128xf32>
    tpu.vector_store %arg4[%swap3A_18, %swap3A_19], %mul3A_17 {strides = array<i32>} : memref<10240x128xf32, #tpu.memory_space<vmem>>, vector<10240x128xf32>,
    return
  }
}

module attributes {stable_mosaic.version = 14 : i64} {
  func.func @_tc_mid_body(%arg0: memref<20480x128xf32, #tpu.memory_space<vmem>>, %arg1: memref<10240x128xf32, #tpu.memory_space<vmem>>, %arg2: memref<10240x1xf32, #tpu.memory_space<vmem>>, %arg3: memref<1x128xf32, #tpu.memory_space<vmem>>, %arg4: memref<1x128xf32, #tpu.memory_space<vmem>>, %arg5: memref<1x128xf32, #tpu.memory_space<vmem>>, %arg6: memref<1x128xf32, #tpu.memory_space<vmem>>, %arg7: memref<1x128xf32, #tpu.memory_space<vmem>>, %arg8: memref<128x128xf32, #tpu.memory_space<vmem>>, %arg9: memref<10240x128xf32, #tpu.memory_space<vmem>>) attributes {dimension_semantics = [], scalar_prefetch = 0 : i64, scratch_operands = 0 : i64, tpu.core_type = #tpu.core_type<tc>} {
    %get3A = arith.constant 0 : index
    %get3A_0 = arith.constant 0 : index
    %get3A_1 = vector.load %arg0[%get3A, %get3A_0] : memref<20480x128xf32, #tpu.memory_space<vmem>>, vector<10240x128xf32>
    %get3A_2 = arith.constant 10240 : index
    %get3A_3 = arith.constant 0 : index
    %get3A_4 = vector.load %arg0[%get3A_2, %get3A_3] : memref<20480x128xf32, #tpu.memory_space<vmem>>, vector<10240x128xf32>
    %add3A = arith.addf %get3A_1, %get3A_4 : vector<10240x128xf32>
    %get3A_5 = arith.constant 0 : index
    %get3A_6 = arith.constant 0 : index
    %get3A_7 = vector.load %arg2[%get3A_5, %get3A_6] : memref<10240x1xf32, #tpu.memory_space<vmem>>, vector<10240x1xf32>
    %get3A_8 = arith.constant 0 : index
    %get3A_9 = arith.constant 0 : index
    %get3A_10 = vector.load %arg1[%get3A_8, %get3A_9] : memref<10240x128xf32, #tpu.memory_space<vmem>>, vector<10240x128xf32>
    %add3A_11 = arith.addf %add3A, %get3A_10 : vector<10240x128xf32>
    %mul3A = vector.broadcast %get3A_7 : vector<10240x1xf32> to vector<10240x128xf32>
    %mul3A_12 = arith.mulf %mul3A, %add3A_11 : vector<10240x128xf32>
    %get3A_13 = arith.constant 0 : index
    %get3A_14 = arith.constant 0 : index
    %get3A_15 = vector.load %arg3[%get3A_13, %get3A_14] : memref<1x128xf32, #tpu.memory_space<vmem>>, vector<1x128xf32>
    %add3A_16 = vector.broadcast %get3A_15 : vector<1x128xf32> to vector<10240x128xf32>
    %add3A_17 = arith.addf %mul3A_12, %add3A_16 : vector<10240x128xf32>
    %max3A = arith.constant 0.000000e+00 : f32
    %max3A_18 = vector.broadcast %max3A : f32 to vector<10240x128xf32>
    %max3A_19 = arith.maximumf %add3A_17, %max3A_18 : vector<10240x128xf32>
    %iota3A = tpu.iota {dimensions = array<i32: 0>} : vector<10240x1xi32>
    %lt3A = arith.constant 10000 : i32
    %lt3A_20 = vector.broadcast %lt3A : i32 to vector<10240x1xi32>
    %lt3A_21 = arith.cmpi slt, %iota3A, %lt3A_20 : vector<10240x1xi32>
    %jit3A = arith.constant 0.000000e+00 : f32
    %broadcast_in_dim3A = vector.shape_cast %lt3A_21 : vector<10240x1xi1> to vector<10240x1xi1>
    %broadcast_in_dim3A_22 = vector.broadcast %broadcast_in_dim3A : vector<10240x1xi1> to vector<10240x128xi1>
    %broadcast_in_dim3A_23 = vector.broadcast %jit3A : f32 to vector<10240x128xf32>
    %select_n3A = arith.select %broadcast_in_dim3A_22, %max3A_19, %broadcast_in_dim3A_23 : vector<10240x128xi1>, vector<10240x128xf32>
    %get3A_24 = arith.constant 0 : index
    %get3A_25 = arith.constant 0 : index
    %get3A_26 = vector.load %arg4[%get3A_24, %get3A_25] : memref<1x128xf32, #tpu.memory_space<vmem>>, vector<1x128xf32>
    %get3A_27 = arith.constant 0 : index
    %get3A_28 = arith.constant 0 : index
    %get3A_29 = vector.load %arg5[%get3A_27, %get3A_28] : memref<1x128xf32, #tpu.memory_space<vmem>>, vector<1x128xf32>
    %reduce_sum3A = arith.constant dense<0.000000e+00> : vector<128xf32>
    %reduce_sum3A_30 = vector.multi_reduction <add>, %select_n3A, %reduce_sum3A [0] : vector<10240x128xf32> to vector<128xf32>
    %broadcast_in_dim3A_31 = vector.shape_cast %reduce_sum3A_30 : vector<128xf32> to vector<1x128xf32>
    %mul3A_32 = arith.mulf %select_n3A, %select_n3A : vector<10240x128xf32>
    %reduce_sum3A_33 = arith.constant dense<0.000000e+00> : vector<128xf32>
    %reduce_sum3A_34 = vector.multi_reduction <add>, %mul3A_32, %reduce_sum3A_33 [0] : vector<10240x128xf32> to vector<128xf32>
    %broadcast_in_dim3A_35 = vector.shape_cast %reduce_sum3A_34 : vector<128xf32> to vector<1x128xf32>
    %div3A = arith.constant 1.000000e+04 : f32
    %div3A_36 = vector.broadcast %div3A : f32 to vector<1x128xf32>
    %div3A_37 = arith.divf %broadcast_in_dim3A_31, %div3A_36 : vector<1x128xf32>
    %div3A_38 = arith.constant 1.000000e+04 : f32
    %div3A_39 = vector.broadcast %div3A_38 : f32 to vector<1x128xf32>
    %div3A_40 = arith.divf %broadcast_in_dim3A_35, %div3A_39 : vector<1x128xf32>
    %mul3A_41 = arith.mulf %div3A_37, %div3A_37 : vector<1x128xf32>
    %sub3A = arith.subf %div3A_40, %mul3A_41 : vector<1x128xf32>
    %sub3A_42 = vector.broadcast %div3A_37 : vector<1x128xf32> to vector<10240x128xf32>
    %sub3A_43 = arith.subf %select_n3A, %sub3A_42 : vector<10240x128xf32>
    %add3A_44 = arith.constant 9.99999974E-6 : f32
    %add3A_45 = vector.broadcast %add3A_44 : f32 to vector<1x128xf32>
    %add3A_46 = arith.addf %sub3A, %add3A_45 : vector<1x128xf32>
    %rsqrt3A = math.rsqrt %add3A_46 : vector<1x128xf32>
    %mul3A_47 = vector.broadcast %rsqrt3A : vector<1x128xf32> to vector<10240x128xf32>
    %mul3A_48 = arith.mulf %sub3A_43, %mul3A_47 : vector<10240x128xf32>
    %mul3A_49 = vector.broadcast %get3A_26 : vector<1x128xf32> to vector<10240x128xf32>
    %mul3A_50 = arith.mulf %mul3A_48, %mul3A_49 : vector<10240x128xf32>
    %add3A_51 = vector.broadcast %get3A_29 : vector<1x128xf32> to vector<10240x128xf32>
    %add3A_52 = arith.addf %mul3A_50, %add3A_51 : vector<10240x128xf32>
    %iota3A_53 = tpu.iota {dimensions = array<i32: 0>} : vector<10240x1xi32>
    %lt3A_54 = arith.constant 10000 : i32
    %lt3A_55 = vector.broadcast %lt3A_54 : i32 to vector<10240x1xi32>
    %lt3A_56 = arith.cmpi slt, %iota3A_53, %lt3A_55 : vector<10240x1xi32>
    %jit3A_57 = arith.constant 0.000000e+00 : f32
    %broadcast_in_dim3A_58 = vector.shape_cast %lt3A_56 : vector<10240x1xi1> to vector<10240x1xi1>
    %broadcast_in_dim3A_59 = vector.broadcast %broadcast_in_dim3A_58 : vector<10240x1xi1> to vector<10240x128xi1>
    %broadcast_in_dim3A_60 = vector.broadcast %jit3A_57 : f32 to vector<10240x128xf32>
    %select_n3A_61 = arith.select %broadcast_in_dim3A_59, %add3A_52, %broadcast_in_dim3A_60 : vector<10240x128xi1>, vector<10240x128xf32>
    %get3A_62 = arith.constant 0 : index
    %get3A_63 = arith.constant 0 : index
    %get3A_64 = vector.load %arg6[%get3A_62, %get3A_63] : memref<1x128xf32, #tpu.memory_space<vmem>>, vector<1x128xf32>
    %get3A_65 = arith.constant 0 : index
    %get3A_66 = arith.constant 0 : index
    %get3A_67 = vector.load %arg7[%get3A_65, %get3A_66] : memref<1x128xf32, #tpu.memory_space<vmem>>, vector<1x128xf32>
    %reduce_sum3A_68 = arith.constant dense<0.000000e+00> : vector<128xf32>
    %reduce_sum3A_69 = vector.multi_reduction <add>, %select_n3A_61, %reduce_sum3A_68 [0] : vector<10240x128xf32> to vector<128xf32>
    %broadcast_in_dim3A_70 = vector.shape_cast %reduce_sum3A_69 : vector<128xf32> to vector<1x128xf32>
    %mul3A_71 = arith.mulf %select_n3A_61, %select_n3A_61 : vector<10240x128xf32>
    %reduce_sum3A_72 = arith.constant dense<0.000000e+00> : vector<128xf32>
    %reduce_sum3A_73 = vector.multi_reduction <add>, %mul3A_71, %reduce_sum3A_72 [0] : vector<10240x128xf32> to vector<128xf32>
    %broadcast_in_dim3A_74 = vector.shape_cast %reduce_sum3A_73 : vector<128xf32> to vector<1x128xf32>
    %div3A_75 = arith.constant 1.000000e+04 : f32
    %div3A_76 = vector.broadcast %div3A_75 : f32 to vector<1x128xf32>
    %div3A_77 = arith.divf %broadcast_in_dim3A_70, %div3A_76 : vector<1x128xf32>
    %div3A_78 = arith.constant 1.000000e+04 : f32
    %div3A_79 = vector.broadcast %div3A_78 : f32 to vector<1x128xf32>
    %div3A_80 = arith.divf %broadcast_in_dim3A_74, %div3A_79 : vector<1x128xf32>
    %mul3A_81 = arith.mulf %div3A_77, %div3A_77 : vector<1x128xf32>
    %sub3A_82 = arith.subf %div3A_80, %mul3A_81 : vector<1x128xf32>
    %sub3A_83 = vector.broadcast %div3A_77 : vector<1x128xf32> to vector<10240x128xf32>
    %sub3A_84 = arith.subf %select_n3A_61, %sub3A_83 : vector<10240x128xf32>
    %add3A_85 = arith.constant 9.99999974E-6 : f32
    %add3A_86 = vector.broadcast %add3A_85 : f32 to vector<1x128xf32>
    %add3A_87 = arith.addf %sub3A_82, %add3A_86 : vector<1x128xf32>
    %rsqrt3A_88 = math.rsqrt %add3A_87 : vector<1x128xf32>
    %mul3A_89 = vector.broadcast %rsqrt3A_88 : vector<1x128xf32> to vector<10240x128xf32>
    %mul3A_90 = arith.mulf %sub3A_84, %mul3A_89 : vector<10240x128xf32>
    %mul3A_91 = vector.broadcast %get3A_64 : vector<1x128xf32> to vector<10240x128xf32>
    %mul3A_92 = arith.mulf %mul3A_90, %mul3A_91 : vector<10240x128xf32>
    %add3A_93 = vector.broadcast %get3A_67 : vector<1x128xf32> to vector<10240x128xf32>
    %add3A_94 = arith.addf %mul3A_92, %add3A_93 : vector<10240x128xf32>
    %get3A_95 = arith.constant 0 : index
    %get3A_96 = arith.constant 0 : index
    %get3A_97 = vector.load %arg8[%get3A_95, %get3A_96] : memref<128x128xf32, #tpu.memory_space<vmem>>, vector<128x128xf32>
    %dot_general3A = arith.constant dense<0.000000e+00> : vector<10240x128xf32>
    %dot_general3A_98 = tpu.matmul %add3A_94, %get3A_97, %dot_general3A {dimension_numbers = #tpu.dot_dimension_numbers<[1], [0], [0], [1], [0, 0, 1, 1], [], []>, transpose_lhs_hint = false} : vector<10240x128xf32>, vector<128x128xf32>, vector<10240x128xf32> -> vector<10240x128xf32>
    %get3A_99 = arith.constant 0 : index
    %get3A_100 = arith.constant 0 : index
    %get3A_101 = vector.load %arg2[%get3A_99, %get3A_100] : memref<10240x1xf32, #tpu.memory_space<vmem>>, vector<10240x1xf32>
    %mul3A_102 = vector.broadcast %get3A_101 : vector<10240x1xf32> to vector<10240x128xf32>
    %mul3A_103 = arith.mulf %mul3A_102, %dot_general3A_98 : vector<10240x128xf32>
    %swap3A = arith.constant 0 : index
    %swap3A_104 = arith.constant 0 : index
    %swap3A_105 = vector.load %arg9[%swap3A, %swap3A_104] : memref<10240x128xf32, #tpu.memory_space<vmem>>, vector<10240x128xf32>
    tpu.vector_store %arg9[%swap3A, %swap3A_104], %mul3A_103 {strides = array<i32>} : memref<10240x128xf32, #tpu.memory_space<vmem>>, vector<10240x128xf32>,
    return
  }
}

module attributes {stable_mosaic.version = 14 : i64} {
  func.func @_tc_final_body(%arg0: memref<20480x128xf32, #tpu.memory_space<vmem>>, %arg1: memref<10240x128xf32, #tpu.memory_space<vmem>>, %arg2: memref<10240x1xf32, #tpu.memory_space<vmem>>, %arg3: memref<1x128xf32, #tpu.memory_space<vmem>>, %arg4: memref<1x128xf32, #tpu.memory_space<vmem>>, %arg5: memref<1x128xf32, #tpu.memory_space<vmem>>, %arg6: memref<1x128xf32, #tpu.memory_space<vmem>>, %arg7: memref<1x128xf32, #tpu.memory_space<vmem>>, %arg8: memref<1x10240xi32, #tpu.memory_space<vmem>>, %arg9: memref<128x10xf32, #tpu.memory_space<vmem>>, %arg10: memref<1x10xf32, #tpu.memory_space<vmem>>, %arg11: memref<64x10xf32, #tpu.memory_space<vmem>>) attributes {dimension_semantics = [], scalar_prefetch = 0 : i64, scratch_operands = 0 : i64, tpu.core_type = #tpu.core_type<tc>} {
    %get3A = arith.constant 0 : index
    %get3A_0 = arith.constant 0 : index
    %get3A_1 = vector.load %arg0[%get3A, %get3A_0] : memref<20480x128xf32, #tpu.memory_space<vmem>>, vector<10240x128xf32>
    %get3A_2 = arith.constant 10240 : index
    %get3A_3 = arith.constant 0 : index
    %get3A_4 = vector.load %arg0[%get3A_2, %get3A_3] : memref<20480x128xf32, #tpu.memory_space<vmem>>, vector<10240x128xf32>
    %add3A = arith.addf %get3A_1, %get3A_4 : vector<10240x128xf32>
    %get3A_5 = arith.constant 0 : index
    %get3A_6 = arith.constant 0 : index
    %get3A_7 = vector.load %arg2[%get3A_5, %get3A_6] : memref<10240x1xf32, #tpu.memory_space<vmem>>, vector<10240x1xf32>
    %get3A_8 = arith.constant 0 : index
    %get3A_9 = arith.constant 0 : index
    %get3A_10 = vector.load %arg1[%get3A_8, %get3A_9] : memref<10240x128xf32, #tpu.memory_space<vmem>>, vector<10240x128xf32>
    %add3A_11 = arith.addf %add3A, %get3A_10 : vector<10240x128xf32>
    %mul3A = vector.broadcast %get3A_7 : vector<10240x1xf32> to vector<10240x128xf32>
    %mul3A_12 = arith.mulf %mul3A, %add3A_11 : vector<10240x128xf32>
    %get3A_13 = arith.constant 0 : index
    %get3A_14 = arith.constant 0 : index
    %get3A_15 = vector.load %arg3[%get3A_13, %get3A_14] : memref<1x128xf32, #tpu.memory_space<vmem>>, vector<1x128xf32>
    %add3A_16 = vector.broadcast %get3A_15 : vector<1x128xf32> to vector<10240x128xf32>
    %add3A_17 = arith.addf %mul3A_12, %add3A_16 : vector<10240x128xf32>
    %max3A = arith.constant 0.000000e+00 : f32
    %max3A_18 = vector.broadcast %max3A : f32 to vector<10240x128xf32>
    %max3A_19 = arith.maximumf %add3A_17, %max3A_18 : vector<10240x128xf32>
    %iota3A = tpu.iota {dimensions = array<i32: 0>} : vector<10240x1xi32>
    %lt3A = arith.constant 10000 : i32
    %lt3A_20 = vector.broadcast %lt3A : i32 to vector<10240x1xi32>
    %lt3A_21 = arith.cmpi slt, %iota3A, %lt3A_20 : vector<10240x1xi32>
    %jit3A = arith.constant 0.000000e+00 : f32
    %broadcast_in_dim3A = vector.shape_cast %lt3A_21 : vector<10240x1xi1> to vector<10240x1xi1>
    %broadcast_in_dim3A_22 = vector.broadcast %broadcast_in_dim3A : vector<10240x1xi1> to vector<10240x128xi1>
    %broadcast_in_dim3A_23 = vector.broadcast %jit3A : f32 to vector<10240x128xf32>
    %select_n3A = arith.select %broadcast_in_dim3A_22, %max3A_19, %broadcast_in_dim3A_23 : vector<10240x128xi1>, vector<10240x128xf32>
    %get3A_24 = arith.constant 0 : index
    %get3A_25 = arith.constant 0 : index
    %get3A_26 = vector.load %arg4[%get3A_24, %get3A_25] : memref<1x128xf32, #tpu.memory_space<vmem>>, vector<1x128xf32>
    %get3A_27 = arith.constant 0 : index
    %get3A_28 = arith.constant 0 : index
    %get3A_29 = vector.load %arg5[%get3A_27, %get3A_28] : memref<1x128xf32, #tpu.memory_space<vmem>>, vector<1x128xf32>
    %reduce_sum3A = arith.constant dense<0.000000e+00> : vector<128xf32>
    %reduce_sum3A_30 = vector.multi_reduction <add>, %select_n3A, %reduce_sum3A [0] : vector<10240x128xf32> to vector<128xf32>
    %broadcast_in_dim3A_31 = vector.shape_cast %reduce_sum3A_30 : vector<128xf32> to vector<1x128xf32>
    %mul3A_32 = arith.mulf %select_n3A, %select_n3A : vector<10240x128xf32>
    %reduce_sum3A_33 = arith.constant dense<0.000000e+00> : vector<128xf32>
    %reduce_sum3A_34 = vector.multi_reduction <add>, %mul3A_32, %reduce_sum3A_33 [0] : vector<10240x128xf32> to vector<128xf32>
    %broadcast_in_dim3A_35 = vector.shape_cast %reduce_sum3A_34 : vector<128xf32> to vector<1x128xf32>
    %div3A = arith.constant 1.000000e+04 : f32
    %div3A_36 = vector.broadcast %div3A : f32 to vector<1x128xf32>
    %div3A_37 = arith.divf %broadcast_in_dim3A_31, %div3A_36 : vector<1x128xf32>
    %div3A_38 = arith.constant 1.000000e+04 : f32
    %div3A_39 = vector.broadcast %div3A_38 : f32 to vector<1x128xf32>
    %div3A_40 = arith.divf %broadcast_in_dim3A_35, %div3A_39 : vector<1x128xf32>
    %mul3A_41 = arith.mulf %div3A_37, %div3A_37 : vector<1x128xf32>
    %sub3A = arith.subf %div3A_40, %mul3A_41 : vector<1x128xf32>
    %sub3A_42 = vector.broadcast %div3A_37 : vector<1x128xf32> to vector<10240x128xf32>
    %sub3A_43 = arith.subf %select_n3A, %sub3A_42 : vector<10240x128xf32>
    %add3A_44 = arith.constant 9.99999974E-6 : f32
    %add3A_45 = vector.broadcast %add3A_44 : f32 to vector<1x128xf32>
    %add3A_46 = arith.addf %sub3A, %add3A_45 : vector<1x128xf32>
    %rsqrt3A = math.rsqrt %add3A_46 : vector<1x128xf32>
    %mul3A_47 = vector.broadcast %rsqrt3A : vector<1x128xf32> to vector<10240x128xf32>
    %mul3A_48 = arith.mulf %sub3A_43, %mul3A_47 : vector<10240x128xf32>
    %mul3A_49 = vector.broadcast %get3A_26 : vector<1x128xf32> to vector<10240x128xf32>
    %mul3A_50 = arith.mulf %mul3A_48, %mul3A_49 : vector<10240x128xf32>
    %add3A_51 = vector.broadcast %get3A_29 : vector<1x128xf32> to vector<10240x128xf32>
    %add3A_52 = arith.addf %mul3A_50, %add3A_51 : vector<10240x128xf32>
    %iota3A_53 = tpu.iota {dimensions = array<i32: 0>} : vector<10240x1xi32>
    %lt3A_54 = arith.constant 10000 : i32
    %lt3A_55 = vector.broadcast %lt3A_54 : i32 to vector<10240x1xi32>
    %lt3A_56 = arith.cmpi slt, %iota3A_53, %lt3A_55 : vector<10240x1xi32>
    %jit3A_57 = arith.constant 0.000000e+00 : f32
    %broadcast_in_dim3A_58 = vector.shape_cast %lt3A_56 : vector<10240x1xi1> to vector<10240x1xi1>
    %broadcast_in_dim3A_59 = vector.broadcast %broadcast_in_dim3A_58 : vector<10240x1xi1> to vector<10240x128xi1>
    %broadcast_in_dim3A_60 = vector.broadcast %jit3A_57 : f32 to vector<10240x128xf32>
    %select_n3A_61 = arith.select %broadcast_in_dim3A_59, %add3A_52, %broadcast_in_dim3A_60 : vector<10240x128xi1>, vector<10240x128xf32>
    %get3A_62 = arith.constant 0 : index
    %get3A_63 = arith.constant 0 : index
    %get3A_64 = vector.load %arg6[%get3A_62, %get3A_63] : memref<1x128xf32, #tpu.memory_space<vmem>>, vector<1x128xf32>
    %get3A_65 = arith.constant 0 : index
    %get3A_66 = arith.constant 0 : index
    %get3A_67 = vector.load %arg7[%get3A_65, %get3A_66] : memref<1x128xf32, #tpu.memory_space<vmem>>, vector<1x128xf32>
    %reduce_sum3A_68 = arith.constant dense<0.000000e+00> : vector<128xf32>
    %reduce_sum3A_69 = vector.multi_reduction <add>, %select_n3A_61, %reduce_sum3A_68 [0] : vector<10240x128xf32> to vector<128xf32>
    %broadcast_in_dim3A_70 = vector.shape_cast %reduce_sum3A_69 : vector<128xf32> to vector<1x128xf32>
    %mul3A_71 = arith.mulf %select_n3A_61, %select_n3A_61 : vector<10240x128xf32>
    %reduce_sum3A_72 = arith.constant dense<0.000000e+00> : vector<128xf32>
    %reduce_sum3A_73 = vector.multi_reduction <add>, %mul3A_71, %reduce_sum3A_72 [0] : vector<10240x128xf32> to vector<128xf32>
    %broadcast_in_dim3A_74 = vector.shape_cast %reduce_sum3A_73 : vector<128xf32> to vector<1x128xf32>
    %div3A_75 = arith.constant 1.000000e+04 : f32
    %div3A_76 = vector.broadcast %div3A_75 : f32 to vector<1x128xf32>
    %div3A_77 = arith.divf %broadcast_in_dim3A_70, %div3A_76 : vector<1x128xf32>
    %div3A_78 = arith.constant 1.000000e+04 : f32
    %div3A_79 = vector.broadcast %div3A_78 : f32 to vector<1x128xf32>
    %div3A_80 = arith.divf %broadcast_in_dim3A_74, %div3A_79 : vector<1x128xf32>
    %mul3A_81 = arith.mulf %div3A_77, %div3A_77 : vector<1x128xf32>
    %sub3A_82 = arith.subf %div3A_80, %mul3A_81 : vector<1x128xf32>
    %sub3A_83 = vector.broadcast %div3A_77 : vector<1x128xf32> to vector<10240x128xf32>
    %sub3A_84 = arith.subf %select_n3A_61, %sub3A_83 : vector<10240x128xf32>
    %add3A_85 = arith.constant 9.99999974E-6 : f32
    %add3A_86 = vector.broadcast %add3A_85 : f32 to vector<1x128xf32>
    %add3A_87 = arith.addf %sub3A_82, %add3A_86 : vector<1x128xf32>
    %rsqrt3A_88 = math.rsqrt %add3A_87 : vector<1x128xf32>
    %mul3A_89 = vector.broadcast %rsqrt3A_88 : vector<1x128xf32> to vector<10240x128xf32>
    %mul3A_90 = arith.mulf %sub3A_84, %mul3A_89 : vector<10240x128xf32>
    %mul3A_91 = vector.broadcast %get3A_64 : vector<1x128xf32> to vector<10240x128xf32>
    %mul3A_92 = arith.mulf %mul3A_90, %mul3A_91 : vector<10240x128xf32>
    %add3A_93 = vector.broadcast %get3A_67 : vector<1x128xf32> to vector<10240x128xf32>
    %add3A_94 = arith.addf %mul3A_92, %add3A_93 : vector<10240x128xf32>
    %iota3A_95 = tpu.iota {dimensions = array<i32: 0>} : vector<64x10240xi32>
    %get3A_96 = arith.constant 0 : index
    %get3A_97 = arith.constant 0 : index
    %get3A_98 = vector.load %arg8[%get3A_96, %get3A_97] : memref<1x10240xi32, #tpu.memory_space<vmem>>, vector<1x10240xi32>
    %eq3A = vector.broadcast %get3A_98 : vector<1x10240xi32> to vector<64x10240xi32>
    %eq3A_99 = arith.cmpi eq, %iota3A_95, %eq3A : vector<64x10240xi32>
    %jit3A_100 = arith.constant 1.000000e+00 : f32
    %jit3A_101 = arith.constant 0.000000e+00 : f32
    %broadcast_in_dim3A_102 = vector.broadcast %jit3A_100 : f32 to vector<64x10240xf32>
    %broadcast_in_dim3A_103 = vector.broadcast %jit3A_101 : f32 to vector<64x10240xf32>
    %select_n3A_104 = arith.select %eq3A_99, %broadcast_in_dim3A_102, %broadcast_in_dim3A_103 : vector<64x10240xi1>, vector<64x10240xf32>
    %reduce_sum3A_105 = arith.constant dense<0.000000e+00> : vector<64xf32>
    %reduce_sum3A_106 = vector.multi_reduction <add>, %select_n3A_104, %reduce_sum3A_105 [1] : vector<64x10240xf32> to vector<64xf32>
    %broadcast_in_dim3A_107 = vector.shape_cast %reduce_sum3A_106 : vector<64xf32> to vector<64x1xf32>
    %dot_general3A = arith.constant dense<0.000000e+00> : vector<64x128xf32>
    %dot_general3A_108 = tpu.matmul %select_n3A_104, %add3A_94, %dot_general3A {dimension_numbers = #tpu.dot_dimension_numbers<[1], [0], [0], [1], [0, 0, 1, 1], [], []>, transpose_lhs_hint = false} : vector<64x10240xf32>, vector<10240x128xf32>, vector<64x128xf32> -> vector<64x128xf32>
    %max3A_109 = arith.constant 1.000000e+00 : f32
    %max3A_110 = vector.broadcast %max3A_109 : f32 to vector<64x1xf32>
    %max3A_111 = arith.maximumf %broadcast_in_dim3A_107, %max3A_110 : vector<64x1xf32>
    %div3A_112 = vector.broadcast %max3A_111 : vector<64x1xf32> to vector<64x128xf32>
    %div3A_113 = arith.divf %dot_general3A_108, %div3A_112 : vector<64x128xf32>
    %get3A_114 = arith.constant 0 : index
    %get3A_115 = arith.constant 0 : index
    %get3A_116 = vector.load %arg9[%get3A_114, %get3A_115] : memref<128x10xf32, #tpu.memory_space<vmem>>, vector<128x10xf32>
    %dot_general3A_117 = arith.constant dense<0.000000e+00> : vector<64x10xf32>
    %dot_general3A_118 = tpu.matmul %div3A_113, %get3A_116, %dot_general3A_117 {dimension_numbers = #tpu.dot_dimension_numbers<[1], [0], [0], [1], [0, 0, 1, 1], [], []>, transpose_lhs_hint = false} : vector<64x128xf32>, vector<128x10xf32>, vector<64x10xf32> -> vector<64x10xf32>
    %get3A_119 = arith.constant 0 : index
    %get3A_120 = arith.constant 0 : index
    %get3A_121 = vector.load %arg10[%get3A_119, %get3A_120] : memref<1x10xf32, #tpu.memory_space<vmem>>, vector<1x10xf32>
    %add3A_122 = vector.broadcast %get3A_121 : vector<1x10xf32> to vector<64x10xf32>
    %add3A_123 = arith.addf %dot_general3A_118, %add3A_122 : vector<64x10xf32>
    %reduce_max3A = arith.constant dense<0xFF800000> : vector<64xf32>
    %reduce_max3A_124 = vector.multi_reduction <maximumf>, %add3A_123, %reduce_max3A [1] : vector<64x10xf32> to vector<64xf32>
    %broadcast_in_dim3A_125 = vector.shape_cast %reduce_max3A_124 : vector<64xf32> to vector<64x1xf32>
    %sub3A_126 = vector.broadcast %broadcast_in_dim3A_125 : vector<64x1xf32> to vector<64x10xf32>
    %sub3A_127 = arith.subf %add3A_123, %sub3A_126 : vector<64x10xf32>
    %exp3A = math.exp %sub3A_127 : vector<64x10xf32>
    %reduce_sum3A_128 = arith.constant dense<0.000000e+00> : vector<64xf32>
    %reduce_sum3A_129 = vector.multi_reduction <add>, %exp3A, %reduce_sum3A_128 [1] : vector<64x10xf32> to vector<64xf32>
    %broadcast_in_dim3A_130 = vector.shape_cast %reduce_sum3A_129 : vector<64xf32> to vector<64x1xf32>
    %log3A = math.log %broadcast_in_dim3A_130 : vector<64x1xf32>
    %add3A_131 = arith.addf %broadcast_in_dim3A_125, %log3A : vector<64x1xf32>
    %sub3A_132 = vector.broadcast %add3A_131 : vector<64x1xf32> to vector<64x10xf32>
    %sub3A_133 = arith.subf %add3A_123, %sub3A_132 : vector<64x10xf32>
    %swap3A = arith.constant 0 : index
    %swap3A_134 = arith.constant 0 : index
    %swap3A_135 = vector.load %arg11[%swap3A, %swap3A_134] : memref<64x10xf32, #tpu.memory_space<vmem>>, vector<64x10xf32>
    tpu.vector_store %arg11[%swap3A, %swap3A_134], %sub3A_133 {strides = array<i32>} : memref<64x10xf32, #tpu.memory_space<vmem>>, vector<64x10xf32>,
    return
  }
}

</mosaic_0001>

<sc_bundles>
// kernel: kernel.12.cloned.1.call-start
scs
__scs_entry_jumppad:
0x0: {  	(pc) =	sbr.rel $0x88, $3  }
0x1: {  	(tag) =	ssettag $0x0;
	lr =	simm.s32 $0x1  }
0x2: {  	[smem:$0x3F8C] =	sst lr;
	_ =	strace $0xD0000000  }
0x3: {  	_ = 	snop  }
0x4: {  	_ = 	snop  }
0x5: {  	_ = 	snop  }
0x6: {  	_ = 	snop  }
0x7: {  	_ = 	snop  }
__scs_overlays_trampoline_lowered:
0x8: {  	[smem:$0x3F9B] =	sst s0  }
0x9: {  	[smem:$0x3F9C] =	sst s1  }
0xa: {  	[smem:$0x3F9D] =	sst s2  }
0xb: {  	[smem:$0x3F9E] =	sst s3  }
0xc: {  	[smem:$0x3F9F] =	sst s4  }
0xd: {  	[smem:$0x3FA0] =	sst s5  }
0xe: {  	[smem:$0x3FA1] =	sst s6  }
0xf: {  	[smem:$0x3FA2] =	sst s7  }
0x10: {  	[smem:$0x3FA3] =	sst s8  }
0x11: {  	[smem:$0x3FA4] =	sst s9;
	s0 =	simm.s32 @!p0 $0x0  }
0x12: {  	s1 =	sld [smem:$0x3F8A];
	s0 =	simm.s32 @p0 $0x1  }
0x13: {  	[smem:$0x3FA5] =	sst s0;
	s0 =	simm.s32 @!p1 $0x0  }
0x14: {  	s2 =	sld [smem:$0x3F89];
	s0 =	simm.s32 @p1 $0x1  }
0x15: {  	[smem:$0x3FA6] =	sst s0;
	s0 =	simm.s32 @!p2 $0x0  }
0x16: {  	s3 =	sld [smem:$0x3FDB];
	s0 =	simm.s32 @p2 $0x1  }
0x17: {  	s4 =	simm.s32 $0x1BF5;
	[smem:$0x3FA8] =	sst s0  }
0x18: {  	s0 =	sld [smem:$0x3F8B];
	_ =	swait.ge [sflag:s4], $0x0  }
0x19: {  	s7 =	sld [smem:$0x3F8C]  }
0x1a: {  	s8 =	sadd.s32 $0xFFFFE003, lr  }
0x1b: {  	s9 =	sadd.s32 $0xFFFFFEF7, lr;
	s5 =	simm.s32 $0xFFFFFFFF;
	p2 =	slt.u32 s8, $0xFFFFF086  }
0x1c: {  	p1 =	slt.u32 s9, $0xF7A;
	s5 =	simm.s32 @!p2 $0x0  }
0x1d: {  	s5 =	simm.s32 @p1 $0x1;
	p0 =	seq.s32 s7, s2  }
0x1e: {  	s7 =	smul.u32 @!p0 $0xF7A, s2;
	p2 =	seq.s32 @!p0 s5, $0x0  }
0x1f: {  	s9 =	smul.u32 $0xF7A, s1;
	s8 =	simm.s32 @!p0 $0x1BF5;
	p2 =	por !p2, p0  }
0x20: {  	[sflag:s8] =	ssyncset.s32 @!p0 $0xFFFFF086;
	s6 =	sadd.s32 @!p0 s3, s7;
	s7 =	simm.s32 @!p0 $0x108  }
0x21: {  	s3 =	sadd.s32 s3, s9;
	s6 =	sadd.s32 @!p0 $0x88, s6;
	s7 =	simm.s32 @p2 $0x1082  }
0x22: {  	[simem:s7], [sflag:s8] =	dma.local @!p0 [hbm:s6], $0xF7A  }
0x23: {  	s9 =	sor.u32 $0xD0000000, s2;
	s6 =	simm.s32 $0x108;
	_ =	swait.ge @!p0 [sflag:s8], $0x0  }
0x24: {  	s3 =	sadd.s32 $0x88, s3;
	s6 =	simm.s32 @!p1 $0x1082;
	[sflag:s4] =	ssyncset.s32 $0xFFFFF086  }
0x25: {  	[simem:s6], [sflag:s4] =	dma.local [hbm:s3], $0xF7A  }
0x26: {  	[smem:$0x3F8C] =	sst s1;
	(tag) =	ssettag s2;
	_ =	strace s9  }
0x27: {  	s1 =	sld [smem:$0x3F9C]  }
0x28: {  	s2 =	sld [smem:$0x3F9D]  }
0x29: {  	s4 =	sld [smem:$0x3F9F]  }
0x2a: {  	p0 =	seq.s32 s5, $0x0;
	s5 =	sld [smem:$0x3FA0]  }
0x2b: {  	s6 =	sld [smem:$0x3FA1]  }
0x2c: {  	s7 =	sld [smem:$0x3FA2]  }
0x2d: {  	s3 =	simm.s32 $0x108;
	s8 =	sld [smem:$0x3FA3]  }
0x2e: {  	s3 =	simm.s32 @!p0 $0x1082;
	s9 =	sld [smem:$0x3FA4]  }
0x2f: {  	lr =	sadd.s32 s0, s3;
	s0 =	sld [smem:$0x3F9B]  }
0x30: {  	s3 =	sld [smem:$0x3F9E]  }
0x31: {  	[smem:$0x3FA7] =	sst s10  }
0x32: {  	s10 =	sld [smem:$0x3FA5];
	_ =	sdelay $0x3  }
0x33: {  	p0 =	seq.s32 s10, $0x1;
	s10 =	sld [smem:$0x3FA7];
	_ =	sdelay $0x3  }
0x34: {  	[smem:$0x3FA7] =	sst s10  }
0x35: {  	s10 =	sld [smem:$0x3FA6];
	_ =	sdelay $0x3  }
0x36: {  	p1 =	seq.s32 s10, $0x1;
	s10 =	sld [smem:$0x3FA7];
	_ =	sdelay $0x3  }
0x37: {  	[smem:$0x3FA7] =	sst s10  }
0x38: {  	s10 =	sld [smem:$0x3FA8]  }
0x39: {  	_ = 	snop;
	(pc) =	sbr.ind lr, $3  }
0x3a: {  	_ = 	snop  }
0x3b: {  	_ = 	snop  }
0x3c: {  	p2 =	seq.s32 s10, $0x1;
	s10 =	sld [smem:$0x3FA7]  }
0x3d: {  	_ =	shalt  }
0x3e: {  	_ =	shalt  }
0x3f: {  	_ =	shalt  }
0x40: {  	_ =	shalt  }
0x41: {  	_ =	shalt  }
0x42: {  	_ =	shalt  }
0x43: {  	_ =	shalt  }
0x44: {  	_ =	shalt  }
0x45: {  	_ =	shalt  }
0x46: {  	_ =	shalt  }
0x47: {  	_ =	shalt  }
0x48: {  	_ =	shalt  }
0x49: {  	_ =	shalt  }
0x4a: {  	_ =	shalt  }
0x4b: {  	_ =	shalt  }
0x4c: {  	_ =	shalt  }
0x4d: {  	_ =	shalt  }
0x4e: {  	_ =	shalt  }
0x4f: {  	_ =	shalt  }
0x50: {  	_ =	shalt  }
0x51: {  	_ =	shalt  }
0x52: {  	_ =	shalt  }
0x53: {  	_ =	shalt  }
0x54: {  	_ =	shalt  }
0x55: {  	_ =	shalt  }
0x56: {  	_ =	shalt  }
0x57: {  	_ =	shalt  }
0x58: {  	_ =	shalt  }
0x59: {  	_ =	shalt  }
0x5a: {  	_ =	shalt  }
0x5b: {  	_ =	shalt  }
0x5c: {  	_ =	shalt  }
0x5d: {  	_ =	shalt  }
0x5e: {  	_ =	shalt  }
0x5f: {  	_ =	shalt  }
0x60: {  	_ =	shalt  }
0x61: {  	_ =	shalt  }
0x62: {  	_ =	shalt  }
0x63: {  	_ =	shalt  }
0x64: {  	_ =	shalt  }
0x65: {  	_ =	shalt  }
0x66: {  	_ =	shalt  }
0x67: {  	_ =	shalt  }
0x68: {  	_ =	shalt  }
0x69: {  	_ =	shalt  }
0x6a: {  	_ =	shalt  }
0x6b: {  	_ =	shalt  }
0x6c: {  	_ =	shalt  }
0x6d: {  	_ =	shalt  }
0x6e: {  	_ =	shalt  }
0x6f: {  	_ =	shalt  }
0x70: {  	_ =	shalt  }
0x71: {  	_ =	shalt  }
0x72: {  	_ =	shalt  }
0x73: {  	_ =	shalt  }
0x74: {  	_ =	shalt  }
0x75: {  	_ =	shalt  }
0x76: {  	_ =	shalt  }
0x77: {  	_ =	shalt  }
0x78: {  	_ =	shalt  }
0x79: {  	_ =	shalt  }
0x7a: {  	_ =	shalt  }
0x7b: {  	_ =	shalt  }
0x7c: {  	_ =	shalt  }
0x7d: {  	_ =	shalt  }
0x7e: {  	_ =	shalt  }
0x7f: {  	_ =	shalt  }
0x80: {  	_ =	shalt  }
0x81: {  	_ =	shalt  }
0x82: {  	_ =	shalt  }
0x83: {  	_ =	shalt  }
0x84: {  	_ =	shalt  }
0x85: {  	_ =	shalt  }
0x86: {  	_ =	shalt  }
0x87: {  	_ =	shalt  }
.Lfunc_end0:
.L_simem_size_0:
called_computation.1_lowered:
.L_overlay_start_0:
0x88: {  	s2 =	sld [smem:$0x3FD9]  }
0x89: {  	s3 =	sld [smem:$0x3FFE];
	_ =	sdelay $0x1  }
0x8a: {  	s1 =	srdreg.scid  }
0x8b: {  	s0 =	sand.u32 $0x1, s1  }
0x8c: {  	s16 =	sshll.u32 s0, $0xA;
	s2 =	sadd.s32 s3, s2  }
0x8d: {  	s2 =	sadd.s32 s2, s16  }
0x8e: {  	[smem:$0x3FB3] =	sst s2  }
0x8f: {  	_ = 	snop  }
0x90: {  	(tm) =	ssettm $0x1  }
0x91: {  	s17 =	sld [smem:$0x3FFB];
	_ =	sdelay $0x3  }
0x92: {  	_ =	strace s17  }
0x93: {  	s2 =	sld [smem:$0x3FFC];
	_ =	sdelay $0x3  }
0x94: {  	_ =	strace s2  }
0x95: {  	s2 =	sld [smem:$0x3FFD];
	_ =	sdelay $0x3  }
0x96: {  	_ =	strace s2  }
0x97: {  	_ =	strace $0x8FFFFFFF  }
0x98: {  	s18 =	sld [smem:$0x3FDB];
	_ =	sdelay $0x1  }
0x99: {  	s19 =	simm.s32 $_scs_section_size  }
0x9a: {  	s4 =	simm.s32 $_size__tile_overlayer_lowered;
	s5 =	simm.s32 $_tile_overlayer_lowered  }
0x9b: {  	s22 =	simm.s32 $0x1BFF;
	s21 =	sshll.u32 s5, $0x1;
	s2 =	sadd.s32 s19, s18  }
0x9c: {  	s6 =	simm.s32 $0x0;
	s20 =	sshll.u32 s4, $0x1;
	s4 =	sadd.s32 s21, s2  }
0x9d: {  	[timem:s6], [sflag:s22] =	dma.local [hbm:s4], s20  }
0x9e: {  	_ =	swait.ge [sflag:s22], s20  }
0x9f: {  	s3 =	ssub.s32 $0x0, s20;
	[sflag:s22] =	ssyncset.done $0x0  }
0xa0: {  	[sflag:s22] =	ssyncadd.s32 s3;
	_ =	sdelay $0x1  }
0xa1: {  	s23 =	simm.s32 $0x1B8B  }
0xa2: {  	_ =	swait.ge [sflag:s23], $0x1  }
0xa3: {  	[sflag:s23] =	ssyncset.done $0x0  }
0xa4: {  	s25 =	simm.s32 $0x1B8E;
	s24 =	sld [smem:$0x3FFE];
	[sflag:s23] =	ssyncadd.s32 $0xFFFFFFFF  }
0xa5: {  	s26 =	simm.s32 $execute0_lowered;
	[smem:$0x3FD2] =	sst s25  }
0xa6: {  	s4 =	sshll.u32 s26, $0x1;
	_ =	strace $0x80000049;
	[dreg:$0x1] =	wrdreg $0xFFFFFFFF  }
0xa7: {  	s28 =	simm.s32 $_size_execute0_lowered;
	s2 =	sadd.s32 s2, s4;
	[dreg:$0x0] =	wrdreg $0x0  }
0xa8: {  	s4 =	sshll.u32 s28, $0x1;
	[dreg:$0x2] =	wrdreg s2  }
0xa9: {  	[dreg:$0x3] =	wrdreg s4  }
0xaa: {  	[dreg:$0x4] =	wrdreg $0xC0  }
0xab: {  	_ =	task [dreg:s6], $0x5FFFF  }
0xac: {  	[dreg:$0x1] =	wrdreg $0xFFFFFFFF  }
0xad: {  	[dreg:$0x0] =	wrdreg $0x60  }
0xae: {  	[dreg:$0x2] =	wrdreg s24  }
0xaf: {  	[dreg:$0x3] =	wrdreg $0xA8000  }
0xb0: {  	[dreg:$0x4] =	wrdreg $0x9  }
0xb1: {  	_ =	task.clear_ibuf [dreg:s6], $0x5FFFF;
	_ =	strace $0x90000049  }
0xb2: {  	s29 =	simm.s32 $0x9;
	_ =	strace $0x8000004B  }
0xb3: {  	_ =	swait.ge [sflag:s29], $0x1  }
0xb4: {  	[sflag:s29] =	ssyncadd.s32 $0xFFFFFFFF  }
0xb5: {  	_ =	strace $0x9000004B  }
0xb6: {  	_ =	sfence  }
0xb7: {  	s30 =	sld [smem:$0x0];
	_ =	sdelay $0x2  }
0xb8: {  	s31 =	sshll.u32 s1, $0xD;
	s1 =	sshrl.u32 s1, $0x2  }
0xb9: {  	s3 =	sand.u32 $0x4000, s31;
	s1 =	sadd.s32 s1, s30  }
0xba: {  	s0 =	sor.u32 s3, s0;
	s1 =	sshll.u32 s1, $0x11  }
0xbb: {  	s0 =	sor.u32 s1, s0  }
0xbc: {  	s0 =	sadd.s32 $0x8F2B, s0  }
0xbd: {  	[sflag:s0] =	ssyncadd.remote.s32 $0x1  }
0xbe: {  	_ =	sfence.sel $0xFFFF  }
0xbf: {  	[dreg:$0x0] =	wrdreg $0xFFFFFFFF;
	(pc) =	sbr.abs _section_cstart, $3  }
0xc0: {  	[dreg:$0x1] =	wrdreg $0xFFFFFFFF  }
0xc1: {  	_ =	task.clear_ibuf [dreg:s6], $0x2FFFF;
	_ =	strace $0x9FFFFFFF  }
0xc2: {  	(tm) =	ssettm $0x7FFFFFFF  }
0xc3: {  	_ =	shalt  }
tec
execute0_lowered:
.L_overlay_start_1:
0x0: {  	(tag) =	ssettag $0x1  }
0x1: {  	s0 =	rddreg [dreg:$0x0]  }
0x2: {  	s1 =	rddreg [dreg:$0x1]  }
0x3: {  	s2 =	simm.s32 $0x0;
	s3 =	srdreg.scid;
	s10 =	stileid.u32  }
0x4: {  	s16 =	simm.s32 $0x2800;
	s17 =	simm.s32 $0x5;
	s18 =	simm.s32 $0x1400  }
0x5: {  	s19 =	simm.s32 $0x80;
	s20 =	simm.s32 $0x1;
	s21 =	simm.s32 $0x6800  }
0x6: {  	s28 =	simm.s32 $0x2700;
	s29 =	simm.s32 $0x1380;
	s30 =	simm.s32 $0x2780  }
0x7: {  	s31 =	simm.s32 $0x0;
	[smem:$0x7FF] =	sst s2;
	s3 =	sand.u32 $0x1, s3  }
0x8: {  	s4 =	sadd.s32 $0x23000, s0;
	s8 =	sadd.s32 $0x19000, s0;
	s6 =	smul.u32 $0x2800, s10  }
0x9: {  	s9 =	sadd.s32 $0xE600, s0;
	s5 =	smul.u32 $0x28000, s3;
	s7 =	sshll.u32 s3, $0x4  }
0xa: {  	s3 =	ssub.s32 $0x2, s3;
	s7 =	sor.u32 s10, s7;
	s10 =	smul.u32 $0x50000, s10  }
0xb: {  	_ =	strace $0x8000004A;
	s23 =	sshrl.u32 s3, $0x1;
	s22 =	smul.u32 $0x2800, s7  }
0xc: {  	s5 =	sadd.s32 s6, s5;
	s7 =	smul.u32 $0x500, s7;
	s3 =	ssub.s32 s3, s23  }
0xd: {  	s23 =	simm.s32 $0x1480;
	s0 =	sadd.s32 s5, s0;
	s24 =	sshrl.u32 s10, $0x2  }
0xe: {  	s11 =	smax.u32 s3, $0x1;
	s25 =	sshrl.u32 s22, $0x3;
	s5 =	sadd.s32 s24, s1  }
0xf: {  	s26 =	sadd.s32 s8, s7;
	s7 =	sadd.s32 s9, s7;
	s22 =	simm.s32 $0x2  }
0x10: {  	s24 =	simm.s32 $0x3;
	[dreg:$0x3] =	wrdreg s26;
	s10 =	sadd.s32 $0x280, s25  }
0x11: {  	s12 =	sadd.s32 $0x4000, s5;
	s13 =	sadd.s32 $0x8000, s5;
	s14 =	sadd.s32 $0xC000, s5  }
0x12: {  	s15 =	sadd.s32 $0x10000, s5;
	s25 =	simm.s32 $0x100;
	s26 =	simm.s32 $0x4  }
0x13: {  	v0 =	vimm.f32 $0.0e+00;
	s8 =	sadd.s32 s8, s10;
	s9 =	sadd.s32 s9, s10;
	s10 =	sadd.s32 $0x4B000, s0  }
.LBB2_1:
0x14: {  	s0 =	simm.s32 $0x0;
	s3 =	simm.s32 $0x200  }
.LBB2_2:
0x15: {  	p0 =	sne.s32 s3, $0xFE00;
	[tilespmem:s0+$0x2870] =	vst v0  }
0x16: {  	[tilespmem:s0+$0x2800] =	vst v0  }
0x17: {  	[tilespmem:s0+$0x2810] =	vst v0  }
.Ltmp0:
0x18: {  	[tilespmem:s0+$0x2820] =	vst v0;
	(pc) =	sbr.rel @p0 .LBB2_2-.Ltmp0, $4  }
0x19: {  	[tilespmem:s0+$0x2830] =	vst v0  }
0x1a: {  	[tilespmem:s0+$0x2840] =	vst v0  }
0x1b: {  	[tilespmem:s0+$0x2850] =	vst v0  }
0x1c: {  	[tilespmem:s0+$0x2860] =	vst v0;
	s0 =	sshra.s32 s3, $0x2;
	s3 =	sadd.s32 $0x200, s3  }
0x1d: {  	[tilespmem:s0+$0x2870] =	vst v0  }
0x1e: {  	[tilespmem:s0+$0x2800] =	vst v0  }
0x1f: {  	[tilespmem:s0+$0x2810] =	vst v0  }
0x20: {  	[tilespmem:s0+$0x2820] =	vst v0  }
0x21: {  	[tilespmem:s0+$0x2830] =	vst v0  }
0x22: {  	[tilespmem:s0+$0x2840] =	vst v0  }
0x23: {  	[tilespmem:s0+$0x2850] =	vst v0  }
0x24: {  	[tilespmem:s0+$0x2860] =	vst v0  }
0x25: {  	[spmem:s5] =	stream.linear.scatter [tilespmem:s16], [sflag:$0x5], $0x4000, $0x38;
	[tilespmem:$0x1E800] =	vst v63  }
0x26: {  	_ =	swait.ge [sflag:s17], $0x4000  }
0x27: {  	[sflag:s17] =	ssyncset.done $0x0  }
0x28: {  	[sflag:s17] =	ssyncadd.s32 $0xFFFFC000  }
0x29: {  	[spmem:s12] =	stream.linear.scatter [tilespmem:s16], [sflag:$0x5], $0x4000, $0x38;
	[tilespmem:$0x1E800] =	vst v63  }
0x2a: {  	_ =	swait.ge [sflag:s17], $0x4000  }
0x2b: {  	[sflag:s17] =	ssyncset.done $0x0  }
0x2c: {  	[sflag:s17] =	ssyncadd.s32 $0xFFFFC000  }
0x2d: {  	[spmem:s13] =	stream.linear.scatter [tilespmem:s16], [sflag:$0x5], $0x4000, $0x38;
	[tilespmem:$0x1E800] =	vst v63  }
0x2e: {  	_ =	swait.ge [sflag:s17], $0x4000  }
0x2f: {  	[sflag:s17] =	ssyncset.done $0x0  }
0x30: {  	[sflag:s17] =	ssyncadd.s32 $0xFFFFC000  }
0x31: {  	[spmem:s14] =	stream.linear.scatter [tilespmem:s16], [sflag:$0x5], $0x4000, $0x38;
	[tilespmem:$0x1E800] =	vst v63  }
0x32: {  	_ =	swait.ge [sflag:s17], $0x4000  }
0x33: {  	[sflag:s17] =	ssyncset.done $0x0  }
0x34: {  	[sflag:s17] =	ssyncadd.s32 $0xFFFFC000  }
0x35: {  	[spmem:s15] =	stream.linear.scatter [tilespmem:s16], [sflag:$0x5], $0x4000, $0x38;
	[tilespmem:$0x1E800] =	vst v63  }
0x36: {  	_ =	swait.ge [sflag:s17], $0x4000  }
0x37: {  	[sflag:s17] =	ssyncset.done $0x0  }
0x38: {  	[sflag:s17] =	ssyncadd.s32 $0xFFFFC000  }
0x39: {  	[bflag:$0x0] =	sbarrier.arrive $0xFFFF  }
0x3a: {  	s3 =	rddreg [dreg:$0x3]  }
0x3b: {  	[tilespmem:s2], [sflag:$0x5] =	stream.linear.gather [hbm4b:s3+s2], $0x1400, $0x38;
	[tilespmem:$0x1E800] =	vst v63  }
0x3c: {  	_ =	swait.ge [sflag:s17], $0x1400  }
0x3d: {  	[sflag:s17] =	ssyncset.done $0x0  }
0x3e: {  	[sflag:s17] =	ssyncadd.s32 $0xFFFFEC00  }
0x3f: {  	[tilespmem:s18], [sflag:$0x5] =	stream.linear.gather [hbm4b:s7+s2], $0x1400, $0x38;
	[tilespmem:$0x1E800] =	vst v63  }
0x40: {  	_ =	swait.ge [sflag:s17], $0x1400  }
0x41: {  	[sflag:s17] =	ssyncset.done $0x0  }
0x42: {  	[sflag:s17] =	ssyncadd.s32 $0xFFFFEC00  }
0x43: {  	[tilespmem:s16], [sflag:$0x1] =	stream.indirect.gather [hbm4b:s4+s19], $0x80, s2, s19, $0xb8;
	[tilespmem:$0x1E800] =	vst v63  }
0x44: {  	_ =	swait.ge [sflag:s20], $0x4000  }
0x45: {  	[sflag:s20] =	ssyncset.done $0x0  }
0x46: {  	[sflag:s20] =	ssyncadd.s32 $0xFFFFC000  }
0x47: {  	[spmem:s1] =	stream.indirect.scatter.add.f32 [tilespmem:s16], [sflag:$0x3], $0x80, s18, s19, $0xb8;
	[tilespmem:$0x1E800] =	vst v63  }
0x48: {  	_ = 	snop  }
0x49: {  	[tilespmem:s21], [sflag:$0x2] =	stream.indirect.gather [hbm4b:s4+s19], $0x80, s19, s19, $0xb8;
	[tilespmem:$0x1E800] =	vst v63  }
0x4a: {  	_ =	swait.ge [sflag:s22], $0x4000  }
0x4b: {  	[sflag:s22] =	ssyncset.done $0x0  }
0x4c: {  	[sflag:s22] =	ssyncadd.s32 $0xFFFFC000  }
0x4d: {  	[spmem:s1] =	stream.indirect.scatter.add.f32 [tilespmem:s21], [sflag:$0x4], $0x80, s23, s19, $0xb8;
	[tilespmem:$0x1E800] =	vst v63  }
0x4e: {  	_ =	swait.ge [sflag:s24], $0x4000  }
0x4f: {  	[sflag:s24] =	ssyncset.done $0x0  }
0x50: {  	[sflag:s24] =	ssyncadd.s32 $0xFFFFC000  }
0x51: {  	[tilespmem:s16], [sflag:$0x1] =	stream.indirect.gather [hbm4b:s4+s19], $0x80, s25, s19, $0xb8;
	[tilespmem:$0x1E800] =	vst v63  }
0x52: {  	_ =	swait.ge [sflag:s20], $0x4000  }
0x53: {  	[sflag:s20] =	ssyncset.done $0x0  }
0x54: {  	s6 =	simm.s32 $0x1500;
	[sflag:s20] =	ssyncadd.s32 $0xFFFFC000  }
0x55: {  	[spmem:s1] =	stream.indirect.scatter.add.f32 [tilespmem:s16], [sflag:$0x3], $0x80, s6, s19, $0xb8;
	[tilespmem:$0x1E800] =	vst v63  }
0x56: {  	_ =	swait.ge [sflag:s26], $0x4000  }
0x57: {  	[sflag:s26] =	ssyncset.done $0x0  }
0x58: {  	s3 =	simm.s32 $0x180;
	[sflag:s26] =	ssyncadd.s32 $0xFFFFC000  }
0x59: {  	[tilespmem:s21], [sflag:$0x2] =	stream.indirect.gather [hbm4b:s4+s19], $0x80, s3, s19, $0xb8;
	[tilespmem:$0x1E800] =	vst v63  }
0x5a: {  	_ =	swait.ge [sflag:s22], $0x4000  }
0x5b: {  	[sflag:s22] =	ssyncset.done $0x0  }
0x5c: {  	s6 =	simm.s32 $0x1580;
	[sflag:s22] =	ssyncadd.s32 $0xFFFFC000  }
0x5d: {  	[spmem:s1] =	stream.indirect.scatter.add.f32 [tilespmem:s21], [sflag:$0x4], $0x80, s6, s19, $0xb8;
	[tilespmem:$0x1E800] =	vst v63  }
0x5e: {  	_ =	swait.ge [sflag:s24], $0x4000  }
0x5f: {  	[sflag:s24] =	ssyncset.done $0x0  }
0x60: {  	s0 =	simm.s32 $0xFFFFBC00;
	s3 =	simm.s32 $0x200;
	[sflag:s24] =	ssyncadd.s32 $0xFFFFC000  }
.LBB2_4:
0x61: {  	[tilespmem:s16], [sflag:$0x1] =	stream.indirect.gather [hbm4b:s4+s19], $0x80, s3, s19, $0xb8;
	[tilespmem:$0x1E800] =	vst v63  }
0x62: {  	s3 =	smov.u32 s0  }
0x63: {  	p0 =	sne.s32 s0, $0xFFFFFC00;
	s0 =	sadd.s32 $0x400, s0;
	_ =	swait.ge [sflag:s20], $0x4000  }
0x64: {  	s3 =	sshra.s32 s3, $0x2;
	[sflag:s20] =	ssyncset.done $0x0  }
0x65: {  	s6 =	sadd.s32 $0x2700, s3;
	[sflag:s20] =	ssyncadd.s32 $0xFFFFC000  }
0x66: {  	[spmem:s1] =	stream.indirect.scatter.add.f32 [tilespmem:s16], [sflag:$0x3], $0x80, s6, s19, $0xb8;
	[tilespmem:$0x1E800] =	vst v63  }
0x67: {  	_ =	swait.ge [sflag:s26], $0x4000  }
0x68: {  	[sflag:s26] =	ssyncset.done $0x0  }
0x69: {  	s6 =	sadd.s32 $0x1380, s3;
	[sflag:s26] =	ssyncadd.s32 $0xFFFFC000  }
0x6a: {  	[tilespmem:s21], [sflag:$0x2] =	stream.indirect.gather [hbm4b:s4+s19], $0x80, s6, s19, $0xb8;
	[tilespmem:$0x1E800] =	vst v63  }
0x6b: {  	_ =	swait.ge [sflag:s22], $0x4000  }
0x6c: {  	[sflag:s22] =	ssyncset.done $0x0  }
.Ltmp1:
0x6d: {  	s6 =	sadd.s32 $0x2780, s3;
	[sflag:s22] =	ssyncadd.s32 $0xFFFFC000;
	(pc) =	sbr.rel @p0 .LBB2_4-.Ltmp1, $4  }
0x6e: {  	[spmem:s1] =	stream.indirect.scatter.add.f32 [tilespmem:s21], [sflag:$0x4], $0x80, s6, s19, $0xb8;
	[tilespmem:$0x1E800] =	vst v63  }
0x6f: {  	_ =	swait.ge [sflag:s24], $0x4000  }
0x70: {  	[sflag:s24] =	ssyncset.done $0x0  }
0x71: {  	s3 =	sadd.s32 $0x1400, s3;
	[sflag:s24] =	ssyncadd.s32 $0xFFFFC000  }
0x72: {  	[tilespmem:s16], [sflag:$0x1] =	stream.indirect.gather [hbm4b:s4+s19], $0x80, s3, s19, $0xb8;
	[tilespmem:$0x1E800] =	vst v63  }
0x73: {  	_ =	swait.ge [sflag:s20], $0x4000  }
0x74: {  	[sflag:s20] =	ssyncset.done $0x0  }
0x75: {  	[sflag:s20] =	ssyncadd.s32 $0xFFFFC000  }
0x76: {  	[spmem:s1] =	stream.indirect.scatter.add.f32 [tilespmem:s16], [sflag:$0x3], $0x80, s28, s19, $0xb8;
	[tilespmem:$0x1E800] =	vst v63  }
0x77: {  	_ =	swait.ge [sflag:s26], $0x4000  }
0x78: {  	[sflag:s26] =	ssyncset.done $0x0  }
0x79: {  	[sflag:s26] =	ssyncadd.s32 $0xFFFFC000  }
0x7a: {  	[tilespmem:s21], [sflag:$0x2] =	stream.indirect.gather [hbm4b:s4+s19], $0x80, s29, s19, $0xb8;
	[tilespmem:$0x1E800] =	vst v63  }
0x7b: {  	_ =	swait.ge [sflag:s22], $0x4000  }
0x7c: {  	[sflag:s22] =	ssyncset.done $0x0  }
0x7d: {  	[sflag:s22] =	ssyncadd.s32 $0xFFFFC000  }
0x7e: {  	[spmem:s1] =	stream.indirect.scatter.add.f32 [tilespmem:s21], [sflag:$0x4], $0x80, s30, s19, $0xb8;
	[tilespmem:$0x1E800] =	vst v63  }
0x7f: {  	_ =	swait.ge [sflag:s24], $0x4000  }
0x80: {  	[sflag:s24] =	ssyncset.done $0x0  }
0x81: {  	[sflag:s24] =	ssyncadd.s32 $0xFFFFC000  }
0x82: {  	[tilespmem:s16], [sflag:$0x1] =	stream.indirect.gather [hbm4b:s4+s19], $0x80, s29, s19, $0xb8;
	[tilespmem:$0x1E800] =	vst v63  }
0x83: {  	_ =	swait.ge [sflag:s26], $0x4000  }
0x84: {  	[sflag:s26] =	ssyncset.done $0x0  }
0x85: {  	[sflag:s26] =	ssyncadd.s32 $0xFFFFC000  }
0x86: {  	_ =	swait.ge [sflag:s20], $0x4000  }
0x87: {  	[sflag:s20] =	ssyncset.done $0x0  }
0x88: {  	[sflag:s20] =	ssyncadd.s32 $0xFFFFC000  }
0x89: {  	[tilespmem:s2], [sflag:$0x5] =	stream.linear.gather [hbm4b:s8+s2], $0x1400, $0x38;
	[tilespmem:$0x1E800] =	vst v63  }
0x8a: {  	_ =	swait.ge [sflag:s17], $0x1400  }
0x8b: {  	[sflag:s17] =	ssyncset.done $0x0  }
0x8c: {  	[sflag:s17] =	ssyncadd.s32 $0xFFFFEC00  }
0x8d: {  	[tilespmem:s18], [sflag:$0x5] =	stream.linear.gather [hbm4b:s9+s2], $0x1400, $0x38;
	[tilespmem:$0x1E800] =	vst v63  }
0x8e: {  	_ =	swait.ge [sflag:s17], $0x1400  }
0x8f: {  	[sflag:s17] =	ssyncset.done $0x0  }
0x90: {  	[sflag:s17] =	ssyncadd.s32 $0xFFFFEC00  }
0x91: {  	[tilespmem:s16], [sflag:$0x1] =	stream.indirect.gather [hbm4b:s4+s19], $0x80, s2, s19, $0xb8;
	[tilespmem:$0x1E800] =	vst v63  }
0x92: {  	_ =	swait.ge [sflag:s20], $0x4000  }
0x93: {  	[sflag:s20] =	ssyncset.done $0x0  }
0x94: {  	[sflag:s20] =	ssyncadd.s32 $0xFFFFC000  }
0x95: {  	[spmem:s1] =	stream.indirect.scatter.add.f32 [tilespmem:s16], [sflag:$0x3], $0x80, s18, s19, $0xb8;
	[tilespmem:$0x1E800] =	vst v63  }
0x96: {  	_ = 	snop  }
0x97: {  	[tilespmem:s21], [sflag:$0x2] =	stream.indirect.gather [hbm4b:s4+s19], $0x80, s19, s19, $0xb8;
	[tilespmem:$0x1E800] =	vst v63  }
0x98: {  	_ =	swait.ge [sflag:s22], $0x4000  }
0x99: {  	[sflag:s22] =	ssyncset.done $0x0  }
0x9a: {  	[sflag:s22] =	ssyncadd.s32 $0xFFFFC000  }
0x9b: {  	[spmem:s1] =	stream.indirect.scatter.add.f32 [tilespmem:s21], [sflag:$0x4], $0x80, s23, s19, $0xb8;
	[tilespmem:$0x1E800] =	vst v63  }
0x9c: {  	_ =	swait.ge [sflag:s24], $0x4000  }
0x9d: {  	[sflag:s24] =	ssyncset.done $0x0  }
0x9e: {  	[sflag:s24] =	ssyncadd.s32 $0xFFFFC000  }
0x9f: {  	[tilespmem:s16], [sflag:$0x1] =	stream.indirect.gather [hbm4b:s4+s19], $0x80, s25, s19, $0xb8;
	[tilespmem:$0x1E800] =	vst v63  }
0xa0: {  	_ =	swait.ge [sflag:s20], $0x4000  }
0xa1: {  	[sflag:s20] =	ssyncset.done $0x0  }
0xa2: {  	s0 =	simm.s32 $0x1500;
	[sflag:s20] =	ssyncadd.s32 $0xFFFFC000  }
0xa3: {  	[spmem:s1] =	stream.indirect.scatter.add.f32 [tilespmem:s16], [sflag:$0x3], $0x80, s0, s19, $0xb8;
	[tilespmem:$0x1E800] =	vst v63  }
0xa4: {  	_ =	swait.ge [sflag:s26], $0x4000  }
0xa5: {  	[sflag:s26] =	ssyncset.done $0x0  }
0xa6: {  	s3 =	simm.s32 $0x180;
	[sflag:s26] =	ssyncadd.s32 $0xFFFFC000  }
0xa7: {  	[tilespmem:s21], [sflag:$0x2] =	stream.indirect.gather [hbm4b:s4+s19], $0x80, s3, s19, $0xb8;
	[tilespmem:$0x1E800] =	vst v63  }
0xa8: {  	_ =	swait.ge [sflag:s22], $0x4000  }
0xa9: {  	[sflag:s22] =	ssyncset.done $0x0  }
0xaa: {  	s6 =	simm.s32 $0x1580;
	[sflag:s22] =	ssyncadd.s32 $0xFFFFC000  }
0xab: {  	[spmem:s1] =	stream.indirect.scatter.add.f32 [tilespmem:s21], [sflag:$0x4], $0x80, s6, s19, $0xb8;
	[tilespmem:$0x1E800] =	vst v63  }
0xac: {  	_ =	swait.ge [sflag:s24], $0x4000  }
0xad: {  	[sflag:s24] =	ssyncset.done $0x0  }
0xae: {  	s0 =	simm.s32 $0xFFFFBC00;
	s3 =	simm.s32 $0x200;
	[sflag:s24] =	ssyncadd.s32 $0xFFFFC000  }
.LBB2_6:
0xaf: {  	[tilespmem:s16], [sflag:$0x1] =	stream.indirect.gather [hbm4b:s4+s19], $0x80, s3, s19, $0xb8;
	[tilespmem:$0x1E800] =	vst v63  }
0xb0: {  	s3 =	smov.u32 s0  }
0xb1: {  	p0 =	sne.s32 s0, $0xFFFFFC00;
	s0 =	sadd.s32 $0x400, s0;
	_ =	swait.ge [sflag:s20], $0x4000  }
0xb2: {  	s3 =	sshra.s32 s3, $0x2;
	[sflag:s20] =	ssyncset.done $0x0  }
0xb3: {  	s6 =	sadd.s32 $0x2700, s3;
	[sflag:s20] =	ssyncadd.s32 $0xFFFFC000  }
0xb4: {  	[spmem:s1] =	stream.indirect.scatter.add.f32 [tilespmem:s16], [sflag:$0x3], $0x80, s6, s19, $0xb8;
	[tilespmem:$0x1E800] =	vst v63  }
0xb5: {  	_ =	swait.ge [sflag:s26], $0x4000  }
0xb6: {  	[sflag:s26] =	ssyncset.done $0x0  }
0xb7: {  	s6 =	sadd.s32 $0x1380, s3;
	[sflag:s26] =	ssyncadd.s32 $0xFFFFC000  }
0xb8: {  	[tilespmem:s21], [sflag:$0x2] =	stream.indirect.gather [hbm4b:s4+s19], $0x80, s6, s19, $0xb8;
	[tilespmem:$0x1E800] =	vst v63  }
0xb9: {  	_ =	swait.ge [sflag:s22], $0x4000  }
0xba: {  	[sflag:s22] =	ssyncset.done $0x0  }
.Ltmp2:
0xbb: {  	s6 =	sadd.s32 $0x2780, s3;
	[sflag:s22] =	ssyncadd.s32 $0xFFFFC000;
	(pc) =	sbr.rel @p0 .LBB2_6-.Ltmp2, $4  }
0xbc: {  	[spmem:s1] =	stream.indirect.scatter.add.f32 [tilespmem:s21], [sflag:$0x4], $0x80, s6, s19, $0xb8;
	[tilespmem:$0x1E800] =	vst v63  }
0xbd: {  	_ =	swait.ge [sflag:s24], $0x4000  }
0xbe: {  	[sflag:s24] =	ssyncset.done $0x0  }
0xbf: {  	s3 =	sadd.s32 $0x1400, s3;
	[sflag:s24] =	ssyncadd.s32 $0xFFFFC000  }
0xc0: {  	[tilespmem:s16], [sflag:$0x1] =	stream.indirect.gather [hbm4b:s4+s19], $0x80, s3, s19, $0xb8;
	[tilespmem:$0x1E800] =	vst v63  }
0xc1: {  	_ =	swait.ge [sflag:s20], $0x4000  }
0xc2: {  	[sflag:s20] =	ssyncset.done $0x0  }
0xc3: {  	[sflag:s20] =	ssyncadd.s32 $0xFFFFC000  }
0xc4: {  	[spmem:s1] =	stream.indirect.scatter.add.f32 [tilespmem:s16], [sflag:$0x3], $0x80, s28, s19, $0xb8;
	[tilespmem:$0x1E800] =	vst v63  }
0xc5: {  	_ =	swait.ge [sflag:s26], $0x4000  }
0xc6: {  	[sflag:s26] =	ssyncset.done $0x0  }
0xc7: {  	[sflag:s26] =	ssyncadd.s32 $0xFFFFC000  }
0xc8: {  	[tilespmem:s21], [sflag:$0x2] =	stream.indirect.gather [hbm4b:s4+s19], $0x80, s29, s19, $0xb8;
	[tilespmem:$0x1E800] =	vst v63  }
0xc9: {  	_ =	swait.ge [sflag:s22], $0x4000  }
0xca: {  	[sflag:s22] =	ssyncset.done $0x0  }
0xcb: {  	[sflag:s22] =	ssyncadd.s32 $0xFFFFC000  }
0xcc: {  	[spmem:s1] =	stream.indirect.scatter.add.f32 [tilespmem:s21], [sflag:$0x4], $0x80, s30, s19, $0xb8;
	[tilespmem:$0x1E800] =	vst v63  }
0xcd: {  	_ =	swait.ge [sflag:s24], $0x4000  }
0xce: {  	[sflag:s24] =	ssyncset.done $0x0  }
0xcf: {  	[sflag:s24] =	ssyncadd.s32 $0xFFFFC000  }
0xd0: {  	[tilespmem:s16], [sflag:$0x1] =	stream.indirect.gather [hbm4b:s4+s19], $0x80, s29, s19, $0xb8;
	[tilespmem:$0x1E800] =	vst v63  }
0xd1: {  	_ =	swait.ge [sflag:s26], $0x4000  }
0xd2: {  	[sflag:s26] =	ssyncset.done $0x0  }
0xd3: {  	[sflag:s26] =	ssyncadd.s32 $0xFFFFC000  }
0xd4: {  	s0 =	stileid.u32;
	_ =	swait.ge [sflag:s20], $0x4000  }
0xd5: {  	s6 =	sshrl.u32 s5, $0x3;
	s31 =	sadd.s32 $0x1, s31;
	[sflag:s20] =	ssyncset.done $0x0  }
0xd6: {  	s0 =	sshll.u32 s0, $0x6;
	p0 =	sne.s32 s31, s11;
	[sflag:s20] =	ssyncadd.s32 $0xFFFFC000  }
.Ltmp3:
0xd7: {  	s0 =	sor.u32 $0x1C05, s0;
	[bflag:$0x0] =	sbarrier.arrive $0xFFFF;
	(pc) =	sbr.rel @p0 .LBB2_1-.Ltmp3, $4  }
0xd8: {  	[hbm:s10], [sflag:s0] =	dma.local [spmem:s6], $0x2800  }
0xd9: {  	_ =	swait.ge [sflag:s17], $0x2800  }
0xda: {  	[sflag:s17] =	ssyncset.done $0x0  }
0xdb: {  	[sflag:s17] =	ssyncadd.s32 $0xFFFFD800  }
0xdc: {  	_ =	sfence.sel $0x180000  }
0xdd: {  	[bflag:$0x0] =	sbarrier.arrive $0xFFFF  }
0xde: {  	_ =	strace $0x9000004A  }
0xdf: {  	s0 =	stileid.u32;
	[bflag:$0x2] =	sbarrier.arrive $0xFFFF  }
0xe0: {  	p0 =	sne.s32 s0, $0x0;
	s0 =	rddreg [dreg:$0x2]  }
0xe1: {  	s0 =	sadd.s32 @!p0 $0x100000, s0  }
0xe2: {  	[sflag:s0] =	ssyncadd.tile.s32 @!p0 $0x1;
	_ =	shalt  }
.Lfunc_end2:
_tile_overlayer_lowered:
.L_overlay_start_2:
0xe3: {  	(tag) =	ssettag $0x2  }
0xe4: {  	s0 =	rddreg [dreg:$0x0];
	s2 =	stileid.u32  }
0xe5: {  	s1 =	rddreg [dreg:$0x1];
	p0 =	sne.s32 s2, $0x0  }
0xe6: {  	s3 =	rddreg [dreg:$0x2];
	[bflag:$0x3] =	sbarrier.arrive $0xFFFF;
	s2 =	simm.s32 @!p0 $0x1C05  }
0xe7: {  	[timem:s3], [sflag:s2] =	dma.local @!p0 [hbm:s0], s1  }
0xe8: {  	s0 =	simm.s32 @!p0 $0x5  }
0xe9: {  	_ =	swait.ge @!p0 [sflag:s0], s1  }
0xea: {  	s1 =	ssub.s32 @!p0 $0x0, s1;
	[sflag:s0] =	ssyncset.done @!p0 $0x0  }
0xeb: {  	[sflag:s0] =	ssyncadd.s32 @!p0 s1  }
0xec: {  	[bflag:$0x3] =	sbarrier.arrive $0xFFFF  }
0xed: {  	_ =	shalt  }

// kernel: kernel.15.cloned.1.call-start
scs
__scs_entry_jumppad:
0x0: {  	(pc) =	sbr.rel $0x88, $3  }
0x1: {  	(tag) =	ssettag $0x0;
	lr =	simm.s32 $0x1  }
0x2: {  	[smem:$0x3F8C] =	sst lr;
	_ =	strace $0xD0000000  }
0x3: {  	_ = 	snop  }
0x4: {  	_ = 	snop  }
0x5: {  	_ = 	snop  }
0x6: {  	_ = 	snop  }
0x7: {  	_ = 	snop  }
__scs_overlays_trampoline_lowered:
0x8: {  	[smem:$0x3F9B] =	sst s0  }
0x9: {  	[smem:$0x3F9C] =	sst s1  }
0xa: {  	[smem:$0x3F9D] =	sst s2  }
0xb: {  	[smem:$0x3F9E] =	sst s3  }
0xc: {  	[smem:$0x3F9F] =	sst s4  }
0xd: {  	[smem:$0x3FA0] =	sst s5  }
0xe: {  	[smem:$0x3FA1] =	sst s6  }
0xf: {  	[smem:$0x3FA2] =	sst s7  }
0x10: {  	[smem:$0x3FA3] =	sst s8  }
0x11: {  	[smem:$0x3FA4] =	sst s9;
	s0 =	simm.s32 @!p0 $0x0  }
0x12: {  	s1 =	sld [smem:$0x3F8A];
	s0 =	simm.s32 @p0 $0x1  }
0x13: {  	[smem:$0x3FA5] =	sst s0;
	s0 =	simm.s32 @!p1 $0x0  }
0x14: {  	s2 =	sld [smem:$0x3F89];
	s0 =	simm.s32 @p1 $0x1  }
0x15: {  	[smem:$0x3FA6] =	sst s0;
	s0 =	simm.s32 @!p2 $0x0  }
0x16: {  	s3 =	sld [smem:$0x3FDB];
	s0 =	simm.s32 @p2 $0x1  }
0x17: {  	s4 =	simm.s32 $0x1BF5;
	[smem:$0x3FA8] =	sst s0  }
0x18: {  	s0 =	sld [smem:$0x3F8B];
	_ =	swait.ge [sflag:s4], $0x0  }
0x19: {  	s7 =	sld [smem:$0x3F8C]  }
0x1a: {  	s8 =	sadd.s32 $0xFFFFE003, lr  }
0x1b: {  	s9 =	sadd.s32 $0xFFFFFEF7, lr;
	s5 =	simm.s32 $0xFFFFFFFF;
	p2 =	slt.u32 s8, $0xFFFFF086  }
0x1c: {  	p1 =	slt.u32 s9, $0xF7A;
	s5 =	simm.s32 @!p2 $0x0  }
0x1d: {  	s5 =	simm.s32 @p1 $0x1;
	p0 =	seq.s32 s7, s2  }
0x1e: {  	s7 =	smul.u32 @!p0 $0xF7A, s2;
	p2 =	seq.s32 @!p0 s5, $0x0  }
0x1f: {  	s9 =	smul.u32 $0xF7A, s1;
	s8 =	simm.s32 @!p0 $0x1BF5;
	p2 =	por !p2, p0  }
0x20: {  	[sflag:s8] =	ssyncset.s32 @!p0 $0xFFFFF086;
	s6 =	sadd.s32 @!p0 s3, s7;
	s7 =	simm.s32 @!p0 $0x108  }
0x21: {  	s3 =	sadd.s32 s3, s9;
	s6 =	sadd.s32 @!p0 $0x88, s6;
	s7 =	simm.s32 @p2 $0x1082  }
0x22: {  	[simem:s7], [sflag:s8] =	dma.local @!p0 [hbm:s6], $0xF7A  }
0x23: {  	s9 =	sor.u32 $0xD0000000, s2;
	s6 =	simm.s32 $0x108;
	_ =	swait.ge @!p0 [sflag:s8], $0x0  }
0x24: {  	s3 =	sadd.s32 $0x88, s3;
	s6 =	simm.s32 @!p1 $0x1082;
	[sflag:s4] =	ssyncset.s32 $0xFFFFF086  }
0x25: {  	[simem:s6], [sflag:s4] =	dma.local [hbm:s3], $0xF7A  }
0x26: {  	[smem:$0x3F8C] =	sst s1;
	(tag) =	ssettag s2;
	_ =	strace s9  }
0x27: {  	s1 =	sld [smem:$0x3F9C]  }
0x28: {  	s2 =	sld [smem:$0x3F9D]  }
0x29: {  	s4 =	sld [smem:$0x3F9F]  }
0x2a: {  	p0 =	seq.s32 s5, $0x0;
	s5 =	sld [smem:$0x3FA0]  }
0x2b: {  	s6 =	sld [smem:$0x3FA1]  }
0x2c: {  	s7 =	sld [smem:$0x3FA2]  }
0x2d: {  	s3 =	simm.s32 $0x108;
	s8 =	sld [smem:$0x3FA3]  }
0x2e: {  	s3 =	simm.s32 @!p0 $0x1082;
	s9 =	sld [smem:$0x3FA4]  }
0x2f: {  	lr =	sadd.s32 s0, s3;
	s0 =	sld [smem:$0x3F9B]  }
0x30: {  	s3 =	sld [smem:$0x3F9E]  }
0x31: {  	[smem:$0x3FA7] =	sst s10  }
0x32: {  	s10 =	sld [smem:$0x3FA5];
	_ =	sdelay $0x3  }
0x33: {  	p0 =	seq.s32 s10, $0x1;
	s10 =	sld [smem:$0x3FA7];
	_ =	sdelay $0x3  }
0x34: {  	[smem:$0x3FA7] =	sst s10  }
0x35: {  	s10 =	sld [smem:$0x3FA6];
	_ =	sdelay $0x3  }
0x36: {  	p1 =	seq.s32 s10, $0x1;
	s10 =	sld [smem:$0x3FA7];
	_ =	sdelay $0x3  }
0x37: {  	[smem:$0x3FA7] =	sst s10  }
0x38: {  	s10 =	sld [smem:$0x3FA8]  }
0x39: {  	_ = 	snop;
	(pc) =	sbr.ind lr, $3  }
0x3a: {  	_ = 	snop  }
0x3b: {  	_ = 	snop  }
0x3c: {  	p2 =	seq.s32 s10, $0x1;
	s10 =	sld [smem:$0x3FA7]  }
0x3d: {  	_ =	shalt  }
0x3e: {  	_ =	shalt  }
0x3f: {  	_ =	shalt  }
0x40: {  	_ =	shalt  }
0x41: {  	_ =	shalt  }
0x42: {  	_ =	shalt  }
0x43: {  	_ =	shalt  }
0x44: {  	_ =	shalt  }
0x45: {  	_ =	shalt  }
0x46: {  	_ =	shalt  }
0x47: {  	_ =	shalt  }
0x48: {  	_ =	shalt  }
0x49: {  	_ =	shalt  }
0x4a: {  	_ =	shalt  }
0x4b: {  	_ =	shalt  }
0x4c: {  	_ =	shalt  }
0x4d: {  	_ =	shalt  }
0x4e: {  	_ =	shalt  }
0x4f: {  	_ =	shalt  }
0x50: {  	_ =	shalt  }
0x51: {  	_ =	shalt  }
0x52: {  	_ =	shalt  }
0x53: {  	_ =	shalt  }
0x54: {  	_ =	shalt  }
0x55: {  	_ =	shalt  }
0x56: {  	_ =	shalt  }
0x57: {  	_ =	shalt  }
0x58: {  	_ =	shalt  }
0x59: {  	_ =	shalt  }
0x5a: {  	_ =	shalt  }
0x5b: {  	_ =	shalt  }
0x5c: {  	_ =	shalt  }
0x5d: {  	_ =	shalt  }
0x5e: {  	_ =	shalt  }
0x5f: {  	_ =	shalt  }
0x60: {  	_ =	shalt  }
0x61: {  	_ =	shalt  }
0x62: {  	_ =	shalt  }
0x63: {  	_ =	shalt  }
0x64: {  	_ =	shalt  }
0x65: {  	_ =	shalt  }
0x66: {  	_ =	shalt  }
0x67: {  	_ =	shalt  }
0x68: {  	_ =	shalt  }
0x69: {  	_ =	shalt  }
0x6a: {  	_ =	shalt  }
0x6b: {  	_ =	shalt  }
0x6c: {  	_ =	shalt  }
0x6d: {  	_ =	shalt  }
0x6e: {  	_ =	shalt  }
0x6f: {  	_ =	shalt  }
0x70: {  	_ =	shalt  }
0x71: {  	_ =	shalt  }
0x72: {  	_ =	shalt  }
0x73: {  	_ =	shalt  }
0x74: {  	_ =	shalt  }
0x75: {  	_ =	shalt  }
0x76: {  	_ =	shalt  }
0x77: {  	_ =	shalt  }
0x78: {  	_ =	shalt  }
0x79: {  	_ =	shalt  }
0x7a: {  	_ =	shalt  }
0x7b: {  	_ =	shalt  }
0x7c: {  	_ =	shalt  }
0x7d: {  	_ =	shalt  }
0x7e: {  	_ =	shalt  }
0x7f: {  	_ =	shalt  }
0x80: {  	_ =	shalt  }
0x81: {  	_ =	shalt  }
0x82: {  	_ =	shalt  }
0x83: {  	_ =	shalt  }
0x84: {  	_ =	shalt  }
0x85: {  	_ =	shalt  }
0x86: {  	_ =	shalt  }
0x87: {  	_ =	shalt  }
.Lfunc_end0:
.L_simem_size_0:
called_computation.2_lowered:
.L_overlay_start_0:
0x88: {  	s2 =	sld [smem:$0x3FD9]  }
0x89: {  	s3 =	sld [smem:$0x3FFE];
	_ =	sdelay $0x1  }
0x8a: {  	s1 =	srdreg.scid  }
0x8b: {  	s0 =	sand.u32 $0x1, s1  }
0x8c: {  	s16 =	sshll.u32 s0, $0xA;
	s2 =	sadd.s32 s3, s2  }
0x8d: {  	s2 =	sadd.s32 s2, s16  }
0x8e: {  	[smem:$0x3FB3] =	sst s2  }
0x8f: {  	_ = 	snop  }
0x90: {  	(tm) =	ssettm $0x1  }
0x91: {  	s17 =	sld [smem:$0x3FFB];
	_ =	sdelay $0x3  }
0x92: {  	_ =	strace s17  }
0x93: {  	s2 =	sld [smem:$0x3FFC];
	_ =	sdelay $0x3  }
0x94: {  	_ =	strace s2  }
0x95: {  	s2 =	sld [smem:$0x3FFD];
	_ =	sdelay $0x3  }
0x96: {  	_ =	strace s2  }
0x97: {  	_ =	strace $0x8FFFFFFF  }
0x98: {  	s18 =	sld [smem:$0x3FDB];
	_ =	sdelay $0x1  }
0x99: {  	s19 =	simm.s32 $_scs_section_size  }
0x9a: {  	s4 =	simm.s32 $_size__tile_overlayer_lowered;
	s5 =	simm.s32 $_tile_overlayer_lowered  }
0x9b: {  	s22 =	simm.s32 $0x1BFF;
	s21 =	sshll.u32 s5, $0x1;
	s2 =	sadd.s32 s19, s18  }
0x9c: {  	s6 =	simm.s32 $0x0;
	s20 =	sshll.u32 s4, $0x1;
	s4 =	sadd.s32 s21, s2  }
0x9d: {  	[timem:s6], [sflag:s22] =	dma.local [hbm:s4], s20  }
0x9e: {  	_ =	swait.ge [sflag:s22], s20  }
0x9f: {  	s3 =	ssub.s32 $0x0, s20;
	[sflag:s22] =	ssyncset.done $0x0  }
0xa0: {  	[sflag:s22] =	ssyncadd.s32 s3;
	_ =	sdelay $0x1  }
0xa1: {  	s23 =	simm.s32 $0x1B8B  }
0xa2: {  	_ =	swait.ge [sflag:s23], $0x1  }
0xa3: {  	[sflag:s23] =	ssyncset.done $0x0  }
0xa4: {  	s25 =	simm.s32 $0x1B8E;
	s24 =	sld [smem:$0x3FFE];
	[sflag:s23] =	ssyncadd.s32 $0xFFFFFFFF  }
0xa5: {  	s26 =	simm.s32 $execute0_lowered;
	[smem:$0x3FD2] =	sst s25  }
0xa6: {  	s4 =	sshll.u32 s26, $0x1;
	_ =	strace $0x8000004C;
	[dreg:$0x1] =	wrdreg $0xFFFFFFFF  }
0xa7: {  	s28 =	simm.s32 $_size_execute0_lowered;
	s2 =	sadd.s32 s2, s4;
	[dreg:$0x0] =	wrdreg $0x0  }
0xa8: {  	s4 =	sshll.u32 s28, $0x1;
	[dreg:$0x2] =	wrdreg s2  }
0xa9: {  	[dreg:$0x3] =	wrdreg s4  }
0xaa: {  	[dreg:$0x4] =	wrdreg $0xC0  }
0xab: {  	_ =	task [dreg:s6], $0x5FFFF  }
0xac: {  	[dreg:$0x1] =	wrdreg $0xFFFFFFFF  }
0xad: {  	[dreg:$0x0] =	wrdreg $0x60  }
0xae: {  	[dreg:$0x2] =	wrdreg s24  }
0xaf: {  	[dreg:$0x3] =	wrdreg $0xA8000  }
0xb0: {  	[dreg:$0x4] =	wrdreg $0x9  }
0xb1: {  	_ =	task.clear_ibuf [dreg:s6], $0x5FFFF;
	_ =	strace $0x9000004C  }
0xb2: {  	s29 =	simm.s32 $0x9;
	_ =	strace $0x8000004E  }
0xb3: {  	_ =	swait.ge [sflag:s29], $0x1  }
0xb4: {  	[sflag:s29] =	ssyncadd.s32 $0xFFFFFFFF  }
0xb5: {  	_ =	strace $0x9000004E  }
0xb6: {  	_ =	sfence  }
0xb7: {  	s30 =	sld [smem:$0x0];
	_ =	sdelay $0x2  }
0xb8: {  	s31 =	sshll.u32 s1, $0xD;
	s1 =	sshrl.u32 s1, $0x2  }
0xb9: {  	s3 =	sand.u32 $0x4000, s31;
	s1 =	sadd.s32 s1, s30  }
0xba: {  	s0 =	sor.u32 s3, s0;
	s1 =	sshll.u32 s1, $0x11  }
0xbb: {  	s0 =	sor.u32 s1, s0  }
0xbc: {  	s0 =	sadd.s32 $0x8F2B, s0  }
0xbd: {  	[sflag:s0] =	ssyncadd.remote.s32 $0x1  }
0xbe: {  	_ =	sfence.sel $0xFFFF  }
0xbf: {  	[dreg:$0x0] =	wrdreg $0xFFFFFFFF;
	(pc) =	sbr.abs _section_cstart, $3  }
0xc0: {  	[dreg:$0x1] =	wrdreg $0xFFFFFFFF  }
0xc1: {  	_ =	task.clear_ibuf [dreg:s6], $0x2FFFF;
	_ =	strace $0x9FFFFFFF  }
0xc2: {  	(tm) =	ssettm $0x7FFFFFFF  }
0xc3: {  	_ =	shalt  }
tec
execute0_lowered:
.L_overlay_start_1:
0x0: {  	(tag) =	ssettag $0x1  }
0x1: {  	s0 =	rddreg [dreg:$0x0]  }
0x2: {  	s1 =	rddreg [dreg:$0x1]  }
0x3: {  	s2 =	simm.s32 $0x0;
	s3 =	srdreg.scid;
	s10 =	stileid.u32  }
0x4: {  	s16 =	simm.s32 $0x2800;
	s17 =	simm.s32 $0x5;
	s18 =	simm.s32 $0x1400  }
0x5: {  	s19 =	simm.s32 $0x80;
	s20 =	simm.s32 $0x1;
	s21 =	simm.s32 $0x6800  }
0x6: {  	s28 =	simm.s32 $0x2700;
	s29 =	simm.s32 $0x1380;
	s30 =	simm.s32 $0x2780  }
0x7: {  	s31 =	simm.s32 $0x0;
	[smem:$0x7FF] =	sst s2;
	s3 =	sand.u32 $0x1, s3  }
0x8: {  	s4 =	sadd.s32 $0x23000, s0;
	s8 =	sadd.s32 $0x19000, s0;
	s6 =	smul.u32 $0x2800, s10  }
0x9: {  	s9 =	sadd.s32 $0xE600, s0;
	s5 =	smul.u32 $0x28000, s3;
	s7 =	sshll.u32 s3, $0x4  }
0xa: {  	s3 =	ssub.s32 $0x2, s3;
	s7 =	sor.u32 s10, s7;
	s10 =	smul.u32 $0x50000, s10  }
0xb: {  	_ =	strace $0x8000004D;
	s23 =	sshrl.u32 s3, $0x1;
	s22 =	smul.u32 $0x2800, s7  }
0xc: {  	s5 =	sadd.s32 s6, s5;
	s7 =	smul.u32 $0x500, s7;
	s3 =	ssub.s32 s3, s23  }
0xd: {  	s23 =	simm.s32 $0x1480;
	s0 =	sadd.s32 s5, s0;
	s24 =	sshrl.u32 s10, $0x2  }
0xe: {  	s11 =	smax.u32 s3, $0x1;
	s25 =	sshrl.u32 s22, $0x3;
	s5 =	sadd.s32 s24, s1  }
0xf: {  	s26 =	sadd.s32 s8, s7;
	s7 =	sadd.s32 s9, s7;
	s22 =	simm.s32 $0x2  }
0x10: {  	s24 =	simm.s32 $0x3;
	[dreg:$0x3] =	wrdreg s26;
	s10 =	sadd.s32 $0x280, s25  }
0x11: {  	s12 =	sadd.s32 $0x4000, s5;
	s13 =	sadd.s32 $0x8000, s5;
	s14 =	sadd.s32 $0xC000, s5  }
0x12: {  	s15 =	sadd.s32 $0x10000, s5;
	s25 =	simm.s32 $0x100;
	s26 =	simm.s32 $0x4  }
0x13: {  	v0 =	vimm.f32 $0.0e+00;
	s8 =	sadd.s32 s8, s10;
	s9 =	sadd.s32 s9, s10;
	s10 =	sadd.s32 $0x4B000, s0  }
.LBB2_1:
0x14: {  	s0 =	simm.s32 $0x0;
	s3 =	simm.s32 $0x200  }
.LBB2_2:
0x15: {  	p0 =	sne.s32 s3, $0xFE00;
	[tilespmem:s0+$0x2870] =	vst v0  }
0x16: {  	[tilespmem:s0+$0x2800] =	vst v0  }
0x17: {  	[tilespmem:s0+$0x2810] =	vst v0  }
.Ltmp0:
0x18: {  	[tilespmem:s0+$0x2820] =	vst v0;
	(pc) =	sbr.rel @p0 .LBB2_2-.Ltmp0, $4  }
0x19: {  	[tilespmem:s0+$0x2830] =	vst v0  }
0x1a: {  	[tilespmem:s0+$0x2840] =	vst v0  }
0x1b: {  	[tilespmem:s0+$0x2850] =	vst v0  }
0x1c: {  	[tilespmem:s0+$0x2860] =	vst v0;
	s0 =	sshra.s32 s3, $0x2;
	s3 =	sadd.s32 $0x200, s3  }
0x1d: {  	[tilespmem:s0+$0x2870] =	vst v0  }
0x1e: {  	[tilespmem:s0+$0x2800] =	vst v0  }
0x1f: {  	[tilespmem:s0+$0x2810] =	vst v0  }
0x20: {  	[tilespmem:s0+$0x2820] =	vst v0  }
0x21: {  	[tilespmem:s0+$0x2830] =	vst v0  }
0x22: {  	[tilespmem:s0+$0x2840] =	vst v0  }
0x23: {  	[tilespmem:s0+$0x2850] =	vst v0  }
0x24: {  	[tilespmem:s0+$0x2860] =	vst v0  }
0x25: {  	[spmem:s5] =	stream.linear.scatter [tilespmem:s16], [sflag:$0x5], $0x4000, $0x38;
	[tilespmem:$0x1E800] =	vst v63  }
0x26: {  	_ =	swait.ge [sflag:s17], $0x4000  }
0x27: {  	[sflag:s17] =	ssyncset.done $0x0  }
0x28: {  	[sflag:s17] =	ssyncadd.s32 $0xFFFFC000  }
0x29: {  	[spmem:s12] =	stream.linear.scatter [tilespmem:s16], [sflag:$0x5], $0x4000, $0x38;
	[tilespmem:$0x1E800] =	vst v63  }
0x2a: {  	_ =	swait.ge [sflag:s17], $0x4000  }
0x2b: {  	[sflag:s17] =	ssyncset.done $0x0  }
0x2c: {  	[sflag:s17] =	ssyncadd.s32 $0xFFFFC000  }
0x2d: {  	[spmem:s13] =	stream.linear.scatter [tilespmem:s16], [sflag:$0x5], $0x4000, $0x38;
	[tilespmem:$0x1E800] =	vst v63  }
0x2e: {  	_ =	swait.ge [sflag:s17], $0x4000  }
0x2f: {  	[sflag:s17] =	ssyncset.done $0x0  }
0x30: {  	[sflag:s17] =	ssyncadd.s32 $0xFFFFC000  }
0x31: {  	[spmem:s14] =	stream.linear.scatter [tilespmem:s16], [sflag:$0x5], $0x4000, $0x38;
	[tilespmem:$0x1E800] =	vst v63  }
0x32: {  	_ =	swait.ge [sflag:s17], $0x4000  }
0x33: {  	[sflag:s17] =	ssyncset.done $0x0  }
0x34: {  	[sflag:s17] =	ssyncadd.s32 $0xFFFFC000  }
0x35: {  	[spmem:s15] =	stream.linear.scatter [tilespmem:s16], [sflag:$0x5], $0x4000, $0x38;
	[tilespmem:$0x1E800] =	vst v63  }
0x36: {  	_ =	swait.ge [sflag:s17], $0x4000  }
0x37: {  	[sflag:s17] =	ssyncset.done $0x0  }
0x38: {  	[sflag:s17] =	ssyncadd.s32 $0xFFFFC000  }
0x39: {  	[bflag:$0x0] =	sbarrier.arrive $0xFFFF  }
0x3a: {  	s3 =	rddreg [dreg:$0x3]  }
0x3b: {  	[tilespmem:s2], [sflag:$0x5] =	stream.linear.gather [hbm4b:s3+s2], $0x1400, $0x38;
	[tilespmem:$0x1E800] =	vst v63  }
0x3c: {  	_ =	swait.ge [sflag:s17], $0x1400  }
0x3d: {  	[sflag:s17] =	ssyncset.done $0x0  }
0x3e: {  	[sflag:s17] =	ssyncadd.s32 $0xFFFFEC00  }
0x3f: {  	[tilespmem:s18], [sflag:$0x5] =	stream.linear.gather [hbm4b:s7+s2], $0x1400, $0x38;
	[tilespmem:$0x1E800] =	vst v63  }
0x40: {  	_ =	swait.ge [sflag:s17], $0x1400  }
0x41: {  	[sflag:s17] =	ssyncset.done $0x0  }
0x42: {  	[sflag:s17] =	ssyncadd.s32 $0xFFFFEC00  }
0x43: {  	[tilespmem:s16], [sflag:$0x1] =	stream.indirect.gather [hbm4b:s4+s19], $0x80, s2, s19, $0xb8;
	[tilespmem:$0x1E800] =	vst v63  }
0x44: {  	_ =	swait.ge [sflag:s20], $0x4000  }
0x45: {  	[sflag:s20] =	ssyncset.done $0x0  }
0x46: {  	[sflag:s20] =	ssyncadd.s32 $0xFFFFC000  }
0x47: {  	[spmem:s1] =	stream.indirect.scatter.add.f32 [tilespmem:s16], [sflag:$0x3], $0x80, s18, s19, $0xb8;
	[tilespmem:$0x1E800] =	vst v63  }
0x48: {  	_ = 	snop  }
0x49: {  	[tilespmem:s21], [sflag:$0x2] =	stream.indirect.gather [hbm4b:s4+s19], $0x80, s19, s19, $0xb8;
	[tilespmem:$0x1E800] =	vst v63  }
0x4a: {  	_ =	swait.ge [sflag:s22], $0x4000  }
0x4b: {  	[sflag:s22] =	ssyncset.done $0x0  }
0x4c: {  	[sflag:s22] =	ssyncadd.s32 $0xFFFFC000  }
0x4d: {  	[spmem:s1] =	stream.indirect.scatter.add.f32 [tilespmem:s21], [sflag:$0x4], $0x80, s23, s19, $0xb8;
	[tilespmem:$0x1E800] =	vst v63  }
0x4e: {  	_ =	swait.ge [sflag:s24], $0x4000  }
0x4f: {  	[sflag:s24] =	ssyncset.done $0x0  }
0x50: {  	[sflag:s24] =	ssyncadd.s32 $0xFFFFC000  }
0x51: {  	[tilespmem:s16], [sflag:$0x1] =	stream.indirect.gather [hbm4b:s4+s19], $0x80, s25, s19, $0xb8;
	[tilespmem:$0x1E800] =	vst v63  }
0x52: {  	_ =	swait.ge [sflag:s20], $0x4000  }
0x53: {  	[sflag:s20] =	ssyncset.done $0x0  }
0x54: {  	s6 =	simm.s32 $0x1500;
	[sflag:s20] =	ssyncadd.s32 $0xFFFFC000  }
0x55: {  	[spmem:s1] =	stream.indirect.scatter.add.f32 [tilespmem:s16], [sflag:$0x3], $0x80, s6, s19, $0xb8;
	[tilespmem:$0x1E800] =	vst v63  }
0x56: {  	_ =	swait.ge [sflag:s26], $0x4000  }
0x57: {  	[sflag:s26] =	ssyncset.done $0x0  }
0x58: {  	s3 =	simm.s32 $0x180;
	[sflag:s26] =	ssyncadd.s32 $0xFFFFC000  }
0x59: {  	[tilespmem:s21], [sflag:$0x2] =	stream.indirect.gather [hbm4b:s4+s19], $0x80, s3, s19, $0xb8;
	[tilespmem:$0x1E800] =	vst v63  }
0x5a: {  	_ =	swait.ge [sflag:s22], $0x4000  }
0x5b: {  	[sflag:s22] =	ssyncset.done $0x0  }
0x5c: {  	s6 =	simm.s32 $0x1580;
	[sflag:s22] =	ssyncadd.s32 $0xFFFFC000  }
0x5d: {  	[spmem:s1] =	stream.indirect.scatter.add.f32 [tilespmem:s21], [sflag:$0x4], $0x80, s6, s19, $0xb8;
	[tilespmem:$0x1E800] =	vst v63  }
0x5e: {  	_ =	swait.ge [sflag:s24], $0x4000  }
0x5f: {  	[sflag:s24] =	ssyncset.done $0x0  }
0x60: {  	s0 =	simm.s32 $0xFFFFBC00;
	s3 =	simm.s32 $0x200;
	[sflag:s24] =	ssyncadd.s32 $0xFFFFC000  }
.LBB2_4:
0x61: {  	[tilespmem:s16], [sflag:$0x1] =	stream.indirect.gather [hbm4b:s4+s19], $0x80, s3, s19, $0xb8;
	[tilespmem:$0x1E800] =	vst v63  }
0x62: {  	s3 =	smov.u32 s0  }
0x63: {  	p0 =	sne.s32 s0, $0xFFFFFC00;
	s0 =	sadd.s32 $0x400, s0;
	_ =	swait.ge [sflag:s20], $0x4000  }
0x64: {  	s3 =	sshra.s32 s3, $0x2;
	[sflag:s20] =	ssyncset.done $0x0  }
0x65: {  	s6 =	sadd.s32 $0x2700, s3;
	[sflag:s20] =	ssyncadd.s32 $0xFFFFC000  }
0x66: {  	[spmem:s1] =	stream.indirect.scatter.add.f32 [tilespmem:s16], [sflag:$0x3], $0x80, s6, s19, $0xb8;
	[tilespmem:$0x1E800] =	vst v63  }
0x67: {  	_ =	swait.ge [sflag:s26], $0x4000  }
0x68: {  	[sflag:s26] =	ssyncset.done $0x0  }
0x69: {  	s6 =	sadd.s32 $0x1380, s3;
	[sflag:s26] =	ssyncadd.s32 $0xFFFFC000  }
0x6a: {  	[tilespmem:s21], [sflag:$0x2] =	stream.indirect.gather [hbm4b:s4+s19], $0x80, s6, s19, $0xb8;
	[tilespmem:$0x1E800] =	vst v63  }
0x6b: {  	_ =	swait.ge [sflag:s22], $0x4000  }
0x6c: {  	[sflag:s22] =	ssyncset.done $0x0  }
.Ltmp1:
0x6d: {  	s6 =	sadd.s32 $0x2780, s3;
	[sflag:s22] =	ssyncadd.s32 $0xFFFFC000;
	(pc) =	sbr.rel @p0 .LBB2_4-.Ltmp1, $4  }
0x6e: {  	[spmem:s1] =	stream.indirect.scatter.add.f32 [tilespmem:s21], [sflag:$0x4], $0x80, s6, s19, $0xb8;
	[tilespmem:$0x1E800] =	vst v63  }
0x6f: {  	_ =	swait.ge [sflag:s24], $0x4000  }
0x70: {  	[sflag:s24] =	ssyncset.done $0x0  }
0x71: {  	s3 =	sadd.s32 $0x1400, s3;
	[sflag:s24] =	ssyncadd.s32 $0xFFFFC000  }
0x72: {  	[tilespmem:s16], [sflag:$0x1] =	stream.indirect.gather [hbm4b:s4+s19], $0x80, s3, s19, $0xb8;
	[tilespmem:$0x1E800] =	vst v63  }
0x73: {  	_ =	swait.ge [sflag:s20], $0x4000  }
0x74: {  	[sflag:s20] =	ssyncset.done $0x0  }
0x75: {  	[sflag:s20] =	ssyncadd.s32 $0xFFFFC000  }
0x76: {  	[spmem:s1] =	stream.indirect.scatter.add.f32 [tilespmem:s16], [sflag:$0x3], $0x80, s28, s19, $0xb8;
	[tilespmem:$0x1E800] =	vst v63  }
0x77: {  	_ =	swait.ge [sflag:s26], $0x4000  }
0x78: {  	[sflag:s26] =	ssyncset.done $0x0  }
0x79: {  	[sflag:s26] =	ssyncadd.s32 $0xFFFFC000  }
0x7a: {  	[tilespmem:s21], [sflag:$0x2] =	stream.indirect.gather [hbm4b:s4+s19], $0x80, s29, s19, $0xb8;
	[tilespmem:$0x1E800] =	vst v63  }
0x7b: {  	_ =	swait.ge [sflag:s22], $0x4000  }
0x7c: {  	[sflag:s22] =	ssyncset.done $0x0  }
0x7d: {  	[sflag:s22] =	ssyncadd.s32 $0xFFFFC000  }
0x7e: {  	[spmem:s1] =	stream.indirect.scatter.add.f32 [tilespmem:s21], [sflag:$0x4], $0x80, s30, s19, $0xb8;
	[tilespmem:$0x1E800] =	vst v63  }
0x7f: {  	_ =	swait.ge [sflag:s24], $0x4000  }
0x80: {  	[sflag:s24] =	ssyncset.done $0x0  }
0x81: {  	[sflag:s24] =	ssyncadd.s32 $0xFFFFC000  }
0x82: {  	[tilespmem:s16], [sflag:$0x1] =	stream.indirect.gather [hbm4b:s4+s19], $0x80, s29, s19, $0xb8;
	[tilespmem:$0x1E800] =	vst v63  }
0x83: {  	_ =	swait.ge [sflag:s26], $0x4000  }
0x84: {  	[sflag:s26] =	ssyncset.done $0x0  }
0x85: {  	[sflag:s26] =	ssyncadd.s32 $0xFFFFC000  }
0x86: {  	_ =	swait.ge [sflag:s20], $0x4000  }
0x87: {  	[sflag:s20] =	ssyncset.done $0x0  }
0x88: {  	[sflag:s20] =	ssyncadd.s32 $0xFFFFC000  }
0x89: {  	[tilespmem:s2], [sflag:$0x5] =	stream.linear.gather [hbm4b:s8+s2], $0x1400, $0x38;
	[tilespmem:$0x1E800] =	vst v63  }
0x8a: {  	_ =	swait.ge [sflag:s17], $0x1400  }
0x8b: {  	[sflag:s17] =	ssyncset.done $0x0  }
0x8c: {  	[sflag:s17] =	ssyncadd.s32 $0xFFFFEC00  }
0x8d: {  	[tilespmem:s18], [sflag:$0x5] =	stream.linear.gather [hbm4b:s9+s2], $0x1400, $0x38;
	[tilespmem:$0x1E800] =	vst v63  }
0x8e: {  	_ =	swait.ge [sflag:s17], $0x1400  }
0x8f: {  	[sflag:s17] =	ssyncset.done $0x0  }
0x90: {  	[sflag:s17] =	ssyncadd.s32 $0xFFFFEC00  }
0x91: {  	[tilespmem:s16], [sflag:$0x1] =	stream.indirect.gather [hbm4b:s4+s19], $0x80, s2, s19, $0xb8;
	[tilespmem:$0x1E800] =	vst v63  }
0x92: {  	_ =	swait.ge [sflag:s20], $0x4000  }
0x93: {  	[sflag:s20] =	ssyncset.done $0x0  }
0x94: {  	[sflag:s20] =	ssyncadd.s32 $0xFFFFC000  }
0x95: {  	[spmem:s1] =	stream.indirect.scatter.add.f32 [tilespmem:s16], [sflag:$0x3], $0x80, s18, s19, $0xb8;
	[tilespmem:$0x1E800] =	vst v63  }
0x96: {  	_ = 	snop  }
0x97: {  	[tilespmem:s21], [sflag:$0x2] =	stream.indirect.gather [hbm4b:s4+s19], $0x80, s19, s19, $0xb8;
	[tilespmem:$0x1E800] =	vst v63  }
0x98: {  	_ =	swait.ge [sflag:s22], $0x4000  }
0x99: {  	[sflag:s22] =	ssyncset.done $0x0  }
0x9a: {  	[sflag:s22] =	ssyncadd.s32 $0xFFFFC000  }
0x9b: {  	[spmem:s1] =	stream.indirect.scatter.add.f32 [tilespmem:s21], [sflag:$0x4], $0x80, s23, s19, $0xb8;
	[tilespmem:$0x1E800] =	vst v63  }
0x9c: {  	_ =	swait.ge [sflag:s24], $0x4000  }
0x9d: {  	[sflag:s24] =	ssyncset.done $0x0  }
0x9e: {  	[sflag:s24] =	ssyncadd.s32 $0xFFFFC000  }
0x9f: {  	[tilespmem:s16], [sflag:$0x1] =	stream.indirect.gather [hbm4b:s4+s19], $0x80, s25, s19, $0xb8;
	[tilespmem:$0x1E800] =	vst v63  }
0xa0: {  	_ =	swait.ge [sflag:s20], $0x4000  }
0xa1: {  	[sflag:s20] =	ssyncset.done $0x0  }
0xa2: {  	s0 =	simm.s32 $0x1500;
	[sflag:s20] =	ssyncadd.s32 $0xFFFFC000  }
0xa3: {  	[spmem:s1] =	stream.indirect.scatter.add.f32 [tilespmem:s16], [sflag:$0x3], $0x80, s0, s19, $0xb8;
	[tilespmem:$0x1E800] =	vst v63  }
0xa4: {  	_ =	swait.ge [sflag:s26], $0x4000  }
0xa5: {  	[sflag:s26] =	ssyncset.done $0x0  }
0xa6: {  	s3 =	simm.s32 $0x180;
	[sflag:s26] =	ssyncadd.s32 $0xFFFFC000  }
0xa7: {  	[tilespmem:s21], [sflag:$0x2] =	stream.indirect.gather [hbm4b:s4+s19], $0x80, s3, s19, $0xb8;
	[tilespmem:$0x1E800] =	vst v63  }
0xa8: {  	_ =	swait.ge [sflag:s22], $0x4000  }
0xa9: {  	[sflag:s22] =	ssyncset.done $0x0  }
0xaa: {  	s6 =	simm.s32 $0x1580;
	[sflag:s22] =	ssyncadd.s32 $0xFFFFC000  }
0xab: {  	[spmem:s1] =	stream.indirect.scatter.add.f32 [tilespmem:s21], [sflag:$0x4], $0x80, s6, s19, $0xb8;
	[tilespmem:$0x1E800] =	vst v63  }
0xac: {  	_ =	swait.ge [sflag:s24], $0x4000  }
0xad: {  	[sflag:s24] =	ssyncset.done $0x0  }
0xae: {  	s0 =	simm.s32 $0xFFFFBC00;
	s3 =	simm.s32 $0x200;
	[sflag:s24] =	ssyncadd.s32 $0xFFFFC000  }
.LBB2_6:
0xaf: {  	[tilespmem:s16], [sflag:$0x1] =	stream.indirect.gather [hbm4b:s4+s19], $0x80, s3, s19, $0xb8;
	[tilespmem:$0x1E800] =	vst v63  }
0xb0: {  	s3 =	smov.u32 s0  }
0xb1: {  	p0 =	sne.s32 s0, $0xFFFFFC00;
	s0 =	sadd.s32 $0x400, s0;
	_ =	swait.ge [sflag:s20], $0x4000  }
0xb2: {  	s3 =	sshra.s32 s3, $0x2;
	[sflag:s20] =	ssyncset.done $0x0  }
0xb3: {  	s6 =	sadd.s32 $0x2700, s3;
	[sflag:s20] =	ssyncadd.s32 $0xFFFFC000  }
0xb4: {  	[spmem:s1] =	stream.indirect.scatter.add.f32 [tilespmem:s16], [sflag:$0x3], $0x80, s6, s19, $0xb8;
	[tilespmem:$0x1E800] =	vst v63  }
0xb5: {  	_ =	swait.ge [sflag:s26], $0x4000  }
0xb6: {  	[sflag:s26] =	ssyncset.done $0x0  }
0xb7: {  	s6 =	sadd.s32 $0x1380, s3;
	[sflag:s26] =	ssyncadd.s32 $0xFFFFC000  }
0xb8: {  	[tilespmem:s21], [sflag:$0x2] =	stream.indirect.gather [hbm4b:s4+s19], $0x80, s6, s19, $0xb8;
	[tilespmem:$0x1E800] =	vst v63  }
0xb9: {  	_ =	swait.ge [sflag:s22], $0x4000  }
0xba: {  	[sflag:s22] =	ssyncset.done $0x0  }
.Ltmp2:
0xbb: {  	s6 =	sadd.s32 $0x2780, s3;
	[sflag:s22] =	ssyncadd.s32 $0xFFFFC000;
	(pc) =	sbr.rel @p0 .LBB2_6-.Ltmp2, $4  }
0xbc: {  	[spmem:s1] =	stream.indirect.scatter.add.f32 [tilespmem:s21], [sflag:$0x4], $0x80, s6, s19, $0xb8;
	[tilespmem:$0x1E800] =	vst v63  }
0xbd: {  	_ =	swait.ge [sflag:s24], $0x4000  }
0xbe: {  	[sflag:s24] =	ssyncset.done $0x0  }
0xbf: {  	s3 =	sadd.s32 $0x1400, s3;
	[sflag:s24] =	ssyncadd.s32 $0xFFFFC000  }
0xc0: {  	[tilespmem:s16], [sflag:$0x1] =	stream.indirect.gather [hbm4b:s4+s19], $0x80, s3, s19, $0xb8;
	[tilespmem:$0x1E800] =	vst v63  }
0xc1: {  	_ =	swait.ge [sflag:s20], $0x4000  }
0xc2: {  	[sflag:s20] =	ssyncset.done $0x0  }
0xc3: {  	[sflag:s20] =	ssyncadd.s32 $0xFFFFC000  }
0xc4: {  	[spmem:s1] =	stream.indirect.scatter.add.f32 [tilespmem:s16], [sflag:$0x3], $0x80, s28, s19, $0xb8;
	[tilespmem:$0x1E800] =	vst v63  }
0xc5: {  	_ =	swait.ge [sflag:s26], $0x4000  }
0xc6: {  	[sflag:s26] =	ssyncset.done $0x0  }
0xc7: {  	[sflag:s26] =	ssyncadd.s32 $0xFFFFC000  }
0xc8: {  	[tilespmem:s21], [sflag:$0x2] =	stream.indirect.gather [hbm4b:s4+s19], $0x80, s29, s19, $0xb8;
	[tilespmem:$0x1E800] =	vst v63  }
0xc9: {  	_ =	swait.ge [sflag:s22], $0x4000  }
0xca: {  	[sflag:s22] =	ssyncset.done $0x0  }
0xcb: {  	[sflag:s22] =	ssyncadd.s32 $0xFFFFC000  }
0xcc: {  	[spmem:s1] =	stream.indirect.scatter.add.f32 [tilespmem:s21], [sflag:$0x4], $0x80, s30, s19, $0xb8;
	[tilespmem:$0x1E800] =	vst v63  }
0xcd: {  	_ =	swait.ge [sflag:s24], $0x4000  }
0xce: {  	[sflag:s24] =	ssyncset.done $0x0  }
0xcf: {  	[sflag:s24] =	ssyncadd.s32 $0xFFFFC000  }
0xd0: {  	[tilespmem:s16], [sflag:$0x1] =	stream.indirect.gather [hbm4b:s4+s19], $0x80, s29, s19, $0xb8;
	[tilespmem:$0x1E800] =	vst v63  }
0xd1: {  	_ =	swait.ge [sflag:s26], $0x4000  }
0xd2: {  	[sflag:s26] =	ssyncset.done $0x0  }
0xd3: {  	[sflag:s26] =	ssyncadd.s32 $0xFFFFC000  }
0xd4: {  	s0 =	stileid.u32;
	_ =	swait.ge [sflag:s20], $0x4000  }
0xd5: {  	s6 =	sshrl.u32 s5, $0x3;
	s31 =	sadd.s32 $0x1, s31;
	[sflag:s20] =	ssyncset.done $0x0  }
0xd6: {  	s0 =	sshll.u32 s0, $0x6;
	p0 =	sne.s32 s31, s11;
	[sflag:s20] =	ssyncadd.s32 $0xFFFFC000  }
.Ltmp3:
0xd7: {  	s0 =	sor.u32 $0x1C05, s0;
	[bflag:$0x0] =	sbarrier.arrive $0xFFFF;
	(pc) =	sbr.rel @p0 .LBB2_1-.Ltmp3, $4  }
0xd8: {  	[hbm:s10], [sflag:s0] =	dma.local [spmem:s6], $0x2800  }
0xd9: {  	_ =	swait.ge [sflag:s17], $0x2800  }
0xda: {  	[sflag:s17] =	ssyncset.done $0x0  }
0xdb: {  	[sflag:s17] =	ssyncadd.s32 $0xFFFFD800  }
0xdc: {  	_ =	sfence.sel $0x180000  }
0xdd: {  	[bflag:$0x0] =	sbarrier.arrive $0xFFFF  }
0xde: {  	_ =	strace $0x9000004D  }
0xdf: {  	s0 =	stileid.u32;
	[bflag:$0x2] =	sbarrier.arrive $0xFFFF  }
0xe0: {  	p0 =	sne.s32 s0, $0x0;
	s0 =	rddreg [dreg:$0x2]  }
0xe1: {  	s0 =	sadd.s32 @!p0 $0x100000, s0  }
0xe2: {  	[sflag:s0] =	ssyncadd.tile.s32 @!p0 $0x1;
	_ =	shalt  }
.Lfunc_end2:
_tile_overlayer_lowered:
.L_overlay_start_2:
0xe3: {  	(tag) =	ssettag $0x2  }
0xe4: {  	s0 =	rddreg [dreg:$0x0];
	s2 =	stileid.u32  }
0xe5: {  	s1 =	rddreg [dreg:$0x1];
	p0 =	sne.s32 s2, $0x0  }
0xe6: {  	s3 =	rddreg [dreg:$0x2];
	[bflag:$0x3] =	sbarrier.arrive $0xFFFF;
	s2 =	simm.s32 @!p0 $0x1C05  }
0xe7: {  	[timem:s3], [sflag:s2] =	dma.local @!p0 [hbm:s0], s1  }
0xe8: {  	s0 =	simm.s32 @!p0 $0x5  }
0xe9: {  	_ =	swait.ge @!p0 [sflag:s0], s1  }
0xea: {  	s1 =	ssub.s32 @!p0 $0x0, s1;
	[sflag:s0] =	ssyncset.done @!p0 $0x0  }
0xeb: {  	[sflag:s0] =	ssyncadd.s32 @!p0 s1  }
0xec: {  	[bflag:$0x3] =	sbarrier.arrive $0xFFFF  }
0xed: {  	_ =	shalt  }

// kernel: kernel.9.cloned.1.call-start
scs
__scs_entry_jumppad:
0x0: {  	(pc) =	sbr.rel $0x88, $3  }
0x1: {  	(tag) =	ssettag $0x0;
	lr =	simm.s32 $0x1  }
0x2: {  	[smem:$0x3F8C] =	sst lr;
	_ =	strace $0xD0000000  }
0x3: {  	_ = 	snop  }
0x4: {  	_ = 	snop  }
0x5: {  	_ = 	snop  }
0x6: {  	_ = 	snop  }
0x7: {  	_ = 	snop  }
__scs_overlays_trampoline_lowered:
0x8: {  	[smem:$0x3F9B] =	sst s0  }
0x9: {  	[smem:$0x3F9C] =	sst s1  }
0xa: {  	[smem:$0x3F9D] =	sst s2  }
0xb: {  	[smem:$0x3F9E] =	sst s3  }
0xc: {  	[smem:$0x3F9F] =	sst s4  }
0xd: {  	[smem:$0x3FA0] =	sst s5  }
0xe: {  	[smem:$0x3FA1] =	sst s6  }
0xf: {  	[smem:$0x3FA2] =	sst s7  }
0x10: {  	[smem:$0x3FA3] =	sst s8  }
0x11: {  	[smem:$0x3FA4] =	sst s9;
	s0 =	simm.s32 @!p0 $0x0  }
0x12: {  	s1 =	sld [smem:$0x3F8A];
	s0 =	simm.s32 @p0 $0x1  }
0x13: {  	[smem:$0x3FA5] =	sst s0;
	s0 =	simm.s32 @!p1 $0x0  }
0x14: {  	s2 =	sld [smem:$0x3F89];
	s0 =	simm.s32 @p1 $0x1  }
0x15: {  	[smem:$0x3FA6] =	sst s0;
	s0 =	simm.s32 @!p2 $0x0  }
0x16: {  	s3 =	sld [smem:$0x3FDB];
	s0 =	simm.s32 @p2 $0x1  }
0x17: {  	s4 =	simm.s32 $0x1BF5;
	[smem:$0x3FA8] =	sst s0  }
0x18: {  	s0 =	sld [smem:$0x3F8B];
	_ =	swait.ge [sflag:s4], $0x0  }
0x19: {  	s7 =	sld [smem:$0x3F8C]  }
0x1a: {  	s8 =	sadd.s32 $0xFFFFE003, lr  }
0x1b: {  	s9 =	sadd.s32 $0xFFFFFEF7, lr;
	s5 =	simm.s32 $0xFFFFFFFF;
	p2 =	slt.u32 s8, $0xFFFFF086  }
0x1c: {  	p1 =	slt.u32 s9, $0xF7A;
	s5 =	simm.s32 @!p2 $0x0  }
0x1d: {  	s5 =	simm.s32 @p1 $0x1;
	p0 =	seq.s32 s7, s2  }
0x1e: {  	s7 =	smul.u32 @!p0 $0xF7A, s2;
	p2 =	seq.s32 @!p0 s5, $0x0  }
0x1f: {  	s9 =	smul.u32 $0xF7A, s1;
	s8 =	simm.s32 @!p0 $0x1BF5;
	p2 =	por !p2, p0  }
0x20: {  	[sflag:s8] =	ssyncset.s32 @!p0 $0xFFFFF086;
	s6 =	sadd.s32 @!p0 s3, s7;
	s7 =	simm.s32 @!p0 $0x108  }
0x21: {  	s3 =	sadd.s32 s3, s9;
	s6 =	sadd.s32 @!p0 $0x88, s6;
	s7 =	simm.s32 @p2 $0x1082  }
0x22: {  	[simem:s7], [sflag:s8] =	dma.local @!p0 [hbm:s6], $0xF7A  }
0x23: {  	s9 =	sor.u32 $0xD0000000, s2;
	s6 =	simm.s32 $0x108;
	_ =	swait.ge @!p0 [sflag:s8], $0x0  }
0x24: {  	s3 =	sadd.s32 $0x88, s3;
	s6 =	simm.s32 @!p1 $0x1082;
	[sflag:s4] =	ssyncset.s32 $0xFFFFF086  }
0x25: {  	[simem:s6], [sflag:s4] =	dma.local [hbm:s3], $0xF7A  }
0x26: {  	[smem:$0x3F8C] =	sst s1;
	(tag) =	ssettag s2;
	_ =	strace s9  }
0x27: {  	s1 =	sld [smem:$0x3F9C]  }
0x28: {  	s2 =	sld [smem:$0x3F9D]  }
0x29: {  	s4 =	sld [smem:$0x3F9F]  }
0x2a: {  	p0 =	seq.s32 s5, $0x0;
	s5 =	sld [smem:$0x3FA0]  }
0x2b: {  	s6 =	sld [smem:$0x3FA1]  }
0x2c: {  	s7 =	sld [smem:$0x3FA2]  }
0x2d: {  	s3 =	simm.s32 $0x108;
	s8 =	sld [smem:$0x3FA3]  }
0x2e: {  	s3 =	simm.s32 @!p0 $0x1082;
	s9 =	sld [smem:$0x3FA4]  }
0x2f: {  	lr =	sadd.s32 s0, s3;
	s0 =	sld [smem:$0x3F9B]  }
0x30: {  	s3 =	sld [smem:$0x3F9E]  }
0x31: {  	[smem:$0x3FA7] =	sst s10  }
0x32: {  	s10 =	sld [smem:$0x3FA5];
	_ =	sdelay $0x3  }
0x33: {  	p0 =	seq.s32 s10, $0x1;
	s10 =	sld [smem:$0x3FA7];
	_ =	sdelay $0x3  }
0x34: {  	[smem:$0x3FA7] =	sst s10  }
0x35: {  	s10 =	sld [smem:$0x3FA6];
	_ =	sdelay $0x3  }
0x36: {  	p1 =	seq.s32 s10, $0x1;
	s10 =	sld [smem:$0x3FA7];
	_ =	sdelay $0x3  }
0x37: {  	[smem:$0x3FA7] =	sst s10  }
0x38: {  	s10 =	sld [smem:$0x3FA8]  }
0x39: {  	_ = 	snop;
	(pc) =	sbr.ind lr, $3  }
0x3a: {  	_ = 	snop  }
0x3b: {  	_ = 	snop  }
0x3c: {  	p2 =	seq.s32 s10, $0x1;
	s10 =	sld [smem:$0x3FA7]  }
0x3d: {  	_ =	shalt  }
0x3e: {  	_ =	shalt  }
0x3f: {  	_ =	shalt  }
0x40: {  	_ =	shalt  }
0x41: {  	_ =	shalt  }
0x42: {  	_ =	shalt  }
0x43: {  	_ =	shalt  }
0x44: {  	_ =	shalt  }
0x45: {  	_ =	shalt  }
0x46: {  	_ =	shalt  }
0x47: {  	_ =	shalt  }
0x48: {  	_ =	shalt  }
0x49: {  	_ =	shalt  }
0x4a: {  	_ =	shalt  }
0x4b: {  	_ =	shalt  }
0x4c: {  	_ =	shalt  }
0x4d: {  	_ =	shalt  }
0x4e: {  	_ =	shalt  }
0x4f: {  	_ =	shalt  }
0x50: {  	_ =	shalt  }
0x51: {  	_ =	shalt  }
0x52: {  	_ =	shalt  }
0x53: {  	_ =	shalt  }
0x54: {  	_ =	shalt  }
0x55: {  	_ =	shalt  }
0x56: {  	_ =	shalt  }
0x57: {  	_ =	shalt  }
0x58: {  	_ =	shalt  }
0x59: {  	_ =	shalt  }
0x5a: {  	_ =	shalt  }
0x5b: {  	_ =	shalt  }
0x5c: {  	_ =	shalt  }
0x5d: {  	_ =	shalt  }
0x5e: {  	_ =	shalt  }
0x5f: {  	_ =	shalt  }
0x60: {  	_ =	shalt  }
0x61: {  	_ =	shalt  }
0x62: {  	_ =	shalt  }
0x63: {  	_ =	shalt  }
0x64: {  	_ =	shalt  }
0x65: {  	_ =	shalt  }
0x66: {  	_ =	shalt  }
0x67: {  	_ =	shalt  }
0x68: {  	_ =	shalt  }
0x69: {  	_ =	shalt  }
0x6a: {  	_ =	shalt  }
0x6b: {  	_ =	shalt  }
0x6c: {  	_ =	shalt  }
0x6d: {  	_ =	shalt  }
0x6e: {  	_ =	shalt  }
0x6f: {  	_ =	shalt  }
0x70: {  	_ =	shalt  }
0x71: {  	_ =	shalt  }
0x72: {  	_ =	shalt  }
0x73: {  	_ =	shalt  }
0x74: {  	_ =	shalt  }
0x75: {  	_ =	shalt  }
0x76: {  	_ =	shalt  }
0x77: {  	_ =	shalt  }
0x78: {  	_ =	shalt  }
0x79: {  	_ =	shalt  }
0x7a: {  	_ =	shalt  }
0x7b: {  	_ =	shalt  }
0x7c: {  	_ =	shalt  }
0x7d: {  	_ =	shalt  }
0x7e: {  	_ =	shalt  }
0x7f: {  	_ =	shalt  }
0x80: {  	_ =	shalt  }
0x81: {  	_ =	shalt  }
0x82: {  	_ =	shalt  }
0x83: {  	_ =	shalt  }
0x84: {  	_ =	shalt  }
0x85: {  	_ =	shalt  }
0x86: {  	_ =	shalt  }
0x87: {  	_ =	shalt  }
.Lfunc_end0:
.L_simem_size_0:
called_computation_lowered:
.L_overlay_start_0:
0x88: {  	s2 =	sld [smem:$0x3FD9]  }
0x89: {  	s3 =	sld [smem:$0x3FFE];
	_ =	sdelay $0x1  }
0x8a: {  	s1 =	srdreg.scid  }
0x8b: {  	s0 =	sand.u32 $0x1, s1  }
0x8c: {  	s16 =	sshll.u32 s0, $0xA;
	s2 =	sadd.s32 s3, s2  }
0x8d: {  	s2 =	sadd.s32 s2, s16  }
0x8e: {  	[smem:$0x3FB3] =	sst s2  }
0x8f: {  	_ = 	snop  }
0x90: {  	(tm) =	ssettm $0x1  }
0x91: {  	s17 =	sld [smem:$0x3FFB];
	_ =	sdelay $0x3  }
0x92: {  	_ =	strace s17  }
0x93: {  	s2 =	sld [smem:$0x3FFC];
	_ =	sdelay $0x3  }
0x94: {  	_ =	strace s2  }
0x95: {  	s2 =	sld [smem:$0x3FFD];
	_ =	sdelay $0x3  }
0x96: {  	_ =	strace s2  }
0x97: {  	_ =	strace $0x8FFFFFFF  }
0x98: {  	s18 =	sld [smem:$0x3FDB];
	_ =	sdelay $0x1  }
0x99: {  	s19 =	simm.s32 $_scs_section_size  }
0x9a: {  	s4 =	simm.s32 $_size__tile_overlayer_lowered;
	s5 =	simm.s32 $_tile_overlayer_lowered  }
0x9b: {  	s22 =	simm.s32 $0x1BFF;
	s21 =	sshll.u32 s5, $0x1;
	s2 =	sadd.s32 s19, s18  }
0x9c: {  	s6 =	simm.s32 $0x0;
	s20 =	sshll.u32 s4, $0x1;
	s4 =	sadd.s32 s21, s2  }
0x9d: {  	[timem:s6], [sflag:s22] =	dma.local [hbm:s4], s20  }
0x9e: {  	_ =	swait.ge [sflag:s22], s20  }
0x9f: {  	s3 =	ssub.s32 $0x0, s20;
	[sflag:s22] =	ssyncset.done $0x0  }
0xa0: {  	[sflag:s22] =	ssyncadd.s32 s3;
	_ =	sdelay $0x1  }
0xa1: {  	s23 =	simm.s32 $0x1B8B  }
0xa2: {  	_ =	swait.ge [sflag:s23], $0x1  }
0xa3: {  	[sflag:s23] =	ssyncset.done $0x0  }
0xa4: {  	s25 =	simm.s32 $0x1B8E;
	s24 =	sld [smem:$0x3FFE];
	[sflag:s23] =	ssyncadd.s32 $0xFFFFFFFF  }
0xa5: {  	s26 =	simm.s32 $execute0_lowered;
	[smem:$0x3FD2] =	sst s25  }
0xa6: {  	s4 =	sshll.u32 s26, $0x1;
	_ =	strace $0x80000046;
	[dreg:$0x1] =	wrdreg $0xFFFFFFFF  }
0xa7: {  	s28 =	simm.s32 $_size_execute0_lowered;
	s2 =	sadd.s32 s2, s4;
	[dreg:$0x0] =	wrdreg $0x0  }
0xa8: {  	s4 =	sshll.u32 s28, $0x1;
	[dreg:$0x2] =	wrdreg s2  }
0xa9: {  	[dreg:$0x3] =	wrdreg s4  }
0xaa: {  	[dreg:$0x4] =	wrdreg $0xC0  }
0xab: {  	_ =	task [dreg:s6], $0x5FFFF  }
0xac: {  	[dreg:$0x1] =	wrdreg $0xFFFFFFFF  }
0xad: {  	[dreg:$0x0] =	wrdreg $0x60  }
0xae: {  	[dreg:$0x2] =	wrdreg s24  }
0xaf: {  	[dreg:$0x3] =	wrdreg $0x3800  }
0xb0: {  	[dreg:$0x4] =	wrdreg $0x9  }
0xb1: {  	_ =	task.clear_ibuf [dreg:s6], $0x5FFFF;
	_ =	strace $0x90000046  }
0xb2: {  	s29 =	simm.s32 $0x9;
	_ =	strace $0x80000048  }
0xb3: {  	_ =	swait.ge [sflag:s29], $0x1  }
0xb4: {  	[sflag:s29] =	ssyncadd.s32 $0xFFFFFFFF  }
0xb5: {  	_ =	strace $0x90000048  }
0xb6: {  	_ =	sfence  }
0xb7: {  	s30 =	sld [smem:$0x0];
	_ =	sdelay $0x2  }
0xb8: {  	s31 =	sshll.u32 s1, $0xD;
	s1 =	sshrl.u32 s1, $0x2  }
0xb9: {  	s3 =	sand.u32 $0x4000, s31;
	s1 =	sadd.s32 s1, s30  }
0xba: {  	s0 =	sor.u32 s3, s0;
	s1 =	sshll.u32 s1, $0x11  }
0xbb: {  	s0 =	sor.u32 s1, s0  }
0xbc: {  	s0 =	sadd.s32 $0x8F2B, s0  }
0xbd: {  	[sflag:s0] =	ssyncadd.remote.s32 $0x1  }
0xbe: {  	_ =	sfence.sel $0xFFFF  }
0xbf: {  	[dreg:$0x0] =	wrdreg $0xFFFFFFFF;
	(pc) =	sbr.abs _section_cstart, $3  }
0xc0: {  	[dreg:$0x1] =	wrdreg $0xFFFFFFFF  }
0xc1: {  	_ =	task.clear_ibuf [dreg:s6], $0x2FFFF;
	_ =	strace $0x9FFFFFFF  }
0xc2: {  	(tm) =	ssettm $0x7FFFFFFF  }
0xc3: {  	_ =	shalt  }
tec
execute0_lowered:
.L_overlay_start_1:
0x0: {  	(tag) =	ssettag $0x1  }
0x1: {  	s4 =	rddreg [dreg:$0x0]  }
0x2: {  	s2 =	rddreg [dreg:$0x1];
	s1 =	stileid.u32  }
0x3: {  	s5 =	srdreg.scid;
	s6 =	smul.u32 $0x280, s1  }
0x4: {  	s0 =	rddreg [dreg:$0x2];
	s5 =	sand.u32 $0x1, s5;
	s10 =	smul.u32 $0x500, s1  }
0x5: {  	s3 =	simm.s32 $0x0;
	s13 =	simm.s32 $0x0;
	s7 =	smul.u32 $0x2800, s5  }
0x6: {  	[smem:$0x7FF] =	sst s3;
	s11 =	sshll.u32 s1, $0x6;
	s8 =	smul.u32 $0x5000, s5  }
0x7: {  	_ =	strace $0x80000047;
	s5 =	ssub.s32 $0x2, s5;
	s11 =	sor.u32 $0x1C01, s11  }
0x8: {  	s9 =	sshrl.u32 s5, $0x1;
	s7 =	sadd.s32 s6, s7;
	s8 =	sadd.s32 s8, s4  }
0x9: {  	s9 =	ssub.s32 s5, s9;
	s7 =	sshrl.u32 s7, $0x3;
	s31 =	sadd.s32 s10, s8  }
0xa: {  	s8 =	simm.s32 $0x100;
	s10 =	simm.s32 $0x80;
	s7 =	sadd.s32 s7, s4  }
0xb: {  	s4 =	sadd.s32 s6, s2;
	s6 =	smax.u32 s9, $0x1;
	s9 =	simm.s32 $0x1  }
0xc: {  	v0 =	vimm.f32 $1.000000000e+00;
	v1 =	vimm.f32 $0.0e+00;
	s5 =	sadd.s32 $0x18600, s7;
	s7 =	sadd.s32 $0x4600, s31;
	s12 =	sshrl.u32 s4, $0x3  }
.LBB2_1:
0xd: {  	[tilespmem:$0x80] =	vst v0  }
0xe: {  	[tilespmem:$0x90] =	vst v0  }
0xf: {  	[tilespmem:$0xA0] =	vst v0  }
0x10: {  	[tilespmem:$0xB0] =	vst v0  }
0x11: {  	[tilespmem:$0xC0] =	vst v0  }
0x12: {  	[tilespmem:$0xD0] =	vst v0  }
0x13: {  	[tilespmem:$0xE0] =	vst v0  }
0x14: {  	[tilespmem:$0xF0] =	vst v0  }
0x15: {  	[tilespmem:$0x100] =	vst v1  }
0x16: {  	[tilespmem:$0x110] =	vst v1  }
0x17: {  	[tilespmem:$0x120] =	vst v1  }
0x18: {  	[tilespmem:$0x130] =	vst v1  }
0x19: {  	[tilespmem:$0x140] =	vst v1  }
0x1a: {  	[tilespmem:$0x150] =	vst v1  }
0x1b: {  	[tilespmem:$0x160] =	vst v1  }
0x1c: {  	[tilespmem:$0x170] =	vst v1  }
0x1d: {  	[tilespmem:$0x180] =	vst v1  }
0x1e: {  	[tilespmem:$0x190] =	vst v1  }
0x1f: {  	[tilespmem:$0x1A0] =	vst v1  }
0x20: {  	[tilespmem:$0x1B0] =	vst v1  }
0x21: {  	[tilespmem:$0x1C0] =	vst v1  }
0x22: {  	[tilespmem:$0x1D0] =	vst v1  }
0x23: {  	[tilespmem:$0x1E0] =	vst v1  }
0x24: {  	[tilespmem:$0x1F0] =	vst v1  }
0x25: {  	[tilespmem:$0x200] =	vst v1  }
0x26: {  	[tilespmem:$0x210] =	vst v1  }
0x27: {  	[tilespmem:$0x220] =	vst v1  }
0x28: {  	[tilespmem:$0x230] =	vst v1  }
0x29: {  	[tilespmem:$0x240] =	vst v1  }
0x2a: {  	[tilespmem:$0x250] =	vst v1  }
0x2b: {  	[tilespmem:$0x260] =	vst v1  }
0x2c: {  	[tilespmem:$0x270] =	vst v1  }
0x2d: {  	[tilespmem:$0x280] =	vst v1  }
0x2e: {  	[tilespmem:$0x290] =	vst v1  }
0x2f: {  	[tilespmem:$0x2A0] =	vst v1  }
0x30: {  	[tilespmem:$0x2B0] =	vst v1  }
0x31: {  	[tilespmem:$0x2C0] =	vst v1  }
0x32: {  	[tilespmem:$0x2D0] =	vst v1  }
0x33: {  	[tilespmem:$0x2E0] =	vst v1  }
0x34: {  	[tilespmem:$0x2F0] =	vst v1  }
0x35: {  	[tilespmem:$0x300] =	vst v1  }
0x36: {  	[tilespmem:$0x310] =	vst v1  }
0x37: {  	[tilespmem:$0x320] =	vst v1  }
0x38: {  	[tilespmem:$0x330] =	vst v1  }
0x39: {  	[tilespmem:$0x340] =	vst v1  }
0x3a: {  	[tilespmem:$0x350] =	vst v1  }
0x3b: {  	[tilespmem:$0x360] =	vst v1  }
0x3c: {  	[tilespmem:$0x370] =	vst v1  }
0x3d: {  	[spmem:s4] =	stream.linear.scatter [tilespmem:s8], [sflag:$0x1], $0x280, $0x38;
	[tilespmem:$0x600] =	vst v63  }
0x3e: {  	_ =	swait.ge [sflag:s9], $0x280  }
0x3f: {  	[sflag:s9] =	ssyncset.done $0x0  }
0x40: {  	[sflag:s9] =	ssyncadd.s32 $0xFFFFFD80  }
0x41: {  	s14 =	sadd.s32 $0x0, s7;
	[bflag:$0x0] =	sbarrier.arrive $0xFFFF  }
0x42: {  	[tilespmem:s3], [sflag:$0x1] =	stream.linear.gather [hbm4b:s14+s3], $0x80, $0x38;
	[tilespmem:$0x600] =	vst v63  }
0x43: {  	_ =	swait.ge [sflag:s9], $0x80  }
0x44: {  	[sflag:s9] =	ssyncset.done $0x0  }
0x45: {  	[sflag:s9] =	ssyncadd.s32 $0xFFFFFF80  }
0x46: {  	[spmem:s2] =	stream.indirect.scatter.add.f32 [tilespmem:s10], [sflag:$0x1], $0x1, s3, s10, $0xb8;
	[tilespmem:$0x600] =	vst v63  }
0x47: {  	_ =	swait.ge [sflag:s9], $0x80  }
0x48: {  	s15 =	simm.s32 $0x20;
	s14 =	simm.s32 $0x10;
	[sflag:s9] =	ssyncset.done $0x0  }
.LBB2_2:
0x49: {  	s16 =	sadd.s32 s14, s7  }
0x4a: {  	[sflag:s9] =	ssyncadd.s32 $0xFFFFFF80;
	s14 =	smov.u32 s15;
	s17 =	sadd.s32 $0x10, s15  }
0x4b: {  	[tilespmem:s3], [sflag:$0x1] =	stream.linear.gather [hbm4b:s16+s3], $0x80, $0x38;
	[tilespmem:$0x600] =	vst v63  }
0x4c: {  	p0 =	sne.s32 s15, $0x4F0;
	_ =	swait.ge [sflag:s9], $0x80  }
.Ltmp0:
0x4d: {  	[sflag:s9] =	ssyncset.done $0x0;
	(pc) =	sbr.rel @p0 .LBB2_2-.Ltmp0, $4  }
0x4e: {  	[sflag:s9] =	ssyncadd.s32 $0xFFFFFF80  }
0x4f: {  	[spmem:s2] =	stream.indirect.scatter.add.f32 [tilespmem:s10], [sflag:$0x1], $0x1, s3, s10, $0xb8;
	[tilespmem:$0x600] =	vst v63  }
0x50: {  	_ =	swait.ge [sflag:s9], $0x80  }
0x51: {  	s15 =	smov.u32 s17;
	[sflag:s9] =	ssyncset.done $0x0  }
0x52: {  	s14 =	sadd.s32 s14, s7;
	[sflag:s9] =	ssyncadd.s32 $0xFFFFFF80  }
0x53: {  	[tilespmem:s3], [sflag:$0x1] =	stream.linear.gather [hbm4b:s14+s3], $0x80, $0x38;
	[tilespmem:$0x600] =	vst v63  }
0x54: {  	_ =	swait.ge [sflag:s9], $0x80  }
0x55: {  	[sflag:s9] =	ssyncset.done $0x0  }
0x56: {  	[sflag:s9] =	ssyncadd.s32 $0xFFFFFF80  }
0x57: {  	[spmem:s2] =	stream.indirect.scatter.add.f32 [tilespmem:s10], [sflag:$0x1], $0x1, s3, s10, $0xb8;
	[tilespmem:$0x600] =	vst v63  }
0x58: {  	_ =	swait.ge [sflag:s9], $0x80  }
0x59: {  	s13 =	sadd.s32 $0x1, s13;
	[sflag:s9] =	ssyncset.done $0x0  }
0x5a: {  	p0 =	sne.s32 s13, s6;
	[sflag:s9] =	ssyncadd.s32 $0xFFFFFF80  }
.Ltmp1:
0x5b: {  	[bflag:$0x0] =	sbarrier.arrive $0xFFFF;
	(pc) =	sbr.rel @p0 .LBB2_1-.Ltmp1, $4  }
0x5c: {  	[hbm:s5], [sflag:s11] =	dma.local [spmem:s12], $0x50  }
0x5d: {  	_ =	swait.ge [sflag:s9], $0x50  }
0x5e: {  	[sflag:s9] =	ssyncset.done $0x0  }
0x5f: {  	[sflag:s9] =	ssyncadd.s32 $0xFFFFFFB0  }
0x60: {  	_ =	sfence.sel $0x180000  }
0x61: {  	[bflag:$0x0] =	sbarrier.arrive $0xFFFF  }
0x62: {  	p0 =	sne.s32 s1, $0x0;
	_ =	strace $0x90000047  }
0x63: {  	s0 =	sadd.s32 @!p0 $0x100000, s0;
	[bflag:$0x2] =	sbarrier.arrive $0xFFFF  }
0x64: {  	[sflag:s0] =	ssyncadd.tile.s32 @!p0 $0x1;
	_ =	shalt  }
.Lfunc_end2:
_tile_overlayer_lowered:
.L_overlay_start_2:
0x65: {  	(tag) =	ssettag $0x2  }
0x66: {  	s0 =	rddreg [dreg:$0x0];
	s2 =	stileid.u32  }
0x67: {  	s1 =	rddreg [dreg:$0x1];
	p0 =	sne.s32 s2, $0x0  }
0x68: {  	s3 =	rddreg [dreg:$0x2];
	[bflag:$0x3] =	sbarrier.arrive $0xFFFF;
	s2 =	simm.s32 @!p0 $0x1C01  }
0x69: {  	[timem:s3], [sflag:s2] =	dma.local @!p0 [hbm:s0], s1  }
0x6a: {  	s0 =	simm.s32 @!p0 $0x1  }
0x6b: {  	_ =	swait.ge @!p0 [sflag:s0], s1  }
0x6c: {  	s1 =	ssub.s32 @!p0 $0x0, s1;
	[sflag:s0] =	ssyncset.done @!p0 $0x0  }
0x6d: {  	[sflag:s0] =	ssyncadd.s32 @!p0 s1  }
0x6e: {  	[bflag:$0x3] =	sbarrier.arrive $0xFFFF  }
0x6f: {  	_ =	shalt  }

</sc_bundles>
